<compile_context>
chip_gen: v7x
topology: tpu7x:2x2x1
jax: 0.10.2.dev20260603
libtpu: 0.0.44.dev20260713+nightly
codegen_flags: <defaults>
</compile_context>

<pallas_src>
import functools

import jax
import jax.numpy as jnp
from jax import lax
from jax.experimental import pallas as pl
from jax.experimental.pallas import tpu as pltpu, tpu_sc as plsc

N_NODES = 10000
N_EDGES = 320000
D = 128
DEPTH = 3

NC = 2
NS = 16
NW = NC * NS
CHUNK = 64
CPT = 160
NCHUNKS_PAD = CPT * NW
NSTAGES = 4
STG = CPT // NSTAGES
N_DUMMY = 64
M_ROWS = N_NODES + N_DUMMY
STRIDE = 624
STRIPE = 640


def _mp_body(h_hbm, src_hbm, dst_hbm, z_hbm, out_hbm,
             src_v, dst_v, rows0, rows1, rows2, rows3,
             m_sh, g0, g1, g2, g3, s0, s1, s2, s3):
    c = lax.axis_index("c")
    s = lax.axis_index("s")
    w = c * NS + s

    pltpu.sync_copy(z_hbm.at[pl.ds(s * STRIDE, STRIPE)],
                    m_sh.at[pl.ds(s * STRIDE, STRIPE)])

    @pl.when(s == 0)
    def _():
        pltpu.sync_copy(z_hbm.at[pl.ds(N_NODES, N_DUMMY)],
                        m_sh.at[pl.ds(N_NODES, N_DUMMY)])

    base = CPT * w

    pltpu.sync_copy(src_hbm.at[pl.ds(base, STG)], src_v)
    pltpu.sync_copy(dst_hbm.at[pl.ds(base, STG)], dst_v)

    plsc.subcore_barrier()

    def start_gather(j, buf, gsem):
        pltpu.async_copy(h_hbm.at[src_v.at[j]], buf, gsem)

    def wait_gather(buf, gsem):
        pltpu.make_async_copy(h_hbm.at[pl.ds(0, CHUNK)], buf, gsem).wait()

    def start_scatter(j, buf, ssem):
        pltpu.async_copy(buf, m_sh.at[dst_v.at[j]], ssem, add=True)

    def wait_scatter(buf, ssem):
        pltpu.make_async_copy(buf, m_sh.at[pl.ds(0, CHUNK)], ssem).wait()

    def stage_body(k, carry):
        @pl.when(k > 0)
        def _():
            pltpu.sync_copy(src_hbm.at[pl.ds(base + STG * k, STG)], src_v)
            pltpu.sync_copy(dst_hbm.at[pl.ds(base + STG * k, STG)], dst_v)

        start_gather(0, rows0, g0)
        start_gather(1, rows1, g1)

        def quad(q, c2):
            j = 4 * q

            @pl.when(q > 0)
            def _():
                wait_scatter(rows2, s2)

            start_gather(j + 2, rows2, g2)
            wait_gather(rows0, g0)
            start_scatter(j, rows0, s0)

            @pl.when(q > 0)
            def _():
                wait_scatter(rows3, s3)

            start_gather(j + 3, rows3, g3)
            wait_gather(rows1, g1)
            start_scatter(j + 1, rows1, s1)

            @pl.when(q < STG // 4 - 1)
            def _():
                wait_scatter(rows0, s0)
                start_gather(j + 4, rows0, g0)

            wait_gather(rows2, g2)
            start_scatter(j + 2, rows2, s2)

            @pl.when(q < STG // 4 - 1)
            def _():
                wait_scatter(rows1, s1)
                start_gather(j + 5, rows1, g1)

            wait_gather(rows3, g3)
            start_scatter(j + 3, rows3, s3)
            return c2

        lax.fori_loop(0, STG // 4, quad, 0)
        wait_scatter(rows0, s0)
        wait_scatter(rows1, s1)
        wait_scatter(rows2, s2)
        wait_scatter(rows3, s3)
        return carry

    lax.fori_loop(0, NSTAGES, stage_body, 0)

    plsc.subcore_barrier()
    pltpu.sync_copy(m_sh.at[pl.ds(s * STRIDE, STRIPE)],
                    out_hbm.at[c, pl.ds(s * STRIDE, STRIPE)])


_message_pass = functools.partial(
    pl.kernel,
    out_type=jax.ShapeDtypeStruct((NC, N_NODES, D), jnp.float32),
    mesh=plsc.VectorSubcoreMesh(core_axis_name="c", subcore_axis_name="s"),
    scratch_types=(
        [pltpu.VMEM((STG, CHUNK), jnp.int32)] * 2
        + [pltpu.VMEM((CHUNK, D), jnp.float32)] * 4
        + [pltpu.VMEM_SHARED((M_ROWS, D), jnp.float32)]
        + [pltpu.SemaphoreType.DMA] * 8
    ),
)(_mp_body)


ROWS_BLK = 1000
GRID = N_NODES // ROWS_BLK


def _pre_body(h_ref, A_ref, b_ref, out_ref):
    out_ref[...] = (jnp.dot(h_ref[...], A_ref[...],
                            preferred_element_type=jnp.float32) + b_ref[...])


def _update_body(p_ref, m0_ref, m1_ref, B_ref, out_ref):
    m = m0_ref[...] + m1_ref[...]
    acc = p_ref[...] + jnp.dot(m, B_ref[...],
                               preferred_element_type=jnp.float32)
    out_ref[...] = jnp.maximum(acc, 0.0)


def _final_body(p_ref, m0_ref, m1_ref, B_ref, nnw_ref, nnb_ref,
                out_ref, acc_ref):
    i = pl.program_id(0)
    m = m0_ref[...] + m1_ref[...]
    acc = p_ref[...] + jnp.dot(m, B_ref[...],
                               preferred_element_type=jnp.float32)
    h_new = jnp.maximum(acc, 0.0)
    part = jnp.sum(h_new, axis=0, keepdims=True)

    @pl.when(i == 0)
    def _():
        acc_ref[...] = part

    @pl.when(i > 0)
    def _():
        acc_ref[...] = acc_ref[...] + part

    @pl.when(i == GRID - 1)
    def _():
        out_ref[...] = (jnp.sum(acc_ref[...] * nnw_ref[...])
                        + nnb_ref[0, 0]).reshape(1, 1)


def _row_spec():
    return pl.BlockSpec((ROWS_BLK, D), lambda i: (i, 0))


def _full_spec(shape):
    return pl.BlockSpec(shape, lambda i: (0,) * len(shape))


_pre = pl.pallas_call(
    _pre_body,
    grid=(GRID,),
    in_specs=[_row_spec(), _full_spec((D, D)), _full_spec((1, D))],
    out_specs=_row_spec(),
    out_shape=jax.ShapeDtypeStruct((N_NODES, D), jnp.float32),
)

_update = pl.pallas_call(
    _update_body,
    grid=(GRID,),
    in_specs=[_row_spec(), _row_spec(), _row_spec(),
              _full_spec((D, D))],
    out_specs=_row_spec(),
    out_shape=jax.ShapeDtypeStruct((N_NODES, D), jnp.float32),
)

_update_final = pl.pallas_call(
    _final_body,
    grid=(GRID,),
    in_specs=[_row_spec(), _row_spec(), _row_spec(),
              _full_spec((D, D)),
              _full_spec((1, D)), _full_spec((1, 1))],
    out_specs=_full_spec((1, 1)),
    out_shape=jax.ShapeDtypeStruct((1, 1), jnp.float32),
    scratch_shapes=[pltpu.VMEM((1, D), jnp.float32)],
)


@jax.jit
def kernel(x, edge_index, U_w, U_b, NN_w, NN_b):
    n_pad = NCHUNKS_PAD * CHUNK - N_EDGES
    pad_src = (jnp.arange(n_pad, dtype=jnp.int32) % N_NODES).reshape(-1, CHUNK)
    pad_dst = (N_NODES
               + jnp.arange(n_pad, dtype=jnp.int32) % N_DUMMY).reshape(-1, CHUNK)
    src = jnp.concatenate(
        [edge_index[0].astype(jnp.int32).reshape(-1, CHUNK), pad_src])
    dst = jnp.concatenate(
        [edge_index[1].astype(jnp.int32).reshape(-1, CHUNK), pad_dst])
    A = U_w[:, :D].T
    B = U_w[:, D:].T
    b = U_b.reshape(1, D)
    nnw = NN_w.reshape(1, D)
    nnb = NN_b.reshape(1, 1)
    zeros = jnp.zeros((M_ROWS, D), jnp.float32)

    h = x
    for d in range(DEPTH):
        mp = _message_pass(h, src, dst, zeros)
        P = _pre(h, A, b)
        if d < DEPTH - 1:
            h = _update(P, mp[0], mp[1], B)
        else:
            out = _update_final(P, mp[0], mp[1], B, nnw, nnb)
    return out.reshape(1)

# --- scband reference (transcript-rebuilt; emitter-appended) ---
"""Pipeline reference for scband-mpnn-20151986553344 (READ-ONLY COPY).

The authoritative reference and input builder live on the scoring server;
editing this copy changes nothing except your own understanding.
"""

import jax, jax.numpy as jnp
import numpy as np

N_NODES = 10000
N_EDGES = 320000
ATOM_FDIM = 128
DEPTH = 3


def setup_inputs(seed: int = 0) -> dict:
    key = jax.random.key(seed)
    k1, k2, k3, k4, k5, k6 = jax.random.split(key, 6)
    x = jax.random.normal(k1, (N_NODES, ATOM_FDIM), dtype=jnp.float32)
    edge_index = jax.random.randint(k2, (2, N_EDGES), 0, N_NODES, dtype=jnp.int64)
    # U: nn.Linear(2*atom_fdim, atom_fdim)
    lim_u = 1.0 / np.sqrt(2 * ATOM_FDIM)
    U_w = jax.random.uniform(k3, (ATOM_FDIM, 2 * ATOM_FDIM), dtype=jnp.float32, minval=-lim_u, maxval=lim_u)
    U_b = jax.random.uniform(k4, (ATOM_FDIM,), dtype=jnp.float32, minval=-lim_u, maxval=lim_u)
    # NN: nn.Linear(atom_fdim, 1)
    lim_n = 1.0 / np.sqrt(ATOM_FDIM)
    NN_w = jax.random.uniform(k5, (1, ATOM_FDIM), dtype=jnp.float32, minval=-lim_n, maxval=lim_n)
    NN_b = jax.random.uniform(k6, (1,), dtype=jnp.float32, minval=-lim_n, maxval=lim_n)
    return {"x": x, "edge_index": edge_index, "U_w": U_w, "U_b": U_b, "NN_w": NN_w, "NN_b": NN_b}


def reference(x, edge_index, U_w, U_b, NN_w, NN_b):
    # Tensorized MPNN forward:
    #  message_pass: m_v = sum_{w in N(v)} h_w  (bond features are built but never
    #  used in the message in the original code)
    #  update: h_v = relu(U(cat(h_v, m_v)))
    #  repeat for depth steps, then sum-pool atoms and apply final linear NN.
    src = edge_index[0]
    dst = edge_index[1]
    h = x
    for _ in range(DEPTH):
        gathered = jnp.take(h, src, axis=0)              # gather neighbor features
        m = jnp.zeros_like(h).at[dst].add(gathered)      # scatter-add messages
        hm = jnp.concatenate([h, m], axis=-1)            # cat((h[v], m[v]))
        h = jax.nn.relu(hm @ U_w.T + U_b)                # relu(U(...))
    mol_vec = jnp.sum(h, axis=0)                         # sum over atoms
    out = mol_vec @ NN_w.T + NN_b                        # final readout NN
    return out

if __name__ == "__main__":
    import jax
    _d = setup_inputs()
    print(jax.jit(kernel)(*tuple(_d.values())))

</pallas_src>

<mosaic_0001>
#map = affine_map<(d0, d1) -> (0, 0)>
#map1 = affine_map<(d0, d1) -> (0, 0, 0)>
module attributes {stable_mosaic.version = 14 : i64} {
  func.func @_mp_body(%arg0: i32, %arg1: i32, %arg2: memref<10000x128xf32, #tpu.memory_space<hbm>>, %arg3: memref<5120x64xi32, #tpu.memory_space<hbm>>, %arg4: memref<5120x64xi32, #tpu.memory_space<hbm>>, %arg5: memref<10064x128xf32, #tpu.memory_space<hbm>>, %arg6: memref<2x10000x128xf32, #tpu.memory_space<hbm>>, %arg7: memref<40x64xi32, #tpu.memory_space<vmem>>, %arg8: memref<40x64xi32, #tpu.memory_space<vmem>>, %arg9: memref<64x128xf32, #tpu.memory_space<vmem>>, %arg10: memref<64x128xf32, #tpu.memory_space<vmem>>, %arg11: memref<64x128xf32, #tpu.memory_space<vmem>>, %arg12: memref<64x128xf32, #tpu.memory_space<vmem>>, %arg13: memref<10064x128xf32, #tpu.memory_space<vmem_shared>>, %arg14: memref<!tpu.dma_semaphore, #tpu.memory_space<semaphore_mem>>, %arg15: memref<!tpu.dma_semaphore, #tpu.memory_space<semaphore_mem>>, %arg16: memref<!tpu.dma_semaphore, #tpu.memory_space<semaphore_mem>>, %arg17: memref<!tpu.dma_semaphore, #tpu.memory_space<semaphore_mem>>, %arg18: memref<!tpu.dma_semaphore, #tpu.memory_space<semaphore_mem>>, %arg19: memref<!tpu.dma_semaphore, #tpu.memory_space<semaphore_mem>>, %arg20: memref<!tpu.dma_semaphore, #tpu.memory_space<semaphore_mem>>, %arg21: memref<!tpu.dma_semaphore, #tpu.memory_space<semaphore_mem>>) attributes {dimension_semantics = [#tpu.dimension_semantics<core_parallel>, #tpu.dimension_semantics<subcore_parallel>], iteration_bounds = array<i64: 2, 16>, scalar_prefetch = 0 : i64, scratch_operands = 15 : i64, tpu.core_type = #tpu.core_type<sc_vector_subcore>, window_params = [{transform_indices = #map}, {transform_indices = #map}, {transform_indices = #map}, {transform_indices = #map}, {transform_indices = #map1}]} {
    %mul3A = arith.constant 16 : i32
    %mul3A_0 = arith.muli %arg0, %mul3A : i32
    %add3A = arith.addi %mul3A_0, %arg1 : i32
    %mul3A_1 = arith.constant 624 : i32
    %mul3A_2 = arith.muli %arg1, %mul3A_1 : i32
    %mul3A_3 = arith.constant 624 : i32
    %mul3A_4 = arith.muli %arg1, %mul3A_3 : i32
    "tpu.region"() ({
      %run_scoped3A = tpu.sem_alloc : memref<!tpu.dma_semaphore, #tpu.memory_space<semaphore_mem>>
      %dma_start3A = arith.constant 0 : i32
      %dma_start3A_19 = tpu.memref_slice %arg13[%mul3A_4, %dma_start3A] : memref<10064x128xf32, #tpu.memory_space<vmem_shared>> -> memref<640x128xf32, #tpu.memory_space<vmem_shared>>
      %dma_start3A_20 = arith.constant 0 : i32
      %dma_start3A_21 = tpu.memref_slice %arg5[%mul3A_2, %dma_start3A_20] : memref<10064x128xf32, #tpu.memory_space<hbm>> -> memref<640x128xf32, #tpu.memory_space<hbm>>
      tpu.enqueue_dma source(%dma_start3A_21 : memref<640x128xf32, #tpu.memory_space<hbm>>) target(%dma_start3A_19 : memref<640x128xf32, #tpu.memory_space<vmem_shared>>) target_semaphore(%run_scoped3A : memref<!tpu.dma_semaphore, #tpu.memory_space<semaphore_mem>>)
      %dma_wait3A = arith.constant 0 : i32
      %dma_wait3A_22 = tpu.memref_slice %arg13[%mul3A_4, %dma_wait3A] : memref<10064x128xf32, #tpu.memory_space<vmem_shared>> -> memref<640x128xf32, #tpu.memory_space<vmem_shared>>
      %dma_wait3A_23 = arith.constant 0 : i32
      %dma_wait3A_24 = tpu.memref_slice %arg5[%mul3A_2, %dma_wait3A_23] : memref<10064x128xf32, #tpu.memory_space<hbm>> -> memref<640x128xf32, #tpu.memory_space<hbm>>
      tpu.wait_dma2 semaphore(%run_scoped3A : memref<!tpu.dma_semaphore, #tpu.memory_space<semaphore_mem>>) src(%dma_wait3A_24 : memref<640x128xf32, #tpu.memory_space<hbm>>) dst(%dma_wait3A_22 : memref<640x128xf32, #tpu.memory_space<vmem_shared>>)
      tpu.yield
    }) : () -> ()
    %eq3A = arith.constant 0 : i32
    %eq3A_5 = arith.cmpi eq, %arg1, %eq3A : i32
    %convert_element_type3A = arith.extui %eq3A_5 : i1 to i32
    %cond3A = arith.constant 0 : i32
    %cond3A_6 = arith.cmpi ne, %convert_element_type3A, %cond3A : i32
    scf.if %cond3A_6 {
      "tpu.region"() ({
        %run_scoped3A = tpu.sem_alloc : memref<!tpu.dma_semaphore, #tpu.memory_space<semaphore_mem>>
        %dma_start3A = arith.constant 10000 : i32
        %dma_start3A_19 = arith.constant 0 : i32
        %dma_start3A_20 = tpu.memref_slice %arg13[%dma_start3A, %dma_start3A_19] : memref<10064x128xf32, #tpu.memory_space<vmem_shared>> -> memref<64x128xf32, #tpu.memory_space<vmem_shared>>
        %dma_start3A_21 = arith.constant 10000 : i32
        %dma_start3A_22 = arith.constant 0 : i32
        %dma_start3A_23 = tpu.memref_slice %arg5[%dma_start3A_21, %dma_start3A_22] : memref<10064x128xf32, #tpu.memory_space<hbm>> -> memref<64x128xf32, #tpu.memory_space<hbm>>
        tpu.enqueue_dma source(%dma_start3A_23 : memref<64x128xf32, #tpu.memory_space<hbm>>) target(%dma_start3A_20 : memref<64x128xf32, #tpu.memory_space<vmem_shared>>) target_semaphore(%run_scoped3A : memref<!tpu.dma_semaphore, #tpu.memory_space<semaphore_mem>>)
        %dma_wait3A = arith.constant 10000 : i32
        %dma_wait3A_24 = arith.constant 0 : i32
        %dma_wait3A_25 = tpu.memref_slice %arg13[%dma_wait3A, %dma_wait3A_24] : memref<10064x128xf32, #tpu.memory_space<vmem_shared>> -> memref<64x128xf32, #tpu.memory_space<vmem_shared>>
        %dma_wait3A_26 = arith.constant 10000 : i32
        %dma_wait3A_27 = arith.constant 0 : i32
        %dma_wait3A_28 = tpu.memref_slice %arg5[%dma_wait3A_26, %dma_wait3A_27] : memref<10064x128xf32, #tpu.memory_space<hbm>> -> memref<64x128xf32, #tpu.memory_space<hbm>>
        tpu.wait_dma2 semaphore(%run_scoped3A : memref<!tpu.dma_semaphore, #tpu.memory_space<semaphore_mem>>) src(%dma_wait3A_28 : memref<64x128xf32, #tpu.memory_space<hbm>>) dst(%dma_wait3A_25 : memref<64x128xf32, #tpu.memory_space<vmem_shared>>)
        tpu.yield
      }) : () -> ()
    } else {
    }
    %mul3A_7 = arith.constant 160 : i32
    %mul3A_8 = arith.muli %mul3A_7, %add3A : i32
    "tpu.region"() ({
      %run_scoped3A = tpu.sem_alloc : memref<!tpu.dma_semaphore, #tpu.memory_space<semaphore_mem>>
      %dma_start3A = arith.constant 0 : i32
      %dma_start3A_19 = tpu.memref_slice %arg3[%mul3A_8, %dma_start3A] : memref<5120x64xi32, #tpu.memory_space<hbm>> -> memref<40x64xi32, #tpu.memory_space<hbm>>
      %dma_start3A_20 = arith.constant 0 : i32
      %dma_start3A_21 = tpu.memref_slice %arg3[%mul3A_8, %dma_start3A_20] : memref<5120x64xi32, #tpu.memory_space<hbm>> -> memref<40x64xi32, #tpu.memory_space<hbm>>
      tpu.enqueue_dma source(%dma_start3A_21 : memref<40x64xi32, #tpu.memory_space<hbm>>) target(%arg7 : memref<40x64xi32, #tpu.memory_space<vmem>>) target_semaphore(%run_scoped3A : memref<!tpu.dma_semaphore, #tpu.memory_space<semaphore_mem>>)
      %dma_wait3A = arith.constant 0 : i32
      %dma_wait3A_22 = tpu.memref_slice %arg3[%mul3A_8, %dma_wait3A] : memref<5120x64xi32, #tpu.memory_space<hbm>> -> memref<40x64xi32, #tpu.memory_space<hbm>>
      %dma_wait3A_23 = arith.constant 0 : i32
      %dma_wait3A_24 = tpu.memref_slice %arg3[%mul3A_8, %dma_wait3A_23] : memref<5120x64xi32, #tpu.memory_space<hbm>> -> memref<40x64xi32, #tpu.memory_space<hbm>>
      tpu.wait_dma2 semaphore(%run_scoped3A : memref<!tpu.dma_semaphore, #tpu.memory_space<semaphore_mem>>) src(%dma_wait3A_24 : memref<40x64xi32, #tpu.memory_space<hbm>>) dst(%arg7 : memref<40x64xi32, #tpu.memory_space<vmem>>)
      tpu.yield
    }) : () -> ()
    "tpu.region"() ({
      %run_scoped3A = tpu.sem_alloc : memref<!tpu.dma_semaphore, #tpu.memory_space<semaphore_mem>>
      %dma_start3A = arith.constant 0 : i32
      %dma_start3A_19 = tpu.memref_slice %arg4[%mul3A_8, %dma_start3A] : memref<5120x64xi32, #tpu.memory_space<hbm>> -> memref<40x64xi32, #tpu.memory_space<hbm>>
      %dma_start3A_20 = arith.constant 0 : i32
      %dma_start3A_21 = tpu.memref_slice %arg4[%mul3A_8, %dma_start3A_20] : memref<5120x64xi32, #tpu.memory_space<hbm>> -> memref<40x64xi32, #tpu.memory_space<hbm>>
      tpu.enqueue_dma source(%dma_start3A_21 : memref<40x64xi32, #tpu.memory_space<hbm>>) target(%arg8 : memref<40x64xi32, #tpu.memory_space<vmem>>) target_semaphore(%run_scoped3A : memref<!tpu.dma_semaphore, #tpu.memory_space<semaphore_mem>>)
      %dma_wait3A = arith.constant 0 : i32
      %dma_wait3A_22 = tpu.memref_slice %arg4[%mul3A_8, %dma_wait3A] : memref<5120x64xi32, #tpu.memory_space<hbm>> -> memref<40x64xi32, #tpu.memory_space<hbm>>
      %dma_wait3A_23 = arith.constant 0 : i32
      %dma_wait3A_24 = tpu.memref_slice %arg4[%mul3A_8, %dma_wait3A_23] : memref<5120x64xi32, #tpu.memory_space<hbm>> -> memref<40x64xi32, #tpu.memory_space<hbm>>
      tpu.wait_dma2 semaphore(%run_scoped3A : memref<!tpu.dma_semaphore, #tpu.memory_space<semaphore_mem>>) src(%dma_wait3A_24 : memref<40x64xi32, #tpu.memory_space<hbm>>) dst(%arg8 : memref<40x64xi32, #tpu.memory_space<vmem>>)
      tpu.yield
    }) : () -> ()
    %barrier3A = arith.constant 0 : index
    tpu.barrier barrier_id(%barrier3A)
    %scan3A = arith.constant 0 : i32
    %scan3A_9 = arith.constant 0 : i32
    %scan3A_10 = arith.constant 4 : i32
    %scan3A_11 = arith.addi %scan3A_9, %scan3A_10 : i32
    %scan3A_12 = arith.constant 1 : i32
    scf.for %scan3A_19 = %scan3A_9 to %scan3A_11 step %scan3A_12  : i32 {
      %gt3A = arith.constant 0 : i32
      %gt3A_20 = arith.cmpi sgt, %scan3A_19, %gt3A : i32
      %convert_element_type3A_21 = arith.extui %gt3A_20 : i1 to i32
      %cond3A_22 = arith.constant 0 : i32
      %cond3A_23 = arith.cmpi ne, %convert_element_type3A_21, %cond3A_22 : i32
      scf.if %cond3A_23 {
        %mul3A_66 = arith.constant 40 : i32
        %mul3A_67 = arith.muli %mul3A_66, %scan3A_19 : i32
        %add3A_68 = arith.addi %mul3A_8, %mul3A_67 : i32
        "tpu.region"() ({
          %run_scoped3A = tpu.sem_alloc : memref<!tpu.dma_semaphore, #tpu.memory_space<semaphore_mem>>
          %dma_start3A_72 = arith.constant 0 : i32
          %dma_start3A_73 = tpu.memref_slice %arg3[%add3A_68, %dma_start3A_72] : memref<5120x64xi32, #tpu.memory_space<hbm>> -> memref<40x64xi32, #tpu.memory_space<hbm>>
          %dma_start3A_74 = arith.constant 0 : i32
          %dma_start3A_75 = tpu.memref_slice %arg3[%add3A_68, %dma_start3A_74] : memref<5120x64xi32, #tpu.memory_space<hbm>> -> memref<40x64xi32, #tpu.memory_space<hbm>>
          tpu.enqueue_dma source(%dma_start3A_75 : memref<40x64xi32, #tpu.memory_space<hbm>>) target(%arg7 : memref<40x64xi32, #tpu.memory_space<vmem>>) target_semaphore(%run_scoped3A : memref<!tpu.dma_semaphore, #tpu.memory_space<semaphore_mem>>)
          %dma_wait3A_76 = arith.constant 0 : i32
          %dma_wait3A_77 = tpu.memref_slice %arg3[%add3A_68, %dma_wait3A_76] : memref<5120x64xi32, #tpu.memory_space<hbm>> -> memref<40x64xi32, #tpu.memory_space<hbm>>
          %dma_wait3A_78 = arith.constant 0 : i32
          %dma_wait3A_79 = tpu.memref_slice %arg3[%add3A_68, %dma_wait3A_78] : memref<5120x64xi32, #tpu.memory_space<hbm>> -> memref<40x64xi32, #tpu.memory_space<hbm>>
          tpu.wait_dma2 semaphore(%run_scoped3A : memref<!tpu.dma_semaphore, #tpu.memory_space<semaphore_mem>>) src(%dma_wait3A_79 : memref<40x64xi32, #tpu.memory_space<hbm>>) dst(%arg7 : memref<40x64xi32, #tpu.memory_space<vmem>>)
          tpu.yield
        }) : () -> ()
        %mul3A_69 = arith.constant 40 : i32
        %mul3A_70 = arith.muli %mul3A_69, %scan3A_19 : i32
        %add3A_71 = arith.addi %mul3A_8, %mul3A_70 : i32
        "tpu.region"() ({
          %run_scoped3A = tpu.sem_alloc : memref<!tpu.dma_semaphore, #tpu.memory_space<semaphore_mem>>
          %dma_start3A_72 = arith.constant 0 : i32
          %dma_start3A_73 = tpu.memref_slice %arg4[%add3A_71, %dma_start3A_72] : memref<5120x64xi32, #tpu.memory_space<hbm>> -> memref<40x64xi32, #tpu.memory_space<hbm>>
          %dma_start3A_74 = arith.constant 0 : i32
          %dma_start3A_75 = tpu.memref_slice %arg4[%add3A_71, %dma_start3A_74] : memref<5120x64xi32, #tpu.memory_space<hbm>> -> memref<40x64xi32, #tpu.memory_space<hbm>>
          tpu.enqueue_dma source(%dma_start3A_75 : memref<40x64xi32, #tpu.memory_space<hbm>>) target(%arg8 : memref<40x64xi32, #tpu.memory_space<vmem>>) target_semaphore(%run_scoped3A : memref<!tpu.dma_semaphore, #tpu.memory_space<semaphore_mem>>)
          %dma_wait3A_76 = arith.constant 0 : i32
          %dma_wait3A_77 = tpu.memref_slice %arg4[%add3A_71, %dma_wait3A_76] : memref<5120x64xi32, #tpu.memory_space<hbm>> -> memref<40x64xi32, #tpu.memory_space<hbm>>
          %dma_wait3A_78 = arith.constant 0 : i32
          %dma_wait3A_79 = tpu.memref_slice %arg4[%add3A_71, %dma_wait3A_78] : memref<5120x64xi32, #tpu.memory_space<hbm>> -> memref<40x64xi32, #tpu.memory_space<hbm>>
          tpu.wait_dma2 semaphore(%run_scoped3A : memref<!tpu.dma_semaphore, #tpu.memory_space<semaphore_mem>>) src(%dma_wait3A_79 : memref<40x64xi32, #tpu.memory_space<hbm>>) dst(%arg8 : memref<40x64xi32, #tpu.memory_space<vmem>>)
          tpu.yield
        }) : () -> ()
      } else {
      }
      %dma_start3A = arith.constant 0 : i32
      %dma_start3A_24 = arith.constant 0 : i32
      %dma_start3A_25 = tpu.memref_slice %arg7[%dma_start3A, %dma_start3A_24] : memref<40x64xi32, #tpu.memory_space<vmem>> -> memref<1x64xi32, #tpu.memory_space<vmem>>
      %dma_start3A_26 = tpu.memref_squeeze %dma_start3A_25 : memref<1x64xi32, #tpu.memory_space<vmem>> -> memref<64xi32, #tpu.memory_space<vmem>>
      %dma_start3A_27 = arith.constant 0 : i32
      %dma_start3A_28 = arith.constant 0 : i32
      %dma_start3A_29 = tpu.memref_slice %arg2[%dma_start3A_27, %dma_start3A_28] : memref<10000x128xf32, #tpu.memory_space<hbm>> -> memref<10000x128xf32, #tpu.memory_space<hbm>>
      tpu.enqueue_indirect_dma source(%dma_start3A_29 : memref<10000x128xf32, #tpu.memory_space<hbm>>) target(%arg9 : memref<64x128xf32, #tpu.memory_space<vmem>>) offsets(%dma_start3A_26 : memref<64xi32, #tpu.memory_space<vmem>>) semaphore(%arg14 : memref<!tpu.dma_semaphore, #tpu.memory_space<semaphore_mem>>)
      %dma_start3A_30 = arith.constant 1 : i32
      %dma_start3A_31 = arith.constant 0 : i32
      %dma_start3A_32 = tpu.memref_slice %arg7[%dma_start3A_30, %dma_start3A_31] : memref<40x64xi32, #tpu.memory_space<vmem>> -> memref<1x64xi32, #tpu.memory_space<vmem>>
      %dma_start3A_33 = tpu.memref_squeeze %dma_start3A_32 : memref<1x64xi32, #tpu.memory_space<vmem>> -> memref<64xi32, #tpu.memory_space<vmem>>
      %dma_start3A_34 = arith.constant 0 : i32
      %dma_start3A_35 = arith.constant 0 : i32
      %dma_start3A_36 = tpu.memref_slice %arg2[%dma_start3A_34, %dma_start3A_35] : memref<10000x128xf32, #tpu.memory_space<hbm>> -> memref<10000x128xf32, #tpu.memory_space<hbm>>
      tpu.enqueue_indirect_dma source(%dma_start3A_36 : memref<10000x128xf32, #tpu.memory_space<hbm>>) target(%arg10 : memref<64x128xf32, #tpu.memory_space<vmem>>) offsets(%dma_start3A_33 : memref<64xi32, #tpu.memory_space<vmem>>) semaphore(%arg15 : memref<!tpu.dma_semaphore, #tpu.memory_space<semaphore_mem>>)
      %scan3A_37 = arith.constant 0 : i32
      %scan3A_38 = arith.constant 0 : i32
      %scan3A_39 = arith.constant 10 : i32
      %scan3A_40 = arith.addi %scan3A_38, %scan3A_39 : i32
      %scan3A_41 = arith.constant 1 : i32
      scf.for %scan3A_66 = %scan3A_38 to %scan3A_40 step %scan3A_41  : i32 {
        %mul3A_67 = arith.constant 4 : i32
        %mul3A_68 = arith.muli %mul3A_67, %scan3A_66 : i32
        %gt3A_69 = arith.constant 0 : i32
        %gt3A_70 = arith.cmpi sgt, %scan3A_66, %gt3A_69 : i32
        %convert_element_type3A_71 = arith.extui %gt3A_70 : i1 to i32
        %cond3A_72 = arith.constant 0 : i32
        %cond3A_73 = arith.cmpi ne, %convert_element_type3A_71, %cond3A_72 : i32
        scf.if %cond3A_73 {
          %dma_wait3A_158 = arith.constant 0 : i32
          %dma_wait3A_159 = arith.constant 0 : i32
          %dma_wait3A_160 = tpu.memref_slice %arg13[%dma_wait3A_158, %dma_wait3A_159] : memref<10064x128xf32, #tpu.memory_space<vmem_shared>> -> memref<64x128xf32, #tpu.memory_space<vmem_shared>>
          %dma_wait3A_161 = arith.constant 0 : i32
          %dma_wait3A_162 = arith.constant 0 : i32
          %dma_wait3A_163 = tpu.memref_slice %arg13[%dma_wait3A_161, %dma_wait3A_162] : memref<10064x128xf32, #tpu.memory_space<vmem_shared>> -> memref<64x128xf32, #tpu.memory_space<vmem_shared>>
          tpu.wait_dma2 semaphore(%arg20 : memref<!tpu.dma_semaphore, #tpu.memory_space<semaphore_mem>>) src(%arg11 : memref<64x128xf32, #tpu.memory_space<vmem>>) dst(%dma_wait3A_163 : memref<64x128xf32, #tpu.memory_space<vmem_shared>>)
        } else {
        }
        %add3A_74 = arith.constant 2 : i32
        %add3A_75 = arith.addi %mul3A_68, %add3A_74 : i32
        %dma_start3A_76 = arith.constant 0 : i32
        %dma_start3A_77 = tpu.memref_slice %arg7[%add3A_75, %dma_start3A_76] : memref<40x64xi32, #tpu.memory_space<vmem>> -> memref<1x64xi32, #tpu.memory_space<vmem>>
        %dma_start3A_78 = tpu.memref_squeeze %dma_start3A_77 : memref<1x64xi32, #tpu.memory_space<vmem>> -> memref<64xi32, #tpu.memory_space<vmem>>
        %dma_start3A_79 = arith.constant 0 : i32
        %dma_start3A_80 = arith.constant 0 : i32
        %dma_start3A_81 = tpu.memref_slice %arg2[%dma_start3A_79, %dma_start3A_80] : memref<10000x128xf32, #tpu.memory_space<hbm>> -> memref<10000x128xf32, #tpu.memory_space<hbm>>
        tpu.enqueue_indirect_dma source(%dma_start3A_81 : memref<10000x128xf32, #tpu.memory_space<hbm>>) target(%arg11 : memref<64x128xf32, #tpu.memory_space<vmem>>) offsets(%dma_start3A_78 : memref<64xi32, #tpu.memory_space<vmem>>) semaphore(%arg16 : memref<!tpu.dma_semaphore, #tpu.memory_space<semaphore_mem>>)
        %dma_wait3A_82 = arith.constant 0 : i32
        %dma_wait3A_83 = arith.constant 0 : i32
        %dma_wait3A_84 = tpu.memref_slice %arg2[%dma_wait3A_82, %dma_wait3A_83] : memref<10000x128xf32, #tpu.memory_space<hbm>> -> memref<64x128xf32, #tpu.memory_space<hbm>>
        %dma_wait3A_85 = arith.constant 0 : i32
        %dma_wait3A_86 = arith.constant 0 : i32
        %dma_wait3A_87 = tpu.memref_slice %arg2[%dma_wait3A_85, %dma_wait3A_86] : memref<10000x128xf32, #tpu.memory_space<hbm>> -> memref<64x128xf32, #tpu.memory_space<hbm>>
        tpu.wait_dma2 semaphore(%arg14 : memref<!tpu.dma_semaphore, #tpu.memory_space<semaphore_mem>>) src(%dma_wait3A_87 : memref<64x128xf32, #tpu.memory_space<hbm>>) dst(%arg9 : memref<64x128xf32, #tpu.memory_space<vmem>>)
        %dma_start3A_88 = arith.constant 0 : i32
        %dma_start3A_89 = tpu.memref_slice %arg8[%mul3A_68, %dma_start3A_88] : memref<40x64xi32, #tpu.memory_space<vmem>> -> memref<1x64xi32, #tpu.memory_space<vmem>>
        %dma_start3A_90 = tpu.memref_squeeze %dma_start3A_89 : memref<1x64xi32, #tpu.memory_space<vmem>> -> memref<64xi32, #tpu.memory_space<vmem>>
        %dma_start3A_91 = arith.constant 0 : i32
        %dma_start3A_92 = arith.constant 0 : i32
        %dma_start3A_93 = tpu.memref_slice %arg13[%dma_start3A_91, %dma_start3A_92] : memref<10064x128xf32, #tpu.memory_space<vmem_shared>> -> memref<10064x128xf32, #tpu.memory_space<vmem_shared>>
        tpu.enqueue_indirect_dma source(%arg9 : memref<64x128xf32, #tpu.memory_space<vmem>>) target(%dma_start3A_93 : memref<10064x128xf32, #tpu.memory_space<vmem_shared>>) offsets(%dma_start3A_90 : memref<64xi32, #tpu.memory_space<vmem>>) semaphore(%arg18 : memref<!tpu.dma_semaphore, #tpu.memory_space<semaphore_mem>>) {add = true}
        %gt3A_94 = arith.constant 0 : i32
        %gt3A_95 = arith.cmpi sgt, %scan3A_66, %gt3A_94 : i32
        %convert_element_type3A_96 = arith.extui %gt3A_95 : i1 to i32
        %cond3A_97 = arith.constant 0 : i32
        %cond3A_98 = arith.cmpi ne, %convert_element_type3A_96, %cond3A_97 : i32
        scf.if %cond3A_98 {
          %dma_wait3A_158 = arith.constant 0 : i32
          %dma_wait3A_159 = arith.constant 0 : i32
          %dma_wait3A_160 = tpu.memref_slice %arg13[%dma_wait3A_158, %dma_wait3A_159] : memref<10064x128xf32, #tpu.memory_space<vmem_shared>> -> memref<64x128xf32, #tpu.memory_space<vmem_shared>>
          %dma_wait3A_161 = arith.constant 0 : i32
          %dma_wait3A_162 = arith.constant 0 : i32
          %dma_wait3A_163 = tpu.memref_slice %arg13[%dma_wait3A_161, %dma_wait3A_162] : memref<10064x128xf32, #tpu.memory_space<vmem_shared>> -> memref<64x128xf32, #tpu.memory_space<vmem_shared>>
          tpu.wait_dma2 semaphore(%arg21 : memref<!tpu.dma_semaphore, #tpu.memory_space<semaphore_mem>>) src(%arg12 : memref<64x128xf32, #tpu.memory_space<vmem>>) dst(%dma_wait3A_163 : memref<64x128xf32, #tpu.memory_space<vmem_shared>>)
        } else {
        }
        %add3A_99 = arith.constant 3 : i32
        %add3A_100 = arith.addi %mul3A_68, %add3A_99 : i32
        %dma_start3A_101 = arith.constant 0 : i32
        %dma_start3A_102 = tpu.memref_slice %arg7[%add3A_100, %dma_start3A_101] : memref<40x64xi32, #tpu.memory_space<vmem>> -> memref<1x64xi32, #tpu.memory_space<vmem>>
        %dma_start3A_103 = tpu.memref_squeeze %dma_start3A_102 : memref<1x64xi32, #tpu.memory_space<vmem>> -> memref<64xi32, #tpu.memory_space<vmem>>
        %dma_start3A_104 = arith.constant 0 : i32
        %dma_start3A_105 = arith.constant 0 : i32
        %dma_start3A_106 = tpu.memref_slice %arg2[%dma_start3A_104, %dma_start3A_105] : memref<10000x128xf32, #tpu.memory_space<hbm>> -> memref<10000x128xf32, #tpu.memory_space<hbm>>
        tpu.enqueue_indirect_dma source(%dma_start3A_106 : memref<10000x128xf32, #tpu.memory_space<hbm>>) target(%arg12 : memref<64x128xf32, #tpu.memory_space<vmem>>) offsets(%dma_start3A_103 : memref<64xi32, #tpu.memory_space<vmem>>) semaphore(%arg17 : memref<!tpu.dma_semaphore, #tpu.memory_space<semaphore_mem>>)
        %dma_wait3A_107 = arith.constant 0 : i32
        %dma_wait3A_108 = arith.constant 0 : i32
        %dma_wait3A_109 = tpu.memref_slice %arg2[%dma_wait3A_107, %dma_wait3A_108] : memref<10000x128xf32, #tpu.memory_space<hbm>> -> memref<64x128xf32, #tpu.memory_space<hbm>>
        %dma_wait3A_110 = arith.constant 0 : i32
        %dma_wait3A_111 = arith.constant 0 : i32
        %dma_wait3A_112 = tpu.memref_slice %arg2[%dma_wait3A_110, %dma_wait3A_111] : memref<10000x128xf32, #tpu.memory_space<hbm>> -> memref<64x128xf32, #tpu.memory_space<hbm>>
        tpu.wait_dma2 semaphore(%arg15 : memref<!tpu.dma_semaphore, #tpu.memory_space<semaphore_mem>>) src(%dma_wait3A_112 : memref<64x128xf32, #tpu.memory_space<hbm>>) dst(%arg10 : memref<64x128xf32, #tpu.memory_space<vmem>>)
        %add3A_113 = arith.constant 1 : i32
        %add3A_114 = arith.addi %mul3A_68, %add3A_113 : i32
        %dma_start3A_115 = arith.constant 0 : i32
        %dma_start3A_116 = tpu.memref_slice %arg8[%add3A_114, %dma_start3A_115] : memref<40x64xi32, #tpu.memory_space<vmem>> -> memref<1x64xi32, #tpu.memory_space<vmem>>
        %dma_start3A_117 = tpu.memref_squeeze %dma_start3A_116 : memref<1x64xi32, #tpu.memory_space<vmem>> -> memref<64xi32, #tpu.memory_space<vmem>>
        %dma_start3A_118 = arith.constant 0 : i32
        %dma_start3A_119 = arith.constant 0 : i32
        %dma_start3A_120 = tpu.memref_slice %arg13[%dma_start3A_118, %dma_start3A_119] : memref<10064x128xf32, #tpu.memory_space<vmem_shared>> -> memref<10064x128xf32, #tpu.memory_space<vmem_shared>>
        tpu.enqueue_indirect_dma source(%arg10 : memref<64x128xf32, #tpu.memory_space<vmem>>) target(%dma_start3A_120 : memref<10064x128xf32, #tpu.memory_space<vmem_shared>>) offsets(%dma_start3A_117 : memref<64xi32, #tpu.memory_space<vmem>>) semaphore(%arg19 : memref<!tpu.dma_semaphore, #tpu.memory_space<semaphore_mem>>) {add = true}
        %lt3A = arith.constant 9 : i32
        %lt3A_121 = arith.cmpi slt, %scan3A_66, %lt3A : i32
        %convert_element_type3A_122 = arith.extui %lt3A_121 : i1 to i32
        %cond3A_123 = arith.constant 0 : i32
        %cond3A_124 = arith.cmpi ne, %convert_element_type3A_122, %cond3A_123 : i32
        scf.if %cond3A_124 {
          %dma_wait3A_158 = arith.constant 0 : i32
          %dma_wait3A_159 = arith.constant 0 : i32
          %dma_wait3A_160 = tpu.memref_slice %arg13[%dma_wait3A_158, %dma_wait3A_159] : memref<10064x128xf32, #tpu.memory_space<vmem_shared>> -> memref<64x128xf32, #tpu.memory_space<vmem_shared>>
          %dma_wait3A_161 = arith.constant 0 : i32
          %dma_wait3A_162 = arith.constant 0 : i32
          %dma_wait3A_163 = tpu.memref_slice %arg13[%dma_wait3A_161, %dma_wait3A_162] : memref<10064x128xf32, #tpu.memory_space<vmem_shared>> -> memref<64x128xf32, #tpu.memory_space<vmem_shared>>
          tpu.wait_dma2 semaphore(%arg18 : memref<!tpu.dma_semaphore, #tpu.memory_space<semaphore_mem>>) src(%arg9 : memref<64x128xf32, #tpu.memory_space<vmem>>) dst(%dma_wait3A_163 : memref<64x128xf32, #tpu.memory_space<vmem_shared>>)
          %add3A_164 = arith.constant 4 : i32
          %add3A_165 = arith.addi %mul3A_68, %add3A_164 : i32
          %dma_start3A_166 = arith.constant 0 : i32
          %dma_start3A_167 = tpu.memref_slice %arg7[%add3A_165, %dma_start3A_166] : memref<40x64xi32, #tpu.memory_space<vmem>> -> memref<1x64xi32, #tpu.memory_space<vmem>>
          %dma_start3A_168 = tpu.memref_squeeze %dma_start3A_167 : memref<1x64xi32, #tpu.memory_space<vmem>> -> memref<64xi32, #tpu.memory_space<vmem>>
          %dma_start3A_169 = arith.constant 0 : i32
          %dma_start3A_170 = arith.constant 0 : i32
          %dma_start3A_171 = tpu.memref_slice %arg2[%dma_start3A_169, %dma_start3A_170] : memref<10000x128xf32, #tpu.memory_space<hbm>> -> memref<10000x128xf32, #tpu.memory_space<hbm>>
          tpu.enqueue_indirect_dma source(%dma_start3A_171 : memref<10000x128xf32, #tpu.memory_space<hbm>>) target(%arg9 : memref<64x128xf32, #tpu.memory_space<vmem>>) offsets(%dma_start3A_168 : memref<64xi32, #tpu.memory_space<vmem>>) semaphore(%arg14 : memref<!tpu.dma_semaphore, #tpu.memory_space<semaphore_mem>>)
        } else {
        }
        %dma_wait3A_125 = arith.constant 0 : i32
        %dma_wait3A_126 = arith.constant 0 : i32
        %dma_wait3A_127 = tpu.memref_slice %arg2[%dma_wait3A_125, %dma_wait3A_126] : memref<10000x128xf32, #tpu.memory_space<hbm>> -> memref<64x128xf32, #tpu.memory_space<hbm>>
        %dma_wait3A_128 = arith.constant 0 : i32
        %dma_wait3A_129 = arith.constant 0 : i32
        %dma_wait3A_130 = tpu.memref_slice %arg2[%dma_wait3A_128, %dma_wait3A_129] : memref<10000x128xf32, #tpu.memory_space<hbm>> -> memref<64x128xf32, #tpu.memory_space<hbm>>
        tpu.wait_dma2 semaphore(%arg16 : memref<!tpu.dma_semaphore, #tpu.memory_space<semaphore_mem>>) src(%dma_wait3A_130 : memref<64x128xf32, #tpu.memory_space<hbm>>) dst(%arg11 : memref<64x128xf32, #tpu.memory_space<vmem>>)
        %add3A_131 = arith.constant 2 : i32
        %add3A_132 = arith.addi %mul3A_68, %add3A_131 : i32
        %dma_start3A_133 = arith.constant 0 : i32
        %dma_start3A_134 = tpu.memref_slice %arg8[%add3A_132, %dma_start3A_133] : memref<40x64xi32, #tpu.memory_space<vmem>> -> memref<1x64xi32, #tpu.memory_space<vmem>>
        %dma_start3A_135 = tpu.memref_squeeze %dma_start3A_134 : memref<1x64xi32, #tpu.memory_space<vmem>> -> memref<64xi32, #tpu.memory_space<vmem>>
        %dma_start3A_136 = arith.constant 0 : i32
        %dma_start3A_137 = arith.constant 0 : i32
        %dma_start3A_138 = tpu.memref_slice %arg13[%dma_start3A_136, %dma_start3A_137] : memref<10064x128xf32, #tpu.memory_space<vmem_shared>> -> memref<10064x128xf32, #tpu.memory_space<vmem_shared>>
        tpu.enqueue_indirect_dma source(%arg11 : memref<64x128xf32, #tpu.memory_space<vmem>>) target(%dma_start3A_138 : memref<10064x128xf32, #tpu.memory_space<vmem_shared>>) offsets(%dma_start3A_135 : memref<64xi32, #tpu.memory_space<vmem>>) semaphore(%arg20 : memref<!tpu.dma_semaphore, #tpu.memory_space<semaphore_mem>>) {add = true}
        %lt3A_139 = arith.constant 9 : i32
        %lt3A_140 = arith.cmpi slt, %scan3A_66, %lt3A_139 : i32
        %convert_element_type3A_141 = arith.extui %lt3A_140 : i1 to i32
        %cond3A_142 = arith.constant 0 : i32
        %cond3A_143 = arith.cmpi ne, %convert_element_type3A_141, %cond3A_142 : i32
        scf.if %cond3A_143 {
          %dma_wait3A_158 = arith.constant 0 : i32
          %dma_wait3A_159 = arith.constant 0 : i32
          %dma_wait3A_160 = tpu.memref_slice %arg13[%dma_wait3A_158, %dma_wait3A_159] : memref<10064x128xf32, #tpu.memory_space<vmem_shared>> -> memref<64x128xf32, #tpu.memory_space<vmem_shared>>
          %dma_wait3A_161 = arith.constant 0 : i32
          %dma_wait3A_162 = arith.constant 0 : i32
          %dma_wait3A_163 = tpu.memref_slice %arg13[%dma_wait3A_161, %dma_wait3A_162] : memref<10064x128xf32, #tpu.memory_space<vmem_shared>> -> memref<64x128xf32, #tpu.memory_space<vmem_shared>>
          tpu.wait_dma2 semaphore(%arg19 : memref<!tpu.dma_semaphore, #tpu.memory_space<semaphore_mem>>) src(%arg10 : memref<64x128xf32, #tpu.memory_space<vmem>>) dst(%dma_wait3A_163 : memref<64x128xf32, #tpu.memory_space<vmem_shared>>)
          %add3A_164 = arith.constant 5 : i32
          %add3A_165 = arith.addi %mul3A_68, %add3A_164 : i32
          %dma_start3A_166 = arith.constant 0 : i32
          %dma_start3A_167 = tpu.memref_slice %arg7[%add3A_165, %dma_start3A_166] : memref<40x64xi32, #tpu.memory_space<vmem>> -> memref<1x64xi32, #tpu.memory_space<vmem>>
          %dma_start3A_168 = tpu.memref_squeeze %dma_start3A_167 : memref<1x64xi32, #tpu.memory_space<vmem>> -> memref<64xi32, #tpu.memory_space<vmem>>
          %dma_start3A_169 = arith.constant 0 : i32
          %dma_start3A_170 = arith.constant 0 : i32
          %dma_start3A_171 = tpu.memref_slice %arg2[%dma_start3A_169, %dma_start3A_170] : memref<10000x128xf32, #tpu.memory_space<hbm>> -> memref<10000x128xf32, #tpu.memory_space<hbm>>
          tpu.enqueue_indirect_dma source(%dma_start3A_171 : memref<10000x128xf32, #tpu.memory_space<hbm>>) target(%arg10 : memref<64x128xf32, #tpu.memory_space<vmem>>) offsets(%dma_start3A_168 : memref<64xi32, #tpu.memory_space<vmem>>) semaphore(%arg15 : memref<!tpu.dma_semaphore, #tpu.memory_space<semaphore_mem>>)
        } else {
        }
        %dma_wait3A_144 = arith.constant 0 : i32
        %dma_wait3A_145 = arith.constant 0 : i32
        %dma_wait3A_146 = tpu.memref_slice %arg2[%dma_wait3A_144, %dma_wait3A_145] : memref<10000x128xf32, #tpu.memory_space<hbm>> -> memref<64x128xf32, #tpu.memory_space<hbm>>
        %dma_wait3A_147 = arith.constant 0 : i32
        %dma_wait3A_148 = arith.constant 0 : i32
        %dma_wait3A_149 = tpu.memref_slice %arg2[%dma_wait3A_147, %dma_wait3A_148] : memref<10000x128xf32, #tpu.memory_space<hbm>> -> memref<64x128xf32, #tpu.memory_space<hbm>>
        tpu.wait_dma2 semaphore(%arg17 : memref<!tpu.dma_semaphore, #tpu.memory_space<semaphore_mem>>) src(%dma_wait3A_149 : memref<64x128xf32, #tpu.memory_space<hbm>>) dst(%arg12 : memref<64x128xf32, #tpu.memory_space<vmem>>)
        %add3A_150 = arith.constant 3 : i32
        %add3A_151 = arith.addi %mul3A_68, %add3A_150 : i32
        %dma_start3A_152 = arith.constant 0 : i32
        %dma_start3A_153 = tpu.memref_slice %arg8[%add3A_151, %dma_start3A_152] : memref<40x64xi32, #tpu.memory_space<vmem>> -> memref<1x64xi32, #tpu.memory_space<vmem>>
        %dma_start3A_154 = tpu.memref_squeeze %dma_start3A_153 : memref<1x64xi32, #tpu.memory_space<vmem>> -> memref<64xi32, #tpu.memory_space<vmem>>
        %dma_start3A_155 = arith.constant 0 : i32
        %dma_start3A_156 = arith.constant 0 : i32
        %dma_start3A_157 = tpu.memref_slice %arg13[%dma_start3A_155, %dma_start3A_156] : memref<10064x128xf32, #tpu.memory_space<vmem_shared>> -> memref<10064x128xf32, #tpu.memory_space<vmem_shared>>
        tpu.enqueue_indirect_dma source(%arg12 : memref<64x128xf32, #tpu.memory_space<vmem>>) target(%dma_start3A_157 : memref<10064x128xf32, #tpu.memory_space<vmem_shared>>) offsets(%dma_start3A_154 : memref<64xi32, #tpu.memory_space<vmem>>) semaphore(%arg21 : memref<!tpu.dma_semaphore, #tpu.memory_space<semaphore_mem>>) {add = true}
      }
      %scan3A_42 = arith.constant 10 : i32
      %dma_wait3A = arith.constant 0 : i32
      %dma_wait3A_43 = arith.constant 0 : i32
      %dma_wait3A_44 = tpu.memref_slice %arg13[%dma_wait3A, %dma_wait3A_43] : memref<10064x128xf32, #tpu.memory_space<vmem_shared>> -> memref<64x128xf32, #tpu.memory_space<vmem_shared>>
      %dma_wait3A_45 = arith.constant 0 : i32
      %dma_wait3A_46 = arith.constant 0 : i32
      %dma_wait3A_47 = tpu.memref_slice %arg13[%dma_wait3A_45, %dma_wait3A_46] : memref<10064x128xf32, #tpu.memory_space<vmem_shared>> -> memref<64x128xf32, #tpu.memory_space<vmem_shared>>
      tpu.wait_dma2 semaphore(%arg18 : memref<!tpu.dma_semaphore, #tpu.memory_space<semaphore_mem>>) src(%arg9 : memref<64x128xf32, #tpu.memory_space<vmem>>) dst(%dma_wait3A_47 : memref<64x128xf32, #tpu.memory_space<vmem_shared>>)
      %dma_wait3A_48 = arith.constant 0 : i32
      %dma_wait3A_49 = arith.constant 0 : i32
      %dma_wait3A_50 = tpu.memref_slice %arg13[%dma_wait3A_48, %dma_wait3A_49] : memref<10064x128xf32, #tpu.memory_space<vmem_shared>> -> memref<64x128xf32, #tpu.memory_space<vmem_shared>>
      %dma_wait3A_51 = arith.constant 0 : i32
      %dma_wait3A_52 = arith.constant 0 : i32
      %dma_wait3A_53 = tpu.memref_slice %arg13[%dma_wait3A_51, %dma_wait3A_52] : memref<10064x128xf32, #tpu.memory_space<vmem_shared>> -> memref<64x128xf32, #tpu.memory_space<vmem_shared>>
      tpu.wait_dma2 semaphore(%arg19 : memref<!tpu.dma_semaphore, #tpu.memory_space<semaphore_mem>>) src(%arg10 : memref<64x128xf32, #tpu.memory_space<vmem>>) dst(%dma_wait3A_53 : memref<64x128xf32, #tpu.memory_space<vmem_shared>>)
      %dma_wait3A_54 = arith.constant 0 : i32
      %dma_wait3A_55 = arith.constant 0 : i32
      %dma_wait3A_56 = tpu.memref_slice %arg13[%dma_wait3A_54, %dma_wait3A_55] : memref<10064x128xf32, #tpu.memory_space<vmem_shared>> -> memref<64x128xf32, #tpu.memory_space<vmem_shared>>
      %dma_wait3A_57 = arith.constant 0 : i32
      %dma_wait3A_58 = arith.constant 0 : i32
      %dma_wait3A_59 = tpu.memref_slice %arg13[%dma_wait3A_57, %dma_wait3A_58] : memref<10064x128xf32, #tpu.memory_space<vmem_shared>> -> memref<64x128xf32, #tpu.memory_space<vmem_shared>>
      tpu.wait_dma2 semaphore(%arg20 : memref<!tpu.dma_semaphore, #tpu.memory_space<semaphore_mem>>) src(%arg11 : memref<64x128xf32, #tpu.memory_space<vmem>>) dst(%dma_wait3A_59 : memref<64x128xf32, #tpu.memory_space<vmem_shared>>)
      %dma_wait3A_60 = arith.constant 0 : i32
      %dma_wait3A_61 = arith.constant 0 : i32
      %dma_wait3A_62 = tpu.memref_slice %arg13[%dma_wait3A_60, %dma_wait3A_61] : memref<10064x128xf32, #tpu.memory_space<vmem_shared>> -> memref<64x128xf32, #tpu.memory_space<vmem_shared>>
      %dma_wait3A_63 = arith.constant 0 : i32
      %dma_wait3A_64 = arith.constant 0 : i32
      %dma_wait3A_65 = tpu.memref_slice %arg13[%dma_wait3A_63, %dma_wait3A_64] : memref<10064x128xf32, #tpu.memory_space<vmem_shared>> -> memref<64x128xf32, #tpu.memory_space<vmem_shared>>
      tpu.wait_dma2 semaphore(%arg21 : memref<!tpu.dma_semaphore, #tpu.memory_space<semaphore_mem>>) src(%arg12 : memref<64x128xf32, #tpu.memory_space<vmem>>) dst(%dma_wait3A_65 : memref<64x128xf32, #tpu.memory_space<vmem_shared>>)
    }
    %scan3A_13 = arith.constant 4 : i32
    %barrier3A_14 = arith.constant 0 : index
    tpu.barrier barrier_id(%barrier3A_14)
    %mul3A_15 = arith.constant 624 : i32
    %mul3A_16 = arith.muli %arg1, %mul3A_15 : i32
    %mul3A_17 = arith.constant 624 : i32
    %mul3A_18 = arith.muli %arg1, %mul3A_17 : i32
    "tpu.region"() ({
      %run_scoped3A = tpu.sem_alloc : memref<!tpu.dma_semaphore, #tpu.memory_space<semaphore_mem>>
      %dma_start3A = arith.constant 0 : i32
      %dma_start3A_19 = tpu.memref_slice %arg6[%arg0, %mul3A_18, %dma_start3A] : memref<2x10000x128xf32, #tpu.memory_space<hbm>> -> memref<1x640x128xf32, #tpu.memory_space<hbm>>
      %dma_start3A_20 = tpu.memref_squeeze %dma_start3A_19 : memref<1x640x128xf32, #tpu.memory_space<hbm>> -> memref<640x128xf32, #tpu.memory_space<hbm>>
      %dma_start3A_21 = arith.constant 0 : i32
      %dma_start3A_22 = tpu.memref_slice %arg13[%mul3A_16, %dma_start3A_21] : memref<10064x128xf32, #tpu.memory_space<vmem_shared>> -> memref<640x128xf32, #tpu.memory_space<vmem_shared>>
      tpu.enqueue_dma source(%dma_start3A_22 : memref<640x128xf32, #tpu.memory_space<vmem_shared>>) target(%dma_start3A_20 : memref<640x128xf32, #tpu.memory_space<hbm>>) target_semaphore(%run_scoped3A : memref<!tpu.dma_semaphore, #tpu.memory_space<semaphore_mem>>)
      %dma_wait3A = arith.constant 0 : i32
      %dma_wait3A_23 = tpu.memref_slice %arg6[%arg0, %mul3A_18, %dma_wait3A] : memref<2x10000x128xf32, #tpu.memory_space<hbm>> -> memref<1x640x128xf32, #tpu.memory_space<hbm>>
      %dma_wait3A_24 = tpu.memref_squeeze %dma_wait3A_23 : memref<1x640x128xf32, #tpu.memory_space<hbm>> -> memref<640x128xf32, #tpu.memory_space<hbm>>
      %dma_wait3A_25 = arith.constant 0 : i32
      %dma_wait3A_26 = tpu.memref_slice %arg13[%mul3A_16, %dma_wait3A_25] : memref<10064x128xf32, #tpu.memory_space<vmem_shared>> -> memref<640x128xf32, #tpu.memory_space<vmem_shared>>
      tpu.wait_dma2 semaphore(%run_scoped3A : memref<!tpu.dma_semaphore, #tpu.memory_space<semaphore_mem>>) src(%dma_wait3A_26 : memref<640x128xf32, #tpu.memory_space<vmem_shared>>) dst(%dma_wait3A_24 : memref<640x128xf32, #tpu.memory_space<hbm>>)
      tpu.yield
    }) : () -> ()
    return
  }
}

#map = affine_map<(d0, d1) -> (0, 0)>
#map1 = affine_map<(d0, d1) -> (0, 0, 0)>
module attributes {stable_mosaic.version = 14 : i64} {
  func.func @_mp_body(%arg0: i32, %arg1: i32, %arg2: memref<10000x128xf32, #tpu.memory_space<hbm>>, %arg3: memref<5120x64xi32, #tpu.memory_space<hbm>>, %arg4: memref<5120x64xi32, #tpu.memory_space<hbm>>, %arg5: memref<10064x128xf32, #tpu.memory_space<hbm>>, %arg6: memref<2x10000x128xf32, #tpu.memory_space<hbm>>, %arg7: memref<40x64xi32, #tpu.memory_space<vmem>>, %arg8: memref<40x64xi32, #tpu.memory_space<vmem>>, %arg9: memref<64x128xf32, #tpu.memory_space<vmem>>, %arg10: memref<64x128xf32, #tpu.memory_space<vmem>>, %arg11: memref<64x128xf32, #tpu.memory_space<vmem>>, %arg12: memref<64x128xf32, #tpu.memory_space<vmem>>, %arg13: memref<10064x128xf32, #tpu.memory_space<vmem_shared>>, %arg14: memref<!tpu.dma_semaphore, #tpu.memory_space<semaphore_mem>>, %arg15: memref<!tpu.dma_semaphore, #tpu.memory_space<semaphore_mem>>, %arg16: memref<!tpu.dma_semaphore, #tpu.memory_space<semaphore_mem>>, %arg17: memref<!tpu.dma_semaphore, #tpu.memory_space<semaphore_mem>>, %arg18: memref<!tpu.dma_semaphore, #tpu.memory_space<semaphore_mem>>, %arg19: memref<!tpu.dma_semaphore, #tpu.memory_space<semaphore_mem>>, %arg20: memref<!tpu.dma_semaphore, #tpu.memory_space<semaphore_mem>>, %arg21: memref<!tpu.dma_semaphore, #tpu.memory_space<semaphore_mem>>) attributes {dimension_semantics = [#tpu.dimension_semantics<core_parallel>, #tpu.dimension_semantics<subcore_parallel>], iteration_bounds = array<i64: 2, 16>, scalar_prefetch = 0 : i64, scratch_operands = 15 : i64, tpu.core_type = #tpu.core_type<sc_vector_subcore>, window_params = [{transform_indices = #map}, {transform_indices = #map}, {transform_indices = #map}, {transform_indices = #map}, {transform_indices = #map1}]} {
    %mul3A = arith.constant 16 : i32
    %mul3A_0 = arith.muli %arg0, %mul3A : i32
    %add3A = arith.addi %mul3A_0, %arg1 : i32
    %mul3A_1 = arith.constant 624 : i32
    %mul3A_2 = arith.muli %arg1, %mul3A_1 : i32
    %mul3A_3 = arith.constant 624 : i32
    %mul3A_4 = arith.muli %arg1, %mul3A_3 : i32
    "tpu.region"() ({
      %run_scoped3A = tpu.sem_alloc : memref<!tpu.dma_semaphore, #tpu.memory_space<semaphore_mem>>
      %dma_start3A = arith.constant 0 : i32
      %dma_start3A_19 = tpu.memref_slice %arg13[%mul3A_4, %dma_start3A] : memref<10064x128xf32, #tpu.memory_space<vmem_shared>> -> memref<640x128xf32, #tpu.memory_space<vmem_shared>>
      %dma_start3A_20 = arith.constant 0 : i32
      %dma_start3A_21 = tpu.memref_slice %arg5[%mul3A_2, %dma_start3A_20] : memref<10064x128xf32, #tpu.memory_space<hbm>> -> memref<640x128xf32, #tpu.memory_space<hbm>>
      tpu.enqueue_dma source(%dma_start3A_21 : memref<640x128xf32, #tpu.memory_space<hbm>>) target(%dma_start3A_19 : memref<640x128xf32, #tpu.memory_space<vmem_shared>>) target_semaphore(%run_scoped3A : memref<!tpu.dma_semaphore, #tpu.memory_space<semaphore_mem>>)
      %dma_wait3A = arith.constant 0 : i32
      %dma_wait3A_22 = tpu.memref_slice %arg13[%mul3A_4, %dma_wait3A] : memref<10064x128xf32, #tpu.memory_space<vmem_shared>> -> memref<640x128xf32, #tpu.memory_space<vmem_shared>>
      %dma_wait3A_23 = arith.constant 0 : i32
      %dma_wait3A_24 = tpu.memref_slice %arg5[%mul3A_2, %dma_wait3A_23] : memref<10064x128xf32, #tpu.memory_space<hbm>> -> memref<640x128xf32, #tpu.memory_space<hbm>>
      tpu.wait_dma2 semaphore(%run_scoped3A : memref<!tpu.dma_semaphore, #tpu.memory_space<semaphore_mem>>) src(%dma_wait3A_24 : memref<640x128xf32, #tpu.memory_space<hbm>>) dst(%dma_wait3A_22 : memref<640x128xf32, #tpu.memory_space<vmem_shared>>)
      tpu.yield
    }) : () -> ()
    %eq3A = arith.constant 0 : i32
    %eq3A_5 = arith.cmpi eq, %arg1, %eq3A : i32
    %convert_element_type3A = arith.extui %eq3A_5 : i1 to i32
    %cond3A = arith.constant 0 : i32
    %cond3A_6 = arith.cmpi ne, %convert_element_type3A, %cond3A : i32
    scf.if %cond3A_6 {
      "tpu.region"() ({
        %run_scoped3A = tpu.sem_alloc : memref<!tpu.dma_semaphore, #tpu.memory_space<semaphore_mem>>
        %dma_start3A = arith.constant 10000 : i32
        %dma_start3A_19 = arith.constant 0 : i32
        %dma_start3A_20 = tpu.memref_slice %arg13[%dma_start3A, %dma_start3A_19] : memref<10064x128xf32, #tpu.memory_space<vmem_shared>> -> memref<64x128xf32, #tpu.memory_space<vmem_shared>>
        %dma_start3A_21 = arith.constant 10000 : i32
        %dma_start3A_22 = arith.constant 0 : i32
        %dma_start3A_23 = tpu.memref_slice %arg5[%dma_start3A_21, %dma_start3A_22] : memref<10064x128xf32, #tpu.memory_space<hbm>> -> memref<64x128xf32, #tpu.memory_space<hbm>>
        tpu.enqueue_dma source(%dma_start3A_23 : memref<64x128xf32, #tpu.memory_space<hbm>>) target(%dma_start3A_20 : memref<64x128xf32, #tpu.memory_space<vmem_shared>>) target_semaphore(%run_scoped3A : memref<!tpu.dma_semaphore, #tpu.memory_space<semaphore_mem>>)
        %dma_wait3A = arith.constant 10000 : i32
        %dma_wait3A_24 = arith.constant 0 : i32
        %dma_wait3A_25 = tpu.memref_slice %arg13[%dma_wait3A, %dma_wait3A_24] : memref<10064x128xf32, #tpu.memory_space<vmem_shared>> -> memref<64x128xf32, #tpu.memory_space<vmem_shared>>
        %dma_wait3A_26 = arith.constant 10000 : i32
        %dma_wait3A_27 = arith.constant 0 : i32
        %dma_wait3A_28 = tpu.memref_slice %arg5[%dma_wait3A_26, %dma_wait3A_27] : memref<10064x128xf32, #tpu.memory_space<hbm>> -> memref<64x128xf32, #tpu.memory_space<hbm>>
        tpu.wait_dma2 semaphore(%run_scoped3A : memref<!tpu.dma_semaphore, #tpu.memory_space<semaphore_mem>>) src(%dma_wait3A_28 : memref<64x128xf32, #tpu.memory_space<hbm>>) dst(%dma_wait3A_25 : memref<64x128xf32, #tpu.memory_space<vmem_shared>>)
        tpu.yield
      }) : () -> ()
    } else {
    }
    %mul3A_7 = arith.constant 160 : i32
    %mul3A_8 = arith.muli %mul3A_7, %add3A : i32
    "tpu.region"() ({
      %run_scoped3A = tpu.sem_alloc : memref<!tpu.dma_semaphore, #tpu.memory_space<semaphore_mem>>
      %dma_start3A = arith.constant 0 : i32
      %dma_start3A_19 = tpu.memref_slice %arg3[%mul3A_8, %dma_start3A] : memref<5120x64xi32, #tpu.memory_space<hbm>> -> memref<40x64xi32, #tpu.memory_space<hbm>>
      %dma_start3A_20 = arith.constant 0 : i32
      %dma_start3A_21 = tpu.memref_slice %arg3[%mul3A_8, %dma_start3A_20] : memref<5120x64xi32, #tpu.memory_space<hbm>> -> memref<40x64xi32, #tpu.memory_space<hbm>>
      tpu.enqueue_dma source(%dma_start3A_21 : memref<40x64xi32, #tpu.memory_space<hbm>>) target(%arg7 : memref<40x64xi32, #tpu.memory_space<vmem>>) target_semaphore(%run_scoped3A : memref<!tpu.dma_semaphore, #tpu.memory_space<semaphore_mem>>)
      %dma_wait3A = arith.constant 0 : i32
      %dma_wait3A_22 = tpu.memref_slice %arg3[%mul3A_8, %dma_wait3A] : memref<5120x64xi32, #tpu.memory_space<hbm>> -> memref<40x64xi32, #tpu.memory_space<hbm>>
      %dma_wait3A_23 = arith.constant 0 : i32
      %dma_wait3A_24 = tpu.memref_slice %arg3[%mul3A_8, %dma_wait3A_23] : memref<5120x64xi32, #tpu.memory_space<hbm>> -> memref<40x64xi32, #tpu.memory_space<hbm>>
      tpu.wait_dma2 semaphore(%run_scoped3A : memref<!tpu.dma_semaphore, #tpu.memory_space<semaphore_mem>>) src(%dma_wait3A_24 : memref<40x64xi32, #tpu.memory_space<hbm>>) dst(%arg7 : memref<40x64xi32, #tpu.memory_space<vmem>>)
      tpu.yield
    }) : () -> ()
    "tpu.region"() ({
      %run_scoped3A = tpu.sem_alloc : memref<!tpu.dma_semaphore, #tpu.memory_space<semaphore_mem>>
      %dma_start3A = arith.constant 0 : i32
      %dma_start3A_19 = tpu.memref_slice %arg4[%mul3A_8, %dma_start3A] : memref<5120x64xi32, #tpu.memory_space<hbm>> -> memref<40x64xi32, #tpu.memory_space<hbm>>
      %dma_start3A_20 = arith.constant 0 : i32
      %dma_start3A_21 = tpu.memref_slice %arg4[%mul3A_8, %dma_start3A_20] : memref<5120x64xi32, #tpu.memory_space<hbm>> -> memref<40x64xi32, #tpu.memory_space<hbm>>
      tpu.enqueue_dma source(%dma_start3A_21 : memref<40x64xi32, #tpu.memory_space<hbm>>) target(%arg8 : memref<40x64xi32, #tpu.memory_space<vmem>>) target_semaphore(%run_scoped3A : memref<!tpu.dma_semaphore, #tpu.memory_space<semaphore_mem>>)
      %dma_wait3A = arith.constant 0 : i32
      %dma_wait3A_22 = tpu.memref_slice %arg4[%mul3A_8, %dma_wait3A] : memref<5120x64xi32, #tpu.memory_space<hbm>> -> memref<40x64xi32, #tpu.memory_space<hbm>>
      %dma_wait3A_23 = arith.constant 0 : i32
      %dma_wait3A_24 = tpu.memref_slice %arg4[%mul3A_8, %dma_wait3A_23] : memref<5120x64xi32, #tpu.memory_space<hbm>> -> memref<40x64xi32, #tpu.memory_space<hbm>>
      tpu.wait_dma2 semaphore(%run_scoped3A : memref<!tpu.dma_semaphore, #tpu.memory_space<semaphore_mem>>) src(%dma_wait3A_24 : memref<40x64xi32, #tpu.memory_space<hbm>>) dst(%arg8 : memref<40x64xi32, #tpu.memory_space<vmem>>)
      tpu.yield
    }) : () -> ()
    %barrier3A = arith.constant 0 : index
    tpu.barrier barrier_id(%barrier3A)
    %scan3A = arith.constant 0 : i32
    %scan3A_9 = arith.constant 0 : i32
    %scan3A_10 = arith.constant 4 : i32
    %scan3A_11 = arith.addi %scan3A_9, %scan3A_10 : i32
    %scan3A_12 = arith.constant 1 : i32
    scf.for %scan3A_19 = %scan3A_9 to %scan3A_11 step %scan3A_12  : i32 {
      %gt3A = arith.constant 0 : i32
      %gt3A_20 = arith.cmpi sgt, %scan3A_19, %gt3A : i32
      %convert_element_type3A_21 = arith.extui %gt3A_20 : i1 to i32
      %cond3A_22 = arith.constant 0 : i32
      %cond3A_23 = arith.cmpi ne, %convert_element_type3A_21, %cond3A_22 : i32
      scf.if %cond3A_23 {
        %mul3A_66 = arith.constant 40 : i32
        %mul3A_67 = arith.muli %mul3A_66, %scan3A_19 : i32
        %add3A_68 = arith.addi %mul3A_8, %mul3A_67 : i32
        "tpu.region"() ({
          %run_scoped3A = tpu.sem_alloc : memref<!tpu.dma_semaphore, #tpu.memory_space<semaphore_mem>>
          %dma_start3A_72 = arith.constant 0 : i32
          %dma_start3A_73 = tpu.memref_slice %arg3[%add3A_68, %dma_start3A_72] : memref<5120x64xi32, #tpu.memory_space<hbm>> -> memref<40x64xi32, #tpu.memory_space<hbm>>
          %dma_start3A_74 = arith.constant 0 : i32
          %dma_start3A_75 = tpu.memref_slice %arg3[%add3A_68, %dma_start3A_74] : memref<5120x64xi32, #tpu.memory_space<hbm>> -> memref<40x64xi32, #tpu.memory_space<hbm>>
          tpu.enqueue_dma source(%dma_start3A_75 : memref<40x64xi32, #tpu.memory_space<hbm>>) target(%arg7 : memref<40x64xi32, #tpu.memory_space<vmem>>) target_semaphore(%run_scoped3A : memref<!tpu.dma_semaphore, #tpu.memory_space<semaphore_mem>>)
          %dma_wait3A_76 = arith.constant 0 : i32
          %dma_wait3A_77 = tpu.memref_slice %arg3[%add3A_68, %dma_wait3A_76] : memref<5120x64xi32, #tpu.memory_space<hbm>> -> memref<40x64xi32, #tpu.memory_space<hbm>>
          %dma_wait3A_78 = arith.constant 0 : i32
          %dma_wait3A_79 = tpu.memref_slice %arg3[%add3A_68, %dma_wait3A_78] : memref<5120x64xi32, #tpu.memory_space<hbm>> -> memref<40x64xi32, #tpu.memory_space<hbm>>
          tpu.wait_dma2 semaphore(%run_scoped3A : memref<!tpu.dma_semaphore, #tpu.memory_space<semaphore_mem>>) src(%dma_wait3A_79 : memref<40x64xi32, #tpu.memory_space<hbm>>) dst(%arg7 : memref<40x64xi32, #tpu.memory_space<vmem>>)
          tpu.yield
        }) : () -> ()
        %mul3A_69 = arith.constant 40 : i32
        %mul3A_70 = arith.muli %mul3A_69, %scan3A_19 : i32
        %add3A_71 = arith.addi %mul3A_8, %mul3A_70 : i32
        "tpu.region"() ({
          %run_scoped3A = tpu.sem_alloc : memref<!tpu.dma_semaphore, #tpu.memory_space<semaphore_mem>>
          %dma_start3A_72 = arith.constant 0 : i32
          %dma_start3A_73 = tpu.memref_slice %arg4[%add3A_71, %dma_start3A_72] : memref<5120x64xi32, #tpu.memory_space<hbm>> -> memref<40x64xi32, #tpu.memory_space<hbm>>
          %dma_start3A_74 = arith.constant 0 : i32
          %dma_start3A_75 = tpu.memref_slice %arg4[%add3A_71, %dma_start3A_74] : memref<5120x64xi32, #tpu.memory_space<hbm>> -> memref<40x64xi32, #tpu.memory_space<hbm>>
          tpu.enqueue_dma source(%dma_start3A_75 : memref<40x64xi32, #tpu.memory_space<hbm>>) target(%arg8 : memref<40x64xi32, #tpu.memory_space<vmem>>) target_semaphore(%run_scoped3A : memref<!tpu.dma_semaphore, #tpu.memory_space<semaphore_mem>>)
          %dma_wait3A_76 = arith.constant 0 : i32
          %dma_wait3A_77 = tpu.memref_slice %arg4[%add3A_71, %dma_wait3A_76] : memref<5120x64xi32, #tpu.memory_space<hbm>> -> memref<40x64xi32, #tpu.memory_space<hbm>>
          %dma_wait3A_78 = arith.constant 0 : i32
          %dma_wait3A_79 = tpu.memref_slice %arg4[%add3A_71, %dma_wait3A_78] : memref<5120x64xi32, #tpu.memory_space<hbm>> -> memref<40x64xi32, #tpu.memory_space<hbm>>
          tpu.wait_dma2 semaphore(%run_scoped3A : memref<!tpu.dma_semaphore, #tpu.memory_space<semaphore_mem>>) src(%dma_wait3A_79 : memref<40x64xi32, #tpu.memory_space<hbm>>) dst(%arg8 : memref<40x64xi32, #tpu.memory_space<vmem>>)
          tpu.yield
        }) : () -> ()
      } else {
      }
      %dma_start3A = arith.constant 0 : i32
      %dma_start3A_24 = arith.constant 0 : i32
      %dma_start3A_25 = tpu.memref_slice %arg7[%dma_start3A, %dma_start3A_24] : memref<40x64xi32, #tpu.memory_space<vmem>> -> memref<1x64xi32, #tpu.memory_space<vmem>>
      %dma_start3A_26 = tpu.memref_squeeze %dma_start3A_25 : memref<1x64xi32, #tpu.memory_space<vmem>> -> memref<64xi32, #tpu.memory_space<vmem>>
      %dma_start3A_27 = arith.constant 0 : i32
      %dma_start3A_28 = arith.constant 0 : i32
      %dma_start3A_29 = tpu.memref_slice %arg2[%dma_start3A_27, %dma_start3A_28] : memref<10000x128xf32, #tpu.memory_space<hbm>> -> memref<10000x128xf32, #tpu.memory_space<hbm>>
      tpu.enqueue_indirect_dma source(%dma_start3A_29 : memref<10000x128xf32, #tpu.memory_space<hbm>>) target(%arg9 : memref<64x128xf32, #tpu.memory_space<vmem>>) offsets(%dma_start3A_26 : memref<64xi32, #tpu.memory_space<vmem>>) semaphore(%arg14 : memref<!tpu.dma_semaphore, #tpu.memory_space<semaphore_mem>>)
      %dma_start3A_30 = arith.constant 1 : i32
      %dma_start3A_31 = arith.constant 0 : i32
      %dma_start3A_32 = tpu.memref_slice %arg7[%dma_start3A_30, %dma_start3A_31] : memref<40x64xi32, #tpu.memory_space<vmem>> -> memref<1x64xi32, #tpu.memory_space<vmem>>
      %dma_start3A_33 = tpu.memref_squeeze %dma_start3A_32 : memref<1x64xi32, #tpu.memory_space<vmem>> -> memref<64xi32, #tpu.memory_space<vmem>>
      %dma_start3A_34 = arith.constant 0 : i32
      %dma_start3A_35 = arith.constant 0 : i32
      %dma_start3A_36 = tpu.memref_slice %arg2[%dma_start3A_34, %dma_start3A_35] : memref<10000x128xf32, #tpu.memory_space<hbm>> -> memref<10000x128xf32, #tpu.memory_space<hbm>>
      tpu.enqueue_indirect_dma source(%dma_start3A_36 : memref<10000x128xf32, #tpu.memory_space<hbm>>) target(%arg10 : memref<64x128xf32, #tpu.memory_space<vmem>>) offsets(%dma_start3A_33 : memref<64xi32, #tpu.memory_space<vmem>>) semaphore(%arg15 : memref<!tpu.dma_semaphore, #tpu.memory_space<semaphore_mem>>)
      %scan3A_37 = arith.constant 0 : i32
      %scan3A_38 = arith.constant 0 : i32
      %scan3A_39 = arith.constant 10 : i32
      %scan3A_40 = arith.addi %scan3A_38, %scan3A_39 : i32
      %scan3A_41 = arith.constant 1 : i32
      scf.for %scan3A_66 = %scan3A_38 to %scan3A_40 step %scan3A_41  : i32 {
        %mul3A_67 = arith.constant 4 : i32
        %mul3A_68 = arith.muli %mul3A_67, %scan3A_66 : i32
        %gt3A_69 = arith.constant 0 : i32
        %gt3A_70 = arith.cmpi sgt, %scan3A_66, %gt3A_69 : i32
        %convert_element_type3A_71 = arith.extui %gt3A_70 : i1 to i32
        %cond3A_72 = arith.constant 0 : i32
        %cond3A_73 = arith.cmpi ne, %convert_element_type3A_71, %cond3A_72 : i32
        scf.if %cond3A_73 {
          %dma_wait3A_158 = arith.constant 0 : i32
          %dma_wait3A_159 = arith.constant 0 : i32
          %dma_wait3A_160 = tpu.memref_slice %arg13[%dma_wait3A_158, %dma_wait3A_159] : memref<10064x128xf32, #tpu.memory_space<vmem_shared>> -> memref<64x128xf32, #tpu.memory_space<vmem_shared>>
          %dma_wait3A_161 = arith.constant 0 : i32
          %dma_wait3A_162 = arith.constant 0 : i32
          %dma_wait3A_163 = tpu.memref_slice %arg13[%dma_wait3A_161, %dma_wait3A_162] : memref<10064x128xf32, #tpu.memory_space<vmem_shared>> -> memref<64x128xf32, #tpu.memory_space<vmem_shared>>
          tpu.wait_dma2 semaphore(%arg20 : memref<!tpu.dma_semaphore, #tpu.memory_space<semaphore_mem>>) src(%arg11 : memref<64x128xf32, #tpu.memory_space<vmem>>) dst(%dma_wait3A_163 : memref<64x128xf32, #tpu.memory_space<vmem_shared>>)
        } else {
        }
        %add3A_74 = arith.constant 2 : i32
        %add3A_75 = arith.addi %mul3A_68, %add3A_74 : i32
        %dma_start3A_76 = arith.constant 0 : i32
        %dma_start3A_77 = tpu.memref_slice %arg7[%add3A_75, %dma_start3A_76] : memref<40x64xi32, #tpu.memory_space<vmem>> -> memref<1x64xi32, #tpu.memory_space<vmem>>
        %dma_start3A_78 = tpu.memref_squeeze %dma_start3A_77 : memref<1x64xi32, #tpu.memory_space<vmem>> -> memref<64xi32, #tpu.memory_space<vmem>>
        %dma_start3A_79 = arith.constant 0 : i32
        %dma_start3A_80 = arith.constant 0 : i32
        %dma_start3A_81 = tpu.memref_slice %arg2[%dma_start3A_79, %dma_start3A_80] : memref<10000x128xf32, #tpu.memory_space<hbm>> -> memref<10000x128xf32, #tpu.memory_space<hbm>>
        tpu.enqueue_indirect_dma source(%dma_start3A_81 : memref<10000x128xf32, #tpu.memory_space<hbm>>) target(%arg11 : memref<64x128xf32, #tpu.memory_space<vmem>>) offsets(%dma_start3A_78 : memref<64xi32, #tpu.memory_space<vmem>>) semaphore(%arg16 : memref<!tpu.dma_semaphore, #tpu.memory_space<semaphore_mem>>)
        %dma_wait3A_82 = arith.constant 0 : i32
        %dma_wait3A_83 = arith.constant 0 : i32
        %dma_wait3A_84 = tpu.memref_slice %arg2[%dma_wait3A_82, %dma_wait3A_83] : memref<10000x128xf32, #tpu.memory_space<hbm>> -> memref<64x128xf32, #tpu.memory_space<hbm>>
        %dma_wait3A_85 = arith.constant 0 : i32
        %dma_wait3A_86 = arith.constant 0 : i32
        %dma_wait3A_87 = tpu.memref_slice %arg2[%dma_wait3A_85, %dma_wait3A_86] : memref<10000x128xf32, #tpu.memory_space<hbm>> -> memref<64x128xf32, #tpu.memory_space<hbm>>
        tpu.wait_dma2 semaphore(%arg14 : memref<!tpu.dma_semaphore, #tpu.memory_space<semaphore_mem>>) src(%dma_wait3A_87 : memref<64x128xf32, #tpu.memory_space<hbm>>) dst(%arg9 : memref<64x128xf32, #tpu.memory_space<vmem>>)
        %dma_start3A_88 = arith.constant 0 : i32
        %dma_start3A_89 = tpu.memref_slice %arg8[%mul3A_68, %dma_start3A_88] : memref<40x64xi32, #tpu.memory_space<vmem>> -> memref<1x64xi32, #tpu.memory_space<vmem>>
        %dma_start3A_90 = tpu.memref_squeeze %dma_start3A_89 : memref<1x64xi32, #tpu.memory_space<vmem>> -> memref<64xi32, #tpu.memory_space<vmem>>
        %dma_start3A_91 = arith.constant 0 : i32
        %dma_start3A_92 = arith.constant 0 : i32
        %dma_start3A_93 = tpu.memref_slice %arg13[%dma_start3A_91, %dma_start3A_92] : memref<10064x128xf32, #tpu.memory_space<vmem_shared>> -> memref<10064x128xf32, #tpu.memory_space<vmem_shared>>
        tpu.enqueue_indirect_dma source(%arg9 : memref<64x128xf32, #tpu.memory_space<vmem>>) target(%dma_start3A_93 : memref<10064x128xf32, #tpu.memory_space<vmem_shared>>) offsets(%dma_start3A_90 : memref<64xi32, #tpu.memory_space<vmem>>) semaphore(%arg18 : memref<!tpu.dma_semaphore, #tpu.memory_space<semaphore_mem>>) {add = true}
        %gt3A_94 = arith.constant 0 : i32
        %gt3A_95 = arith.cmpi sgt, %scan3A_66, %gt3A_94 : i32
        %convert_element_type3A_96 = arith.extui %gt3A_95 : i1 to i32
        %cond3A_97 = arith.constant 0 : i32
        %cond3A_98 = arith.cmpi ne, %convert_element_type3A_96, %cond3A_97 : i32
        scf.if %cond3A_98 {
          %dma_wait3A_158 = arith.constant 0 : i32
          %dma_wait3A_159 = arith.constant 0 : i32
          %dma_wait3A_160 = tpu.memref_slice %arg13[%dma_wait3A_158, %dma_wait3A_159] : memref<10064x128xf32, #tpu.memory_space<vmem_shared>> -> memref<64x128xf32, #tpu.memory_space<vmem_shared>>
          %dma_wait3A_161 = arith.constant 0 : i32
          %dma_wait3A_162 = arith.constant 0 : i32
          %dma_wait3A_163 = tpu.memref_slice %arg13[%dma_wait3A_161, %dma_wait3A_162] : memref<10064x128xf32, #tpu.memory_space<vmem_shared>> -> memref<64x128xf32, #tpu.memory_space<vmem_shared>>
          tpu.wait_dma2 semaphore(%arg21 : memref<!tpu.dma_semaphore, #tpu.memory_space<semaphore_mem>>) src(%arg12 : memref<64x128xf32, #tpu.memory_space<vmem>>) dst(%dma_wait3A_163 : memref<64x128xf32, #tpu.memory_space<vmem_shared>>)
        } else {
        }
        %add3A_99 = arith.constant 3 : i32
        %add3A_100 = arith.addi %mul3A_68, %add3A_99 : i32
        %dma_start3A_101 = arith.constant 0 : i32
        %dma_start3A_102 = tpu.memref_slice %arg7[%add3A_100, %dma_start3A_101] : memref<40x64xi32, #tpu.memory_space<vmem>> -> memref<1x64xi32, #tpu.memory_space<vmem>>
        %dma_start3A_103 = tpu.memref_squeeze %dma_start3A_102 : memref<1x64xi32, #tpu.memory_space<vmem>> -> memref<64xi32, #tpu.memory_space<vmem>>
        %dma_start3A_104 = arith.constant 0 : i32
        %dma_start3A_105 = arith.constant 0 : i32
        %dma_start3A_106 = tpu.memref_slice %arg2[%dma_start3A_104, %dma_start3A_105] : memref<10000x128xf32, #tpu.memory_space<hbm>> -> memref<10000x128xf32, #tpu.memory_space<hbm>>
        tpu.enqueue_indirect_dma source(%dma_start3A_106 : memref<10000x128xf32, #tpu.memory_space<hbm>>) target(%arg12 : memref<64x128xf32, #tpu.memory_space<vmem>>) offsets(%dma_start3A_103 : memref<64xi32, #tpu.memory_space<vmem>>) semaphore(%arg17 : memref<!tpu.dma_semaphore, #tpu.memory_space<semaphore_mem>>)
        %dma_wait3A_107 = arith.constant 0 : i32
        %dma_wait3A_108 = arith.constant 0 : i32
        %dma_wait3A_109 = tpu.memref_slice %arg2[%dma_wait3A_107, %dma_wait3A_108] : memref<10000x128xf32, #tpu.memory_space<hbm>> -> memref<64x128xf32, #tpu.memory_space<hbm>>
        %dma_wait3A_110 = arith.constant 0 : i32
        %dma_wait3A_111 = arith.constant 0 : i32
        %dma_wait3A_112 = tpu.memref_slice %arg2[%dma_wait3A_110, %dma_wait3A_111] : memref<10000x128xf32, #tpu.memory_space<hbm>> -> memref<64x128xf32, #tpu.memory_space<hbm>>
        tpu.wait_dma2 semaphore(%arg15 : memref<!tpu.dma_semaphore, #tpu.memory_space<semaphore_mem>>) src(%dma_wait3A_112 : memref<64x128xf32, #tpu.memory_space<hbm>>) dst(%arg10 : memref<64x128xf32, #tpu.memory_space<vmem>>)
        %add3A_113 = arith.constant 1 : i32
        %add3A_114 = arith.addi %mul3A_68, %add3A_113 : i32
        %dma_start3A_115 = arith.constant 0 : i32
        %dma_start3A_116 = tpu.memref_slice %arg8[%add3A_114, %dma_start3A_115] : memref<40x64xi32, #tpu.memory_space<vmem>> -> memref<1x64xi32, #tpu.memory_space<vmem>>
        %dma_start3A_117 = tpu.memref_squeeze %dma_start3A_116 : memref<1x64xi32, #tpu.memory_space<vmem>> -> memref<64xi32, #tpu.memory_space<vmem>>
        %dma_start3A_118 = arith.constant 0 : i32
        %dma_start3A_119 = arith.constant 0 : i32
        %dma_start3A_120 = tpu.memref_slice %arg13[%dma_start3A_118, %dma_start3A_119] : memref<10064x128xf32, #tpu.memory_space<vmem_shared>> -> memref<10064x128xf32, #tpu.memory_space<vmem_shared>>
        tpu.enqueue_indirect_dma source(%arg10 : memref<64x128xf32, #tpu.memory_space<vmem>>) target(%dma_start3A_120 : memref<10064x128xf32, #tpu.memory_space<vmem_shared>>) offsets(%dma_start3A_117 : memref<64xi32, #tpu.memory_space<vmem>>) semaphore(%arg19 : memref<!tpu.dma_semaphore, #tpu.memory_space<semaphore_mem>>) {add = true}
        %lt3A = arith.constant 9 : i32
        %lt3A_121 = arith.cmpi slt, %scan3A_66, %lt3A : i32
        %convert_element_type3A_122 = arith.extui %lt3A_121 : i1 to i32
        %cond3A_123 = arith.constant 0 : i32
        %cond3A_124 = arith.cmpi ne, %convert_element_type3A_122, %cond3A_123 : i32
        scf.if %cond3A_124 {
          %dma_wait3A_158 = arith.constant 0 : i32
          %dma_wait3A_159 = arith.constant 0 : i32
          %dma_wait3A_160 = tpu.memref_slice %arg13[%dma_wait3A_158, %dma_wait3A_159] : memref<10064x128xf32, #tpu.memory_space<vmem_shared>> -> memref<64x128xf32, #tpu.memory_space<vmem_shared>>
          %dma_wait3A_161 = arith.constant 0 : i32
          %dma_wait3A_162 = arith.constant 0 : i32
          %dma_wait3A_163 = tpu.memref_slice %arg13[%dma_wait3A_161, %dma_wait3A_162] : memref<10064x128xf32, #tpu.memory_space<vmem_shared>> -> memref<64x128xf32, #tpu.memory_space<vmem_shared>>
          tpu.wait_dma2 semaphore(%arg18 : memref<!tpu.dma_semaphore, #tpu.memory_space<semaphore_mem>>) src(%arg9 : memref<64x128xf32, #tpu.memory_space<vmem>>) dst(%dma_wait3A_163 : memref<64x128xf32, #tpu.memory_space<vmem_shared>>)
          %add3A_164 = arith.constant 4 : i32
          %add3A_165 = arith.addi %mul3A_68, %add3A_164 : i32
          %dma_start3A_166 = arith.constant 0 : i32
          %dma_start3A_167 = tpu.memref_slice %arg7[%add3A_165, %dma_start3A_166] : memref<40x64xi32, #tpu.memory_space<vmem>> -> memref<1x64xi32, #tpu.memory_space<vmem>>
          %dma_start3A_168 = tpu.memref_squeeze %dma_start3A_167 : memref<1x64xi32, #tpu.memory_space<vmem>> -> memref<64xi32, #tpu.memory_space<vmem>>
          %dma_start3A_169 = arith.constant 0 : i32
          %dma_start3A_170 = arith.constant 0 : i32
          %dma_start3A_171 = tpu.memref_slice %arg2[%dma_start3A_169, %dma_start3A_170] : memref<10000x128xf32, #tpu.memory_space<hbm>> -> memref<10000x128xf32, #tpu.memory_space<hbm>>
          tpu.enqueue_indirect_dma source(%dma_start3A_171 : memref<10000x128xf32, #tpu.memory_space<hbm>>) target(%arg9 : memref<64x128xf32, #tpu.memory_space<vmem>>) offsets(%dma_start3A_168 : memref<64xi32, #tpu.memory_space<vmem>>) semaphore(%arg14 : memref<!tpu.dma_semaphore, #tpu.memory_space<semaphore_mem>>)
        } else {
        }
        %dma_wait3A_125 = arith.constant 0 : i32
        %dma_wait3A_126 = arith.constant 0 : i32
        %dma_wait3A_127 = tpu.memref_slice %arg2[%dma_wait3A_125, %dma_wait3A_126] : memref<10000x128xf32, #tpu.memory_space<hbm>> -> memref<64x128xf32, #tpu.memory_space<hbm>>
        %dma_wait3A_128 = arith.constant 0 : i32
        %dma_wait3A_129 = arith.constant 0 : i32
        %dma_wait3A_130 = tpu.memref_slice %arg2[%dma_wait3A_128, %dma_wait3A_129] : memref<10000x128xf32, #tpu.memory_space<hbm>> -> memref<64x128xf32, #tpu.memory_space<hbm>>
        tpu.wait_dma2 semaphore(%arg16 : memref<!tpu.dma_semaphore, #tpu.memory_space<semaphore_mem>>) src(%dma_wait3A_130 : memref<64x128xf32, #tpu.memory_space<hbm>>) dst(%arg11 : memref<64x128xf32, #tpu.memory_space<vmem>>)
        %add3A_131 = arith.constant 2 : i32
        %add3A_132 = arith.addi %mul3A_68, %add3A_131 : i32
        %dma_start3A_133 = arith.constant 0 : i32
        %dma_start3A_134 = tpu.memref_slice %arg8[%add3A_132, %dma_start3A_133] : memref<40x64xi32, #tpu.memory_space<vmem>> -> memref<1x64xi32, #tpu.memory_space<vmem>>
        %dma_start3A_135 = tpu.memref_squeeze %dma_start3A_134 : memref<1x64xi32, #tpu.memory_space<vmem>> -> memref<64xi32, #tpu.memory_space<vmem>>
        %dma_start3A_136 = arith.constant 0 : i32
        %dma_start3A_137 = arith.constant 0 : i32
        %dma_start3A_138 = tpu.memref_slice %arg13[%dma_start3A_136, %dma_start3A_137] : memref<10064x128xf32, #tpu.memory_space<vmem_shared>> -> memref<10064x128xf32, #tpu.memory_space<vmem_shared>>
        tpu.enqueue_indirect_dma source(%arg11 : memref<64x128xf32, #tpu.memory_space<vmem>>) target(%dma_start3A_138 : memref<10064x128xf32, #tpu.memory_space<vmem_shared>>) offsets(%dma_start3A_135 : memref<64xi32, #tpu.memory_space<vmem>>) semaphore(%arg20 : memref<!tpu.dma_semaphore, #tpu.memory_space<semaphore_mem>>) {add = true}
        %lt3A_139 = arith.constant 9 : i32
        %lt3A_140 = arith.cmpi slt, %scan3A_66, %lt3A_139 : i32
        %convert_element_type3A_141 = arith.extui %lt3A_140 : i1 to i32
        %cond3A_142 = arith.constant 0 : i32
        %cond3A_143 = arith.cmpi ne, %convert_element_type3A_141, %cond3A_142 : i32
        scf.if %cond3A_143 {
          %dma_wait3A_158 = arith.constant 0 : i32
          %dma_wait3A_159 = arith.constant 0 : i32
          %dma_wait3A_160 = tpu.memref_slice %arg13[%dma_wait3A_158, %dma_wait3A_159] : memref<10064x128xf32, #tpu.memory_space<vmem_shared>> -> memref<64x128xf32, #tpu.memory_space<vmem_shared>>
          %dma_wait3A_161 = arith.constant 0 : i32
          %dma_wait3A_162 = arith.constant 0 : i32
          %dma_wait3A_163 = tpu.memref_slice %arg13[%dma_wait3A_161, %dma_wait3A_162] : memref<10064x128xf32, #tpu.memory_space<vmem_shared>> -> memref<64x128xf32, #tpu.memory_space<vmem_shared>>
          tpu.wait_dma2 semaphore(%arg19 : memref<!tpu.dma_semaphore, #tpu.memory_space<semaphore_mem>>) src(%arg10 : memref<64x128xf32, #tpu.memory_space<vmem>>) dst(%dma_wait3A_163 : memref<64x128xf32, #tpu.memory_space<vmem_shared>>)
          %add3A_164 = arith.constant 5 : i32
          %add3A_165 = arith.addi %mul3A_68, %add3A_164 : i32
          %dma_start3A_166 = arith.constant 0 : i32
          %dma_start3A_167 = tpu.memref_slice %arg7[%add3A_165, %dma_start3A_166] : memref<40x64xi32, #tpu.memory_space<vmem>> -> memref<1x64xi32, #tpu.memory_space<vmem>>
          %dma_start3A_168 = tpu.memref_squeeze %dma_start3A_167 : memref<1x64xi32, #tpu.memory_space<vmem>> -> memref<64xi32, #tpu.memory_space<vmem>>
          %dma_start3A_169 = arith.constant 0 : i32
          %dma_start3A_170 = arith.constant 0 : i32
          %dma_start3A_171 = tpu.memref_slice %arg2[%dma_start3A_169, %dma_start3A_170] : memref<10000x128xf32, #tpu.memory_space<hbm>> -> memref<10000x128xf32, #tpu.memory_space<hbm>>
          tpu.enqueue_indirect_dma source(%dma_start3A_171 : memref<10000x128xf32, #tpu.memory_space<hbm>>) target(%arg10 : memref<64x128xf32, #tpu.memory_space<vmem>>) offsets(%dma_start3A_168 : memref<64xi32, #tpu.memory_space<vmem>>) semaphore(%arg15 : memref<!tpu.dma_semaphore, #tpu.memory_space<semaphore_mem>>)
        } else {
        }
        %dma_wait3A_144 = arith.constant 0 : i32
        %dma_wait3A_145 = arith.constant 0 : i32
        %dma_wait3A_146 = tpu.memref_slice %arg2[%dma_wait3A_144, %dma_wait3A_145] : memref<10000x128xf32, #tpu.memory_space<hbm>> -> memref<64x128xf32, #tpu.memory_space<hbm>>
        %dma_wait3A_147 = arith.constant 0 : i32
        %dma_wait3A_148 = arith.constant 0 : i32
        %dma_wait3A_149 = tpu.memref_slice %arg2[%dma_wait3A_147, %dma_wait3A_148] : memref<10000x128xf32, #tpu.memory_space<hbm>> -> memref<64x128xf32, #tpu.memory_space<hbm>>
        tpu.wait_dma2 semaphore(%arg17 : memref<!tpu.dma_semaphore, #tpu.memory_space<semaphore_mem>>) src(%dma_wait3A_149 : memref<64x128xf32, #tpu.memory_space<hbm>>) dst(%arg12 : memref<64x128xf32, #tpu.memory_space<vmem>>)
        %add3A_150 = arith.constant 3 : i32
        %add3A_151 = arith.addi %mul3A_68, %add3A_150 : i32
        %dma_start3A_152 = arith.constant 0 : i32
        %dma_start3A_153 = tpu.memref_slice %arg8[%add3A_151, %dma_start3A_152] : memref<40x64xi32, #tpu.memory_space<vmem>> -> memref<1x64xi32, #tpu.memory_space<vmem>>
        %dma_start3A_154 = tpu.memref_squeeze %dma_start3A_153 : memref<1x64xi32, #tpu.memory_space<vmem>> -> memref<64xi32, #tpu.memory_space<vmem>>
        %dma_start3A_155 = arith.constant 0 : i32
        %dma_start3A_156 = arith.constant 0 : i32
        %dma_start3A_157 = tpu.memref_slice %arg13[%dma_start3A_155, %dma_start3A_156] : memref<10064x128xf32, #tpu.memory_space<vmem_shared>> -> memref<10064x128xf32, #tpu.memory_space<vmem_shared>>
        tpu.enqueue_indirect_dma source(%arg12 : memref<64x128xf32, #tpu.memory_space<vmem>>) target(%dma_start3A_157 : memref<10064x128xf32, #tpu.memory_space<vmem_shared>>) offsets(%dma_start3A_154 : memref<64xi32, #tpu.memory_space<vmem>>) semaphore(%arg21 : memref<!tpu.dma_semaphore, #tpu.memory_space<semaphore_mem>>) {add = true}
      }
      %scan3A_42 = arith.constant 10 : i32
      %dma_wait3A = arith.constant 0 : i32
      %dma_wait3A_43 = arith.constant 0 : i32
      %dma_wait3A_44 = tpu.memref_slice %arg13[%dma_wait3A, %dma_wait3A_43] : memref<10064x128xf32, #tpu.memory_space<vmem_shared>> -> memref<64x128xf32, #tpu.memory_space<vmem_shared>>
      %dma_wait3A_45 = arith.constant 0 : i32
      %dma_wait3A_46 = arith.constant 0 : i32
      %dma_wait3A_47 = tpu.memref_slice %arg13[%dma_wait3A_45, %dma_wait3A_46] : memref<10064x128xf32, #tpu.memory_space<vmem_shared>> -> memref<64x128xf32, #tpu.memory_space<vmem_shared>>
      tpu.wait_dma2 semaphore(%arg18 : memref<!tpu.dma_semaphore, #tpu.memory_space<semaphore_mem>>) src(%arg9 : memref<64x128xf32, #tpu.memory_space<vmem>>) dst(%dma_wait3A_47 : memref<64x128xf32, #tpu.memory_space<vmem_shared>>)
      %dma_wait3A_48 = arith.constant 0 : i32
      %dma_wait3A_49 = arith.constant 0 : i32
      %dma_wait3A_50 = tpu.memref_slice %arg13[%dma_wait3A_48, %dma_wait3A_49] : memref<10064x128xf32, #tpu.memory_space<vmem_shared>> -> memref<64x128xf32, #tpu.memory_space<vmem_shared>>
      %dma_wait3A_51 = arith.constant 0 : i32
      %dma_wait3A_52 = arith.constant 0 : i32
      %dma_wait3A_53 = tpu.memref_slice %arg13[%dma_wait3A_51, %dma_wait3A_52] : memref<10064x128xf32, #tpu.memory_space<vmem_shared>> -> memref<64x128xf32, #tpu.memory_space<vmem_shared>>
      tpu.wait_dma2 semaphore(%arg19 : memref<!tpu.dma_semaphore, #tpu.memory_space<semaphore_mem>>) src(%arg10 : memref<64x128xf32, #tpu.memory_space<vmem>>) dst(%dma_wait3A_53 : memref<64x128xf32, #tpu.memory_space<vmem_shared>>)
      %dma_wait3A_54 = arith.constant 0 : i32
      %dma_wait3A_55 = arith.constant 0 : i32
      %dma_wait3A_56 = tpu.memref_slice %arg13[%dma_wait3A_54, %dma_wait3A_55] : memref<10064x128xf32, #tpu.memory_space<vmem_shared>> -> memref<64x128xf32, #tpu.memory_space<vmem_shared>>
      %dma_wait3A_57 = arith.constant 0 : i32
      %dma_wait3A_58 = arith.constant 0 : i32
      %dma_wait3A_59 = tpu.memref_slice %arg13[%dma_wait3A_57, %dma_wait3A_58] : memref<10064x128xf32, #tpu.memory_space<vmem_shared>> -> memref<64x128xf32, #tpu.memory_space<vmem_shared>>
      tpu.wait_dma2 semaphore(%arg20 : memref<!tpu.dma_semaphore, #tpu.memory_space<semaphore_mem>>) src(%arg11 : memref<64x128xf32, #tpu.memory_space<vmem>>) dst(%dma_wait3A_59 : memref<64x128xf32, #tpu.memory_space<vmem_shared>>)
      %dma_wait3A_60 = arith.constant 0 : i32
      %dma_wait3A_61 = arith.constant 0 : i32
      %dma_wait3A_62 = tpu.memref_slice %arg13[%dma_wait3A_60, %dma_wait3A_61] : memref<10064x128xf32, #tpu.memory_space<vmem_shared>> -> memref<64x128xf32, #tpu.memory_space<vmem_shared>>
      %dma_wait3A_63 = arith.constant 0 : i32
      %dma_wait3A_64 = arith.constant 0 : i32
      %dma_wait3A_65 = tpu.memref_slice %arg13[%dma_wait3A_63, %dma_wait3A_64] : memref<10064x128xf32, #tpu.memory_space<vmem_shared>> -> memref<64x128xf32, #tpu.memory_space<vmem_shared>>
      tpu.wait_dma2 semaphore(%arg21 : memref<!tpu.dma_semaphore, #tpu.memory_space<semaphore_mem>>) src(%arg12 : memref<64x128xf32, #tpu.memory_space<vmem>>) dst(%dma_wait3A_65 : memref<64x128xf32, #tpu.memory_space<vmem_shared>>)
    }
    %scan3A_13 = arith.constant 4 : i32
    %barrier3A_14 = arith.constant 0 : index
    tpu.barrier barrier_id(%barrier3A_14)
    %mul3A_15 = arith.constant 624 : i32
    %mul3A_16 = arith.muli %arg1, %mul3A_15 : i32
    %mul3A_17 = arith.constant 624 : i32
    %mul3A_18 = arith.muli %arg1, %mul3A_17 : i32
    "tpu.region"() ({
      %run_scoped3A = tpu.sem_alloc : memref<!tpu.dma_semaphore, #tpu.memory_space<semaphore_mem>>
      %dma_start3A = arith.constant 0 : i32
      %dma_start3A_19 = tpu.memref_slice %arg6[%arg0, %mul3A_18, %dma_start3A] : memref<2x10000x128xf32, #tpu.memory_space<hbm>> -> memref<1x640x128xf32, #tpu.memory_space<hbm>>
      %dma_start3A_20 = tpu.memref_squeeze %dma_start3A_19 : memref<1x640x128xf32, #tpu.memory_space<hbm>> -> memref<640x128xf32, #tpu.memory_space<hbm>>
      %dma_start3A_21 = arith.constant 0 : i32
      %dma_start3A_22 = tpu.memref_slice %arg13[%mul3A_16, %dma_start3A_21] : memref<10064x128xf32, #tpu.memory_space<vmem_shared>> -> memref<640x128xf32, #tpu.memory_space<vmem_shared>>
      tpu.enqueue_dma source(%dma_start3A_22 : memref<640x128xf32, #tpu.memory_space<vmem_shared>>) target(%dma_start3A_20 : memref<640x128xf32, #tpu.memory_space<hbm>>) target_semaphore(%run_scoped3A : memref<!tpu.dma_semaphore, #tpu.memory_space<semaphore_mem>>)
      %dma_wait3A = arith.constant 0 : i32
      %dma_wait3A_23 = tpu.memref_slice %arg6[%arg0, %mul3A_18, %dma_wait3A] : memref<2x10000x128xf32, #tpu.memory_space<hbm>> -> memref<1x640x128xf32, #tpu.memory_space<hbm>>
      %dma_wait3A_24 = tpu.memref_squeeze %dma_wait3A_23 : memref<1x640x128xf32, #tpu.memory_space<hbm>> -> memref<640x128xf32, #tpu.memory_space<hbm>>
      %dma_wait3A_25 = arith.constant 0 : i32
      %dma_wait3A_26 = tpu.memref_slice %arg13[%mul3A_16, %dma_wait3A_25] : memref<10064x128xf32, #tpu.memory_space<vmem_shared>> -> memref<640x128xf32, #tpu.memory_space<vmem_shared>>
      tpu.wait_dma2 semaphore(%run_scoped3A : memref<!tpu.dma_semaphore, #tpu.memory_space<semaphore_mem>>) src(%dma_wait3A_26 : memref<640x128xf32, #tpu.memory_space<vmem_shared>>) dst(%dma_wait3A_24 : memref<640x128xf32, #tpu.memory_space<hbm>>)
      tpu.yield
    }) : () -> ()
    return
  }
}

#map = affine_map<(d0, d1) -> (0, 0)>
#map1 = affine_map<(d0, d1) -> (0, 0, 0)>
module attributes {stable_mosaic.version = 14 : i64} {
  func.func @_mp_body(%arg0: i32, %arg1: i32, %arg2: memref<10000x128xf32, #tpu.memory_space<hbm>>, %arg3: memref<5120x64xi32, #tpu.memory_space<hbm>>, %arg4: memref<5120x64xi32, #tpu.memory_space<hbm>>, %arg5: memref<10064x128xf32, #tpu.memory_space<hbm>>, %arg6: memref<2x10000x128xf32, #tpu.memory_space<hbm>>, %arg7: memref<40x64xi32, #tpu.memory_space<vmem>>, %arg8: memref<40x64xi32, #tpu.memory_space<vmem>>, %arg9: memref<64x128xf32, #tpu.memory_space<vmem>>, %arg10: memref<64x128xf32, #tpu.memory_space<vmem>>, %arg11: memref<64x128xf32, #tpu.memory_space<vmem>>, %arg12: memref<64x128xf32, #tpu.memory_space<vmem>>, %arg13: memref<10064x128xf32, #tpu.memory_space<vmem_shared>>, %arg14: memref<!tpu.dma_semaphore, #tpu.memory_space<semaphore_mem>>, %arg15: memref<!tpu.dma_semaphore, #tpu.memory_space<semaphore_mem>>, %arg16: memref<!tpu.dma_semaphore, #tpu.memory_space<semaphore_mem>>, %arg17: memref<!tpu.dma_semaphore, #tpu.memory_space<semaphore_mem>>, %arg18: memref<!tpu.dma_semaphore, #tpu.memory_space<semaphore_mem>>, %arg19: memref<!tpu.dma_semaphore, #tpu.memory_space<semaphore_mem>>, %arg20: memref<!tpu.dma_semaphore, #tpu.memory_space<semaphore_mem>>, %arg21: memref<!tpu.dma_semaphore, #tpu.memory_space<semaphore_mem>>) attributes {dimension_semantics = [#tpu.dimension_semantics<core_parallel>, #tpu.dimension_semantics<subcore_parallel>], iteration_bounds = array<i64: 2, 16>, scalar_prefetch = 0 : i64, scratch_operands = 15 : i64, tpu.core_type = #tpu.core_type<sc_vector_subcore>, window_params = [{transform_indices = #map}, {transform_indices = #map}, {transform_indices = #map}, {transform_indices = #map}, {transform_indices = #map1}]} {
    %mul3A = arith.constant 16 : i32
    %mul3A_0 = arith.muli %arg0, %mul3A : i32
    %add3A = arith.addi %mul3A_0, %arg1 : i32
    %mul3A_1 = arith.constant 624 : i32
    %mul3A_2 = arith.muli %arg1, %mul3A_1 : i32
    %mul3A_3 = arith.constant 624 : i32
    %mul3A_4 = arith.muli %arg1, %mul3A_3 : i32
    "tpu.region"() ({
      %run_scoped3A = tpu.sem_alloc : memref<!tpu.dma_semaphore, #tpu.memory_space<semaphore_mem>>
      %dma_start3A = arith.constant 0 : i32
      %dma_start3A_19 = tpu.memref_slice %arg13[%mul3A_4, %dma_start3A] : memref<10064x128xf32, #tpu.memory_space<vmem_shared>> -> memref<640x128xf32, #tpu.memory_space<vmem_shared>>
      %dma_start3A_20 = arith.constant 0 : i32
      %dma_start3A_21 = tpu.memref_slice %arg5[%mul3A_2, %dma_start3A_20] : memref<10064x128xf32, #tpu.memory_space<hbm>> -> memref<640x128xf32, #tpu.memory_space<hbm>>
      tpu.enqueue_dma source(%dma_start3A_21 : memref<640x128xf32, #tpu.memory_space<hbm>>) target(%dma_start3A_19 : memref<640x128xf32, #tpu.memory_space<vmem_shared>>) target_semaphore(%run_scoped3A : memref<!tpu.dma_semaphore, #tpu.memory_space<semaphore_mem>>)
      %dma_wait3A = arith.constant 0 : i32
      %dma_wait3A_22 = tpu.memref_slice %arg13[%mul3A_4, %dma_wait3A] : memref<10064x128xf32, #tpu.memory_space<vmem_shared>> -> memref<640x128xf32, #tpu.memory_space<vmem_shared>>
      %dma_wait3A_23 = arith.constant 0 : i32
      %dma_wait3A_24 = tpu.memref_slice %arg5[%mul3A_2, %dma_wait3A_23] : memref<10064x128xf32, #tpu.memory_space<hbm>> -> memref<640x128xf32, #tpu.memory_space<hbm>>
      tpu.wait_dma2 semaphore(%run_scoped3A : memref<!tpu.dma_semaphore, #tpu.memory_space<semaphore_mem>>) src(%dma_wait3A_24 : memref<640x128xf32, #tpu.memory_space<hbm>>) dst(%dma_wait3A_22 : memref<640x128xf32, #tpu.memory_space<vmem_shared>>)
      tpu.yield
    }) : () -> ()
    %eq3A = arith.constant 0 : i32
    %eq3A_5 = arith.cmpi eq, %arg1, %eq3A : i32
    %convert_element_type3A = arith.extui %eq3A_5 : i1 to i32
    %cond3A = arith.constant 0 : i32
    %cond3A_6 = arith.cmpi ne, %convert_element_type3A, %cond3A : i32
    scf.if %cond3A_6 {
      "tpu.region"() ({
        %run_scoped3A = tpu.sem_alloc : memref<!tpu.dma_semaphore, #tpu.memory_space<semaphore_mem>>
        %dma_start3A = arith.constant 10000 : i32
        %dma_start3A_19 = arith.constant 0 : i32
        %dma_start3A_20 = tpu.memref_slice %arg13[%dma_start3A, %dma_start3A_19] : memref<10064x128xf32, #tpu.memory_space<vmem_shared>> -> memref<64x128xf32, #tpu.memory_space<vmem_shared>>
        %dma_start3A_21 = arith.constant 10000 : i32
        %dma_start3A_22 = arith.constant 0 : i32
        %dma_start3A_23 = tpu.memref_slice %arg5[%dma_start3A_21, %dma_start3A_22] : memref<10064x128xf32, #tpu.memory_space<hbm>> -> memref<64x128xf32, #tpu.memory_space<hbm>>
        tpu.enqueue_dma source(%dma_start3A_23 : memref<64x128xf32, #tpu.memory_space<hbm>>) target(%dma_start3A_20 : memref<64x128xf32, #tpu.memory_space<vmem_shared>>) target_semaphore(%run_scoped3A : memref<!tpu.dma_semaphore, #tpu.memory_space<semaphore_mem>>)
        %dma_wait3A = arith.constant 10000 : i32
        %dma_wait3A_24 = arith.constant 0 : i32
        %dma_wait3A_25 = tpu.memref_slice %arg13[%dma_wait3A, %dma_wait3A_24] : memref<10064x128xf32, #tpu.memory_space<vmem_shared>> -> memref<64x128xf32, #tpu.memory_space<vmem_shared>>
        %dma_wait3A_26 = arith.constant 10000 : i32
        %dma_wait3A_27 = arith.constant 0 : i32
        %dma_wait3A_28 = tpu.memref_slice %arg5[%dma_wait3A_26, %dma_wait3A_27] : memref<10064x128xf32, #tpu.memory_space<hbm>> -> memref<64x128xf32, #tpu.memory_space<hbm>>
        tpu.wait_dma2 semaphore(%run_scoped3A : memref<!tpu.dma_semaphore, #tpu.memory_space<semaphore_mem>>) src(%dma_wait3A_28 : memref<64x128xf32, #tpu.memory_space<hbm>>) dst(%dma_wait3A_25 : memref<64x128xf32, #tpu.memory_space<vmem_shared>>)
        tpu.yield
      }) : () -> ()
    } else {
    }
    %mul3A_7 = arith.constant 160 : i32
    %mul3A_8 = arith.muli %mul3A_7, %add3A : i32
    "tpu.region"() ({
      %run_scoped3A = tpu.sem_alloc : memref<!tpu.dma_semaphore, #tpu.memory_space<semaphore_mem>>
      %dma_start3A = arith.constant 0 : i32
      %dma_start3A_19 = tpu.memref_slice %arg3[%mul3A_8, %dma_start3A] : memref<5120x64xi32, #tpu.memory_space<hbm>> -> memref<40x64xi32, #tpu.memory_space<hbm>>
      %dma_start3A_20 = arith.constant 0 : i32
      %dma_start3A_21 = tpu.memref_slice %arg3[%mul3A_8, %dma_start3A_20] : memref<5120x64xi32, #tpu.memory_space<hbm>> -> memref<40x64xi32, #tpu.memory_space<hbm>>
      tpu.enqueue_dma source(%dma_start3A_21 : memref<40x64xi32, #tpu.memory_space<hbm>>) target(%arg7 : memref<40x64xi32, #tpu.memory_space<vmem>>) target_semaphore(%run_scoped3A : memref<!tpu.dma_semaphore, #tpu.memory_space<semaphore_mem>>)
      %dma_wait3A = arith.constant 0 : i32
      %dma_wait3A_22 = tpu.memref_slice %arg3[%mul3A_8, %dma_wait3A] : memref<5120x64xi32, #tpu.memory_space<hbm>> -> memref<40x64xi32, #tpu.memory_space<hbm>>
      %dma_wait3A_23 = arith.constant 0 : i32
      %dma_wait3A_24 = tpu.memref_slice %arg3[%mul3A_8, %dma_wait3A_23] : memref<5120x64xi32, #tpu.memory_space<hbm>> -> memref<40x64xi32, #tpu.memory_space<hbm>>
      tpu.wait_dma2 semaphore(%run_scoped3A : memref<!tpu.dma_semaphore, #tpu.memory_space<semaphore_mem>>) src(%dma_wait3A_24 : memref<40x64xi32, #tpu.memory_space<hbm>>) dst(%arg7 : memref<40x64xi32, #tpu.memory_space<vmem>>)
      tpu.yield
    }) : () -> ()
    "tpu.region"() ({
      %run_scoped3A = tpu.sem_alloc : memref<!tpu.dma_semaphore, #tpu.memory_space<semaphore_mem>>
      %dma_start3A = arith.constant 0 : i32
      %dma_start3A_19 = tpu.memref_slice %arg4[%mul3A_8, %dma_start3A] : memref<5120x64xi32, #tpu.memory_space<hbm>> -> memref<40x64xi32, #tpu.memory_space<hbm>>
      %dma_start3A_20 = arith.constant 0 : i32
      %dma_start3A_21 = tpu.memref_slice %arg4[%mul3A_8, %dma_start3A_20] : memref<5120x64xi32, #tpu.memory_space<hbm>> -> memref<40x64xi32, #tpu.memory_space<hbm>>
      tpu.enqueue_dma source(%dma_start3A_21 : memref<40x64xi32, #tpu.memory_space<hbm>>) target(%arg8 : memref<40x64xi32, #tpu.memory_space<vmem>>) target_semaphore(%run_scoped3A : memref<!tpu.dma_semaphore, #tpu.memory_space<semaphore_mem>>)
      %dma_wait3A = arith.constant 0 : i32
      %dma_wait3A_22 = tpu.memref_slice %arg4[%mul3A_8, %dma_wait3A] : memref<5120x64xi32, #tpu.memory_space<hbm>> -> memref<40x64xi32, #tpu.memory_space<hbm>>
      %dma_wait3A_23 = arith.constant 0 : i32
      %dma_wait3A_24 = tpu.memref_slice %arg4[%mul3A_8, %dma_wait3A_23] : memref<5120x64xi32, #tpu.memory_space<hbm>> -> memref<40x64xi32, #tpu.memory_space<hbm>>
      tpu.wait_dma2 semaphore(%run_scoped3A : memref<!tpu.dma_semaphore, #tpu.memory_space<semaphore_mem>>) src(%dma_wait3A_24 : memref<40x64xi32, #tpu.memory_space<hbm>>) dst(%arg8 : memref<40x64xi32, #tpu.memory_space<vmem>>)
      tpu.yield
    }) : () -> ()
    %barrier3A = arith.constant 0 : index
    tpu.barrier barrier_id(%barrier3A)
    %scan3A = arith.constant 0 : i32
    %scan3A_9 = arith.constant 0 : i32
    %scan3A_10 = arith.constant 4 : i32
    %scan3A_11 = arith.addi %scan3A_9, %scan3A_10 : i32
    %scan3A_12 = arith.constant 1 : i32
    scf.for %scan3A_19 = %scan3A_9 to %scan3A_11 step %scan3A_12  : i32 {
      %gt3A = arith.constant 0 : i32
      %gt3A_20 = arith.cmpi sgt, %scan3A_19, %gt3A : i32
      %convert_element_type3A_21 = arith.extui %gt3A_20 : i1 to i32
      %cond3A_22 = arith.constant 0 : i32
      %cond3A_23 = arith.cmpi ne, %convert_element_type3A_21, %cond3A_22 : i32
      scf.if %cond3A_23 {
        %mul3A_66 = arith.constant 40 : i32
        %mul3A_67 = arith.muli %mul3A_66, %scan3A_19 : i32
        %add3A_68 = arith.addi %mul3A_8, %mul3A_67 : i32
        "tpu.region"() ({
          %run_scoped3A = tpu.sem_alloc : memref<!tpu.dma_semaphore, #tpu.memory_space<semaphore_mem>>
          %dma_start3A_72 = arith.constant 0 : i32
          %dma_start3A_73 = tpu.memref_slice %arg3[%add3A_68, %dma_start3A_72] : memref<5120x64xi32, #tpu.memory_space<hbm>> -> memref<40x64xi32, #tpu.memory_space<hbm>>
          %dma_start3A_74 = arith.constant 0 : i32
          %dma_start3A_75 = tpu.memref_slice %arg3[%add3A_68, %dma_start3A_74] : memref<5120x64xi32, #tpu.memory_space<hbm>> -> memref<40x64xi32, #tpu.memory_space<hbm>>
          tpu.enqueue_dma source(%dma_start3A_75 : memref<40x64xi32, #tpu.memory_space<hbm>>) target(%arg7 : memref<40x64xi32, #tpu.memory_space<vmem>>) target_semaphore(%run_scoped3A : memref<!tpu.dma_semaphore, #tpu.memory_space<semaphore_mem>>)
          %dma_wait3A_76 = arith.constant 0 : i32
          %dma_wait3A_77 = tpu.memref_slice %arg3[%add3A_68, %dma_wait3A_76] : memref<5120x64xi32, #tpu.memory_space<hbm>> -> memref<40x64xi32, #tpu.memory_space<hbm>>
          %dma_wait3A_78 = arith.constant 0 : i32
          %dma_wait3A_79 = tpu.memref_slice %arg3[%add3A_68, %dma_wait3A_78] : memref<5120x64xi32, #tpu.memory_space<hbm>> -> memref<40x64xi32, #tpu.memory_space<hbm>>
          tpu.wait_dma2 semaphore(%run_scoped3A : memref<!tpu.dma_semaphore, #tpu.memory_space<semaphore_mem>>) src(%dma_wait3A_79 : memref<40x64xi32, #tpu.memory_space<hbm>>) dst(%arg7 : memref<40x64xi32, #tpu.memory_space<vmem>>)
          tpu.yield
        }) : () -> ()
        %mul3A_69 = arith.constant 40 : i32
        %mul3A_70 = arith.muli %mul3A_69, %scan3A_19 : i32
        %add3A_71 = arith.addi %mul3A_8, %mul3A_70 : i32
        "tpu.region"() ({
          %run_scoped3A = tpu.sem_alloc : memref<!tpu.dma_semaphore, #tpu.memory_space<semaphore_mem>>
          %dma_start3A_72 = arith.constant 0 : i32
          %dma_start3A_73 = tpu.memref_slice %arg4[%add3A_71, %dma_start3A_72] : memref<5120x64xi32, #tpu.memory_space<hbm>> -> memref<40x64xi32, #tpu.memory_space<hbm>>
          %dma_start3A_74 = arith.constant 0 : i32
          %dma_start3A_75 = tpu.memref_slice %arg4[%add3A_71, %dma_start3A_74] : memref<5120x64xi32, #tpu.memory_space<hbm>> -> memref<40x64xi32, #tpu.memory_space<hbm>>
          tpu.enqueue_dma source(%dma_start3A_75 : memref<40x64xi32, #tpu.memory_space<hbm>>) target(%arg8 : memref<40x64xi32, #tpu.memory_space<vmem>>) target_semaphore(%run_scoped3A : memref<!tpu.dma_semaphore, #tpu.memory_space<semaphore_mem>>)
          %dma_wait3A_76 = arith.constant 0 : i32
          %dma_wait3A_77 = tpu.memref_slice %arg4[%add3A_71, %dma_wait3A_76] : memref<5120x64xi32, #tpu.memory_space<hbm>> -> memref<40x64xi32, #tpu.memory_space<hbm>>
          %dma_wait3A_78 = arith.constant 0 : i32
          %dma_wait3A_79 = tpu.memref_slice %arg4[%add3A_71, %dma_wait3A_78] : memref<5120x64xi32, #tpu.memory_space<hbm>> -> memref<40x64xi32, #tpu.memory_space<hbm>>
          tpu.wait_dma2 semaphore(%run_scoped3A : memref<!tpu.dma_semaphore, #tpu.memory_space<semaphore_mem>>) src(%dma_wait3A_79 : memref<40x64xi32, #tpu.memory_space<hbm>>) dst(%arg8 : memref<40x64xi32, #tpu.memory_space<vmem>>)
          tpu.yield
        }) : () -> ()
      } else {
      }
      %dma_start3A = arith.constant 0 : i32
      %dma_start3A_24 = arith.constant 0 : i32
      %dma_start3A_25 = tpu.memref_slice %arg7[%dma_start3A, %dma_start3A_24] : memref<40x64xi32, #tpu.memory_space<vmem>> -> memref<1x64xi32, #tpu.memory_space<vmem>>
      %dma_start3A_26 = tpu.memref_squeeze %dma_start3A_25 : memref<1x64xi32, #tpu.memory_space<vmem>> -> memref<64xi32, #tpu.memory_space<vmem>>
      %dma_start3A_27 = arith.constant 0 : i32
      %dma_start3A_28 = arith.constant 0 : i32
      %dma_start3A_29 = tpu.memref_slice %arg2[%dma_start3A_27, %dma_start3A_28] : memref<10000x128xf32, #tpu.memory_space<hbm>> -> memref<10000x128xf32, #tpu.memory_space<hbm>>
      tpu.enqueue_indirect_dma source(%dma_start3A_29 : memref<10000x128xf32, #tpu.memory_space<hbm>>) target(%arg9 : memref<64x128xf32, #tpu.memory_space<vmem>>) offsets(%dma_start3A_26 : memref<64xi32, #tpu.memory_space<vmem>>) semaphore(%arg14 : memref<!tpu.dma_semaphore, #tpu.memory_space<semaphore_mem>>)
      %dma_start3A_30 = arith.constant 1 : i32
      %dma_start3A_31 = arith.constant 0 : i32
      %dma_start3A_32 = tpu.memref_slice %arg7[%dma_start3A_30, %dma_start3A_31] : memref<40x64xi32, #tpu.memory_space<vmem>> -> memref<1x64xi32, #tpu.memory_space<vmem>>
      %dma_start3A_33 = tpu.memref_squeeze %dma_start3A_32 : memref<1x64xi32, #tpu.memory_space<vmem>> -> memref<64xi32, #tpu.memory_space<vmem>>
      %dma_start3A_34 = arith.constant 0 : i32
      %dma_start3A_35 = arith.constant 0 : i32
      %dma_start3A_36 = tpu.memref_slice %arg2[%dma_start3A_34, %dma_start3A_35] : memref<10000x128xf32, #tpu.memory_space<hbm>> -> memref<10000x128xf32, #tpu.memory_space<hbm>>
      tpu.enqueue_indirect_dma source(%dma_start3A_36 : memref<10000x128xf32, #tpu.memory_space<hbm>>) target(%arg10 : memref<64x128xf32, #tpu.memory_space<vmem>>) offsets(%dma_start3A_33 : memref<64xi32, #tpu.memory_space<vmem>>) semaphore(%arg15 : memref<!tpu.dma_semaphore, #tpu.memory_space<semaphore_mem>>)
      %scan3A_37 = arith.constant 0 : i32
      %scan3A_38 = arith.constant 0 : i32
      %scan3A_39 = arith.constant 10 : i32
      %scan3A_40 = arith.addi %scan3A_38, %scan3A_39 : i32
      %scan3A_41 = arith.constant 1 : i32
      scf.for %scan3A_66 = %scan3A_38 to %scan3A_40 step %scan3A_41  : i32 {
        %mul3A_67 = arith.constant 4 : i32
        %mul3A_68 = arith.muli %mul3A_67, %scan3A_66 : i32
        %gt3A_69 = arith.constant 0 : i32
        %gt3A_70 = arith.cmpi sgt, %scan3A_66, %gt3A_69 : i32
        %convert_element_type3A_71 = arith.extui %gt3A_70 : i1 to i32
        %cond3A_72 = arith.constant 0 : i32
        %cond3A_73 = arith.cmpi ne, %convert_element_type3A_71, %cond3A_72 : i32
        scf.if %cond3A_73 {
          %dma_wait3A_158 = arith.constant 0 : i32
          %dma_wait3A_159 = arith.constant 0 : i32
          %dma_wait3A_160 = tpu.memref_slice %arg13[%dma_wait3A_158, %dma_wait3A_159] : memref<10064x128xf32, #tpu.memory_space<vmem_shared>> -> memref<64x128xf32, #tpu.memory_space<vmem_shared>>
          %dma_wait3A_161 = arith.constant 0 : i32
          %dma_wait3A_162 = arith.constant 0 : i32
          %dma_wait3A_163 = tpu.memref_slice %arg13[%dma_wait3A_161, %dma_wait3A_162] : memref<10064x128xf32, #tpu.memory_space<vmem_shared>> -> memref<64x128xf32, #tpu.memory_space<vmem_shared>>
          tpu.wait_dma2 semaphore(%arg20 : memref<!tpu.dma_semaphore, #tpu.memory_space<semaphore_mem>>) src(%arg11 : memref<64x128xf32, #tpu.memory_space<vmem>>) dst(%dma_wait3A_163 : memref<64x128xf32, #tpu.memory_space<vmem_shared>>)
        } else {
        }
        %add3A_74 = arith.constant 2 : i32
        %add3A_75 = arith.addi %mul3A_68, %add3A_74 : i32
        %dma_start3A_76 = arith.constant 0 : i32
        %dma_start3A_77 = tpu.memref_slice %arg7[%add3A_75, %dma_start3A_76] : memref<40x64xi32, #tpu.memory_space<vmem>> -> memref<1x64xi32, #tpu.memory_space<vmem>>
        %dma_start3A_78 = tpu.memref_squeeze %dma_start3A_77 : memref<1x64xi32, #tpu.memory_space<vmem>> -> memref<64xi32, #tpu.memory_space<vmem>>
        %dma_start3A_79 = arith.constant 0 : i32
        %dma_start3A_80 = arith.constant 0 : i32
        %dma_start3A_81 = tpu.memref_slice %arg2[%dma_start3A_79, %dma_start3A_80] : memref<10000x128xf32, #tpu.memory_space<hbm>> -> memref<10000x128xf32, #tpu.memory_space<hbm>>
        tpu.enqueue_indirect_dma source(%dma_start3A_81 : memref<10000x128xf32, #tpu.memory_space<hbm>>) target(%arg11 : memref<64x128xf32, #tpu.memory_space<vmem>>) offsets(%dma_start3A_78 : memref<64xi32, #tpu.memory_space<vmem>>) semaphore(%arg16 : memref<!tpu.dma_semaphore, #tpu.memory_space<semaphore_mem>>)
        %dma_wait3A_82 = arith.constant 0 : i32
        %dma_wait3A_83 = arith.constant 0 : i32
        %dma_wait3A_84 = tpu.memref_slice %arg2[%dma_wait3A_82, %dma_wait3A_83] : memref<10000x128xf32, #tpu.memory_space<hbm>> -> memref<64x128xf32, #tpu.memory_space<hbm>>
        %dma_wait3A_85 = arith.constant 0 : i32
        %dma_wait3A_86 = arith.constant 0 : i32
        %dma_wait3A_87 = tpu.memref_slice %arg2[%dma_wait3A_85, %dma_wait3A_86] : memref<10000x128xf32, #tpu.memory_space<hbm>> -> memref<64x128xf32, #tpu.memory_space<hbm>>
        tpu.wait_dma2 semaphore(%arg14 : memref<!tpu.dma_semaphore, #tpu.memory_space<semaphore_mem>>) src(%dma_wait3A_87 : memref<64x128xf32, #tpu.memory_space<hbm>>) dst(%arg9 : memref<64x128xf32, #tpu.memory_space<vmem>>)
        %dma_start3A_88 = arith.constant 0 : i32
        %dma_start3A_89 = tpu.memref_slice %arg8[%mul3A_68, %dma_start3A_88] : memref<40x64xi32, #tpu.memory_space<vmem>> -> memref<1x64xi32, #tpu.memory_space<vmem>>
        %dma_start3A_90 = tpu.memref_squeeze %dma_start3A_89 : memref<1x64xi32, #tpu.memory_space<vmem>> -> memref<64xi32, #tpu.memory_space<vmem>>
        %dma_start3A_91 = arith.constant 0 : i32
        %dma_start3A_92 = arith.constant 0 : i32
        %dma_start3A_93 = tpu.memref_slice %arg13[%dma_start3A_91, %dma_start3A_92] : memref<10064x128xf32, #tpu.memory_space<vmem_shared>> -> memref<10064x128xf32, #tpu.memory_space<vmem_shared>>
        tpu.enqueue_indirect_dma source(%arg9 : memref<64x128xf32, #tpu.memory_space<vmem>>) target(%dma_start3A_93 : memref<10064x128xf32, #tpu.memory_space<vmem_shared>>) offsets(%dma_start3A_90 : memref<64xi32, #tpu.memory_space<vmem>>) semaphore(%arg18 : memref<!tpu.dma_semaphore, #tpu.memory_space<semaphore_mem>>) {add = true}
        %gt3A_94 = arith.constant 0 : i32
        %gt3A_95 = arith.cmpi sgt, %scan3A_66, %gt3A_94 : i32
        %convert_element_type3A_96 = arith.extui %gt3A_95 : i1 to i32
        %cond3A_97 = arith.constant 0 : i32
        %cond3A_98 = arith.cmpi ne, %convert_element_type3A_96, %cond3A_97 : i32
        scf.if %cond3A_98 {
          %dma_wait3A_158 = arith.constant 0 : i32
          %dma_wait3A_159 = arith.constant 0 : i32
          %dma_wait3A_160 = tpu.memref_slice %arg13[%dma_wait3A_158, %dma_wait3A_159] : memref<10064x128xf32, #tpu.memory_space<vmem_shared>> -> memref<64x128xf32, #tpu.memory_space<vmem_shared>>
          %dma_wait3A_161 = arith.constant 0 : i32
          %dma_wait3A_162 = arith.constant 0 : i32
          %dma_wait3A_163 = tpu.memref_slice %arg13[%dma_wait3A_161, %dma_wait3A_162] : memref<10064x128xf32, #tpu.memory_space<vmem_shared>> -> memref<64x128xf32, #tpu.memory_space<vmem_shared>>
          tpu.wait_dma2 semaphore(%arg21 : memref<!tpu.dma_semaphore, #tpu.memory_space<semaphore_mem>>) src(%arg12 : memref<64x128xf32, #tpu.memory_space<vmem>>) dst(%dma_wait3A_163 : memref<64x128xf32, #tpu.memory_space<vmem_shared>>)
        } else {
        }
        %add3A_99 = arith.constant 3 : i32
        %add3A_100 = arith.addi %mul3A_68, %add3A_99 : i32
        %dma_start3A_101 = arith.constant 0 : i32
        %dma_start3A_102 = tpu.memref_slice %arg7[%add3A_100, %dma_start3A_101] : memref<40x64xi32, #tpu.memory_space<vmem>> -> memref<1x64xi32, #tpu.memory_space<vmem>>
        %dma_start3A_103 = tpu.memref_squeeze %dma_start3A_102 : memref<1x64xi32, #tpu.memory_space<vmem>> -> memref<64xi32, #tpu.memory_space<vmem>>
        %dma_start3A_104 = arith.constant 0 : i32
        %dma_start3A_105 = arith.constant 0 : i32
        %dma_start3A_106 = tpu.memref_slice %arg2[%dma_start3A_104, %dma_start3A_105] : memref<10000x128xf32, #tpu.memory_space<hbm>> -> memref<10000x128xf32, #tpu.memory_space<hbm>>
        tpu.enqueue_indirect_dma source(%dma_start3A_106 : memref<10000x128xf32, #tpu.memory_space<hbm>>) target(%arg12 : memref<64x128xf32, #tpu.memory_space<vmem>>) offsets(%dma_start3A_103 : memref<64xi32, #tpu.memory_space<vmem>>) semaphore(%arg17 : memref<!tpu.dma_semaphore, #tpu.memory_space<semaphore_mem>>)
        %dma_wait3A_107 = arith.constant 0 : i32
        %dma_wait3A_108 = arith.constant 0 : i32
        %dma_wait3A_109 = tpu.memref_slice %arg2[%dma_wait3A_107, %dma_wait3A_108] : memref<10000x128xf32, #tpu.memory_space<hbm>> -> memref<64x128xf32, #tpu.memory_space<hbm>>
        %dma_wait3A_110 = arith.constant 0 : i32
        %dma_wait3A_111 = arith.constant 0 : i32
        %dma_wait3A_112 = tpu.memref_slice %arg2[%dma_wait3A_110, %dma_wait3A_111] : memref<10000x128xf32, #tpu.memory_space<hbm>> -> memref<64x128xf32, #tpu.memory_space<hbm>>
        tpu.wait_dma2 semaphore(%arg15 : memref<!tpu.dma_semaphore, #tpu.memory_space<semaphore_mem>>) src(%dma_wait3A_112 : memref<64x128xf32, #tpu.memory_space<hbm>>) dst(%arg10 : memref<64x128xf32, #tpu.memory_space<vmem>>)
        %add3A_113 = arith.constant 1 : i32
        %add3A_114 = arith.addi %mul3A_68, %add3A_113 : i32
        %dma_start3A_115 = arith.constant 0 : i32
        %dma_start3A_116 = tpu.memref_slice %arg8[%add3A_114, %dma_start3A_115] : memref<40x64xi32, #tpu.memory_space<vmem>> -> memref<1x64xi32, #tpu.memory_space<vmem>>
        %dma_start3A_117 = tpu.memref_squeeze %dma_start3A_116 : memref<1x64xi32, #tpu.memory_space<vmem>> -> memref<64xi32, #tpu.memory_space<vmem>>
        %dma_start3A_118 = arith.constant 0 : i32
        %dma_start3A_119 = arith.constant 0 : i32
        %dma_start3A_120 = tpu.memref_slice %arg13[%dma_start3A_118, %dma_start3A_119] : memref<10064x128xf32, #tpu.memory_space<vmem_shared>> -> memref<10064x128xf32, #tpu.memory_space<vmem_shared>>
        tpu.enqueue_indirect_dma source(%arg10 : memref<64x128xf32, #tpu.memory_space<vmem>>) target(%dma_start3A_120 : memref<10064x128xf32, #tpu.memory_space<vmem_shared>>) offsets(%dma_start3A_117 : memref<64xi32, #tpu.memory_space<vmem>>) semaphore(%arg19 : memref<!tpu.dma_semaphore, #tpu.memory_space<semaphore_mem>>) {add = true}
        %lt3A = arith.constant 9 : i32
        %lt3A_121 = arith.cmpi slt, %scan3A_66, %lt3A : i32
        %convert_element_type3A_122 = arith.extui %lt3A_121 : i1 to i32
        %cond3A_123 = arith.constant 0 : i32
        %cond3A_124 = arith.cmpi ne, %convert_element_type3A_122, %cond3A_123 : i32
        scf.if %cond3A_124 {
          %dma_wait3A_158 = arith.constant 0 : i32
          %dma_wait3A_159 = arith.constant 0 : i32
          %dma_wait3A_160 = tpu.memref_slice %arg13[%dma_wait3A_158, %dma_wait3A_159] : memref<10064x128xf32, #tpu.memory_space<vmem_shared>> -> memref<64x128xf32, #tpu.memory_space<vmem_shared>>
          %dma_wait3A_161 = arith.constant 0 : i32
          %dma_wait3A_162 = arith.constant 0 : i32
          %dma_wait3A_163 = tpu.memref_slice %arg13[%dma_wait3A_161, %dma_wait3A_162] : memref<10064x128xf32, #tpu.memory_space<vmem_shared>> -> memref<64x128xf32, #tpu.memory_space<vmem_shared>>
          tpu.wait_dma2 semaphore(%arg18 : memref<!tpu.dma_semaphore, #tpu.memory_space<semaphore_mem>>) src(%arg9 : memref<64x128xf32, #tpu.memory_space<vmem>>) dst(%dma_wait3A_163 : memref<64x128xf32, #tpu.memory_space<vmem_shared>>)
          %add3A_164 = arith.constant 4 : i32
          %add3A_165 = arith.addi %mul3A_68, %add3A_164 : i32
          %dma_start3A_166 = arith.constant 0 : i32
          %dma_start3A_167 = tpu.memref_slice %arg7[%add3A_165, %dma_start3A_166] : memref<40x64xi32, #tpu.memory_space<vmem>> -> memref<1x64xi32, #tpu.memory_space<vmem>>
          %dma_start3A_168 = tpu.memref_squeeze %dma_start3A_167 : memref<1x64xi32, #tpu.memory_space<vmem>> -> memref<64xi32, #tpu.memory_space<vmem>>
          %dma_start3A_169 = arith.constant 0 : i32
          %dma_start3A_170 = arith.constant 0 : i32
          %dma_start3A_171 = tpu.memref_slice %arg2[%dma_start3A_169, %dma_start3A_170] : memref<10000x128xf32, #tpu.memory_space<hbm>> -> memref<10000x128xf32, #tpu.memory_space<hbm>>
          tpu.enqueue_indirect_dma source(%dma_start3A_171 : memref<10000x128xf32, #tpu.memory_space<hbm>>) target(%arg9 : memref<64x128xf32, #tpu.memory_space<vmem>>) offsets(%dma_start3A_168 : memref<64xi32, #tpu.memory_space<vmem>>) semaphore(%arg14 : memref<!tpu.dma_semaphore, #tpu.memory_space<semaphore_mem>>)
        } else {
        }
        %dma_wait3A_125 = arith.constant 0 : i32
        %dma_wait3A_126 = arith.constant 0 : i32
        %dma_wait3A_127 = tpu.memref_slice %arg2[%dma_wait3A_125, %dma_wait3A_126] : memref<10000x128xf32, #tpu.memory_space<hbm>> -> memref<64x128xf32, #tpu.memory_space<hbm>>
        %dma_wait3A_128 = arith.constant 0 : i32
        %dma_wait3A_129 = arith.constant 0 : i32
        %dma_wait3A_130 = tpu.memref_slice %arg2[%dma_wait3A_128, %dma_wait3A_129] : memref<10000x128xf32, #tpu.memory_space<hbm>> -> memref<64x128xf32, #tpu.memory_space<hbm>>
        tpu.wait_dma2 semaphore(%arg16 : memref<!tpu.dma_semaphore, #tpu.memory_space<semaphore_mem>>) src(%dma_wait3A_130 : memref<64x128xf32, #tpu.memory_space<hbm>>) dst(%arg11 : memref<64x128xf32, #tpu.memory_space<vmem>>)
        %add3A_131 = arith.constant 2 : i32
        %add3A_132 = arith.addi %mul3A_68, %add3A_131 : i32
        %dma_start3A_133 = arith.constant 0 : i32
        %dma_start3A_134 = tpu.memref_slice %arg8[%add3A_132, %dma_start3A_133] : memref<40x64xi32, #tpu.memory_space<vmem>> -> memref<1x64xi32, #tpu.memory_space<vmem>>
        %dma_start3A_135 = tpu.memref_squeeze %dma_start3A_134 : memref<1x64xi32, #tpu.memory_space<vmem>> -> memref<64xi32, #tpu.memory_space<vmem>>
        %dma_start3A_136 = arith.constant 0 : i32
        %dma_start3A_137 = arith.constant 0 : i32
        %dma_start3A_138 = tpu.memref_slice %arg13[%dma_start3A_136, %dma_start3A_137] : memref<10064x128xf32, #tpu.memory_space<vmem_shared>> -> memref<10064x128xf32, #tpu.memory_space<vmem_shared>>
        tpu.enqueue_indirect_dma source(%arg11 : memref<64x128xf32, #tpu.memory_space<vmem>>) target(%dma_start3A_138 : memref<10064x128xf32, #tpu.memory_space<vmem_shared>>) offsets(%dma_start3A_135 : memref<64xi32, #tpu.memory_space<vmem>>) semaphore(%arg20 : memref<!tpu.dma_semaphore, #tpu.memory_space<semaphore_mem>>) {add = true}
        %lt3A_139 = arith.constant 9 : i32
        %lt3A_140 = arith.cmpi slt, %scan3A_66, %lt3A_139 : i32
        %convert_element_type3A_141 = arith.extui %lt3A_140 : i1 to i32
        %cond3A_142 = arith.constant 0 : i32
        %cond3A_143 = arith.cmpi ne, %convert_element_type3A_141, %cond3A_142 : i32
        scf.if %cond3A_143 {
          %dma_wait3A_158 = arith.constant 0 : i32
          %dma_wait3A_159 = arith.constant 0 : i32
          %dma_wait3A_160 = tpu.memref_slice %arg13[%dma_wait3A_158, %dma_wait3A_159] : memref<10064x128xf32, #tpu.memory_space<vmem_shared>> -> memref<64x128xf32, #tpu.memory_space<vmem_shared>>
          %dma_wait3A_161 = arith.constant 0 : i32
          %dma_wait3A_162 = arith.constant 0 : i32
          %dma_wait3A_163 = tpu.memref_slice %arg13[%dma_wait3A_161, %dma_wait3A_162] : memref<10064x128xf32, #tpu.memory_space<vmem_shared>> -> memref<64x128xf32, #tpu.memory_space<vmem_shared>>
          tpu.wait_dma2 semaphore(%arg19 : memref<!tpu.dma_semaphore, #tpu.memory_space<semaphore_mem>>) src(%arg10 : memref<64x128xf32, #tpu.memory_space<vmem>>) dst(%dma_wait3A_163 : memref<64x128xf32, #tpu.memory_space<vmem_shared>>)
          %add3A_164 = arith.constant 5 : i32
          %add3A_165 = arith.addi %mul3A_68, %add3A_164 : i32
          %dma_start3A_166 = arith.constant 0 : i32
          %dma_start3A_167 = tpu.memref_slice %arg7[%add3A_165, %dma_start3A_166] : memref<40x64xi32, #tpu.memory_space<vmem>> -> memref<1x64xi32, #tpu.memory_space<vmem>>
          %dma_start3A_168 = tpu.memref_squeeze %dma_start3A_167 : memref<1x64xi32, #tpu.memory_space<vmem>> -> memref<64xi32, #tpu.memory_space<vmem>>
          %dma_start3A_169 = arith.constant 0 : i32
          %dma_start3A_170 = arith.constant 0 : i32
          %dma_start3A_171 = tpu.memref_slice %arg2[%dma_start3A_169, %dma_start3A_170] : memref<10000x128xf32, #tpu.memory_space<hbm>> -> memref<10000x128xf32, #tpu.memory_space<hbm>>
          tpu.enqueue_indirect_dma source(%dma_start3A_171 : memref<10000x128xf32, #tpu.memory_space<hbm>>) target(%arg10 : memref<64x128xf32, #tpu.memory_space<vmem>>) offsets(%dma_start3A_168 : memref<64xi32, #tpu.memory_space<vmem>>) semaphore(%arg15 : memref<!tpu.dma_semaphore, #tpu.memory_space<semaphore_mem>>)
        } else {
        }
        %dma_wait3A_144 = arith.constant 0 : i32
        %dma_wait3A_145 = arith.constant 0 : i32
        %dma_wait3A_146 = tpu.memref_slice %arg2[%dma_wait3A_144, %dma_wait3A_145] : memref<10000x128xf32, #tpu.memory_space<hbm>> -> memref<64x128xf32, #tpu.memory_space<hbm>>
        %dma_wait3A_147 = arith.constant 0 : i32
        %dma_wait3A_148 = arith.constant 0 : i32
        %dma_wait3A_149 = tpu.memref_slice %arg2[%dma_wait3A_147, %dma_wait3A_148] : memref<10000x128xf32, #tpu.memory_space<hbm>> -> memref<64x128xf32, #tpu.memory_space<hbm>>
        tpu.wait_dma2 semaphore(%arg17 : memref<!tpu.dma_semaphore, #tpu.memory_space<semaphore_mem>>) src(%dma_wait3A_149 : memref<64x128xf32, #tpu.memory_space<hbm>>) dst(%arg12 : memref<64x128xf32, #tpu.memory_space<vmem>>)
        %add3A_150 = arith.constant 3 : i32
        %add3A_151 = arith.addi %mul3A_68, %add3A_150 : i32
        %dma_start3A_152 = arith.constant 0 : i32
        %dma_start3A_153 = tpu.memref_slice %arg8[%add3A_151, %dma_start3A_152] : memref<40x64xi32, #tpu.memory_space<vmem>> -> memref<1x64xi32, #tpu.memory_space<vmem>>
        %dma_start3A_154 = tpu.memref_squeeze %dma_start3A_153 : memref<1x64xi32, #tpu.memory_space<vmem>> -> memref<64xi32, #tpu.memory_space<vmem>>
        %dma_start3A_155 = arith.constant 0 : i32
        %dma_start3A_156 = arith.constant 0 : i32
        %dma_start3A_157 = tpu.memref_slice %arg13[%dma_start3A_155, %dma_start3A_156] : memref<10064x128xf32, #tpu.memory_space<vmem_shared>> -> memref<10064x128xf32, #tpu.memory_space<vmem_shared>>
        tpu.enqueue_indirect_dma source(%arg12 : memref<64x128xf32, #tpu.memory_space<vmem>>) target(%dma_start3A_157 : memref<10064x128xf32, #tpu.memory_space<vmem_shared>>) offsets(%dma_start3A_154 : memref<64xi32, #tpu.memory_space<vmem>>) semaphore(%arg21 : memref<!tpu.dma_semaphore, #tpu.memory_space<semaphore_mem>>) {add = true}
      }
      %scan3A_42 = arith.constant 10 : i32
      %dma_wait3A = arith.constant 0 : i32
      %dma_wait3A_43 = arith.constant 0 : i32
      %dma_wait3A_44 = tpu.memref_slice %arg13[%dma_wait3A, %dma_wait3A_43] : memref<10064x128xf32, #tpu.memory_space<vmem_shared>> -> memref<64x128xf32, #tpu.memory_space<vmem_shared>>
      %dma_wait3A_45 = arith.constant 0 : i32
      %dma_wait3A_46 = arith.constant 0 : i32
      %dma_wait3A_47 = tpu.memref_slice %arg13[%dma_wait3A_45, %dma_wait3A_46] : memref<10064x128xf32, #tpu.memory_space<vmem_shared>> -> memref<64x128xf32, #tpu.memory_space<vmem_shared>>
      tpu.wait_dma2 semaphore(%arg18 : memref<!tpu.dma_semaphore, #tpu.memory_space<semaphore_mem>>) src(%arg9 : memref<64x128xf32, #tpu.memory_space<vmem>>) dst(%dma_wait3A_47 : memref<64x128xf32, #tpu.memory_space<vmem_shared>>)
      %dma_wait3A_48 = arith.constant 0 : i32
      %dma_wait3A_49 = arith.constant 0 : i32
      %dma_wait3A_50 = tpu.memref_slice %arg13[%dma_wait3A_48, %dma_wait3A_49] : memref<10064x128xf32, #tpu.memory_space<vmem_shared>> -> memref<64x128xf32, #tpu.memory_space<vmem_shared>>
      %dma_wait3A_51 = arith.constant 0 : i32
      %dma_wait3A_52 = arith.constant 0 : i32
      %dma_wait3A_53 = tpu.memref_slice %arg13[%dma_wait3A_51, %dma_wait3A_52] : memref<10064x128xf32, #tpu.memory_space<vmem_shared>> -> memref<64x128xf32, #tpu.memory_space<vmem_shared>>
      tpu.wait_dma2 semaphore(%arg19 : memref<!tpu.dma_semaphore, #tpu.memory_space<semaphore_mem>>) src(%arg10 : memref<64x128xf32, #tpu.memory_space<vmem>>) dst(%dma_wait3A_53 : memref<64x128xf32, #tpu.memory_space<vmem_shared>>)
      %dma_wait3A_54 = arith.constant 0 : i32
      %dma_wait3A_55 = arith.constant 0 : i32
      %dma_wait3A_56 = tpu.memref_slice %arg13[%dma_wait3A_54, %dma_wait3A_55] : memref<10064x128xf32, #tpu.memory_space<vmem_shared>> -> memref<64x128xf32, #tpu.memory_space<vmem_shared>>
      %dma_wait3A_57 = arith.constant 0 : i32
      %dma_wait3A_58 = arith.constant 0 : i32
      %dma_wait3A_59 = tpu.memref_slice %arg13[%dma_wait3A_57, %dma_wait3A_58] : memref<10064x128xf32, #tpu.memory_space<vmem_shared>> -> memref<64x128xf32, #tpu.memory_space<vmem_shared>>
      tpu.wait_dma2 semaphore(%arg20 : memref<!tpu.dma_semaphore, #tpu.memory_space<semaphore_mem>>) src(%arg11 : memref<64x128xf32, #tpu.memory_space<vmem>>) dst(%dma_wait3A_59 : memref<64x128xf32, #tpu.memory_space<vmem_shared>>)
      %dma_wait3A_60 = arith.constant 0 : i32
      %dma_wait3A_61 = arith.constant 0 : i32
      %dma_wait3A_62 = tpu.memref_slice %arg13[%dma_wait3A_60, %dma_wait3A_61] : memref<10064x128xf32, #tpu.memory_space<vmem_shared>> -> memref<64x128xf32, #tpu.memory_space<vmem_shared>>
      %dma_wait3A_63 = arith.constant 0 : i32
      %dma_wait3A_64 = arith.constant 0 : i32
      %dma_wait3A_65 = tpu.memref_slice %arg13[%dma_wait3A_63, %dma_wait3A_64] : memref<10064x128xf32, #tpu.memory_space<vmem_shared>> -> memref<64x128xf32, #tpu.memory_space<vmem_shared>>
      tpu.wait_dma2 semaphore(%arg21 : memref<!tpu.dma_semaphore, #tpu.memory_space<semaphore_mem>>) src(%arg12 : memref<64x128xf32, #tpu.memory_space<vmem>>) dst(%dma_wait3A_65 : memref<64x128xf32, #tpu.memory_space<vmem_shared>>)
    }
    %scan3A_13 = arith.constant 4 : i32
    %barrier3A_14 = arith.constant 0 : index
    tpu.barrier barrier_id(%barrier3A_14)
    %mul3A_15 = arith.constant 624 : i32
    %mul3A_16 = arith.muli %arg1, %mul3A_15 : i32
    %mul3A_17 = arith.constant 624 : i32
    %mul3A_18 = arith.muli %arg1, %mul3A_17 : i32
    "tpu.region"() ({
      %run_scoped3A = tpu.sem_alloc : memref<!tpu.dma_semaphore, #tpu.memory_space<semaphore_mem>>
      %dma_start3A = arith.constant 0 : i32
      %dma_start3A_19 = tpu.memref_slice %arg6[%arg0, %mul3A_18, %dma_start3A] : memref<2x10000x128xf32, #tpu.memory_space<hbm>> -> memref<1x640x128xf32, #tpu.memory_space<hbm>>
      %dma_start3A_20 = tpu.memref_squeeze %dma_start3A_19 : memref<1x640x128xf32, #tpu.memory_space<hbm>> -> memref<640x128xf32, #tpu.memory_space<hbm>>
      %dma_start3A_21 = arith.constant 0 : i32
      %dma_start3A_22 = tpu.memref_slice %arg13[%mul3A_16, %dma_start3A_21] : memref<10064x128xf32, #tpu.memory_space<vmem_shared>> -> memref<640x128xf32, #tpu.memory_space<vmem_shared>>
      tpu.enqueue_dma source(%dma_start3A_22 : memref<640x128xf32, #tpu.memory_space<vmem_shared>>) target(%dma_start3A_20 : memref<640x128xf32, #tpu.memory_space<hbm>>) target_semaphore(%run_scoped3A : memref<!tpu.dma_semaphore, #tpu.memory_space<semaphore_mem>>)
      %dma_wait3A = arith.constant 0 : i32
      %dma_wait3A_23 = tpu.memref_slice %arg6[%arg0, %mul3A_18, %dma_wait3A] : memref<2x10000x128xf32, #tpu.memory_space<hbm>> -> memref<1x640x128xf32, #tpu.memory_space<hbm>>
      %dma_wait3A_24 = tpu.memref_squeeze %dma_wait3A_23 : memref<1x640x128xf32, #tpu.memory_space<hbm>> -> memref<640x128xf32, #tpu.memory_space<hbm>>
      %dma_wait3A_25 = arith.constant 0 : i32
      %dma_wait3A_26 = tpu.memref_slice %arg13[%mul3A_16, %dma_wait3A_25] : memref<10064x128xf32, #tpu.memory_space<vmem_shared>> -> memref<640x128xf32, #tpu.memory_space<vmem_shared>>
      tpu.wait_dma2 semaphore(%run_scoped3A : memref<!tpu.dma_semaphore, #tpu.memory_space<semaphore_mem>>) src(%dma_wait3A_26 : memref<640x128xf32, #tpu.memory_space<vmem_shared>>) dst(%dma_wait3A_24 : memref<640x128xf32, #tpu.memory_space<hbm>>)
      tpu.yield
    }) : () -> ()
    return
  }
}

module attributes {stable_mosaic.version = 14 : i64} {
  func.func @_pre_body(%arg0: i32, %arg1: memref<1000x128xf32, #tpu.memory_space<vmem>>, %arg2: memref<128x128xf32, #tpu.memory_space<vmem>>, %arg3: memref<1x128xf32, #tpu.memory_space<vmem>>, %arg4: memref<1000x128xf32, #tpu.memory_space<vmem>>) attributes {dimension_semantics = [#tpu.dimension_semantics<arbitrary>], iteration_bounds = array<i64: 10>, scalar_prefetch = 0 : i64, scratch_operands = 0 : i64, tpu.core_type = #tpu.core_type<tc>, window_params = [{transform_indices = @transform_0, window_bounds = array<i64: 1000, 128>}, {pipeline_mode = #tpu.pipeline_mode<synchronous>, transform_indices = @transform_1, window_bounds = array<i64: 128, 128>}, {pipeline_mode = #tpu.pipeline_mode<synchronous>, transform_indices = @transform_2, window_bounds = array<i64: 1, 128>}, {transform_indices = @transform_3, window_bounds = array<i64: 1000, 128>}]} {
    %get3A = arith.constant 0 : index
    %get3A_0 = arith.constant 0 : index
    %get3A_1 = vector.load %arg1[%get3A, %get3A_0] : memref<1000x128xf32, #tpu.memory_space<vmem>>, vector<1000x128xf32>
    %get3A_2 = arith.constant 0 : index
    %get3A_3 = arith.constant 0 : index
    %get3A_4 = vector.load %arg2[%get3A_2, %get3A_3] : memref<128x128xf32, #tpu.memory_space<vmem>>, vector<128x128xf32>
    %dot_general3A = arith.constant dense<0.000000e+00> : vector<1000x128xf32>
    %dot_general3A_5 = tpu.matmul %get3A_1, %get3A_4, %dot_general3A {dimension_numbers = #tpu.dot_dimension_numbers<[1], [0], [0], [1], [0, 0, 1, 1], [], []>, transpose_lhs_hint = false} : vector<1000x128xf32>, vector<128x128xf32>, vector<1000x128xf32> -> vector<1000x128xf32>
    %get3A_6 = arith.constant 0 : index
    %get3A_7 = arith.constant 0 : index
    %get3A_8 = vector.load %arg3[%get3A_6, %get3A_7] : memref<1x128xf32, #tpu.memory_space<vmem>>, vector<1x128xf32>
    %add3A = vector.broadcast %get3A_8 : vector<1x128xf32> to vector<1000x128xf32>
    %add3A_9 = arith.addf %dot_general3A_5, %add3A : vector<1000x128xf32>
    %swap3A = arith.constant 0 : index
    %swap3A_10 = arith.constant 0 : index
    %swap3A_11 = vector.load %arg4[%swap3A, %swap3A_10] : memref<1000x128xf32, #tpu.memory_space<vmem>>, vector<1000x128xf32>
    tpu.vector_store %arg4[%swap3A, %swap3A_10], %add3A_9 {strides = array<i32>} : memref<1000x128xf32, #tpu.memory_space<vmem>>, vector<1000x128xf32>,
    return
  }
  func.func @transform_0(%arg0: i32) -> (i32, i32) {
    %c0_i32 = arith.constant 0 : i32
    %c0_i32_0 = arith.constant 0 : i32
    return %arg0, %c0_i32 : i32, i32
  }
  func.func @transform_1(%arg0: i32) -> (i32, i32) {
    %c0_i32 = arith.constant 0 : i32
    %c0_i32_0 = arith.constant 0 : i32
    %c0_i32_1 = arith.constant 0 : i32
    return %c0_i32, %c0_i32_0 : i32, i32
  }
  func.func @transform_2(%arg0: i32) -> (i32, i32) {
    %c0_i32 = arith.constant 0 : i32
    %c0_i32_0 = arith.constant 0 : i32
    %c0_i32_1 = arith.constant 0 : i32
    return %c0_i32, %c0_i32_0 : i32, i32
  }
  func.func @transform_3(%arg0: i32) -> (i32, i32) {
    %c0_i32 = arith.constant 0 : i32
    %c0_i32_0 = arith.constant 0 : i32
    return %arg0, %c0_i32 : i32, i32
  }
}

module attributes {stable_mosaic.version = 14 : i64} {
  func.func @_update_body(%arg0: i32, %arg1: memref<1000x128xf32, #tpu.memory_space<vmem>>, %arg2: memref<1000x128xf32, #tpu.memory_space<vmem>>, %arg3: memref<1000x128xf32, #tpu.memory_space<vmem>>, %arg4: memref<128x128xf32, #tpu.memory_space<vmem>>, %arg5: memref<1000x128xf32, #tpu.memory_space<vmem>>) attributes {dimension_semantics = [#tpu.dimension_semantics<arbitrary>], iteration_bounds = array<i64: 10>, scalar_prefetch = 0 : i64, scratch_operands = 0 : i64, tpu.core_type = #tpu.core_type<tc>, window_params = [{transform_indices = @transform_0, window_bounds = array<i64: 1000, 128>}, {transform_indices = @transform_1, window_bounds = array<i64: 1000, 128>}, {transform_indices = @transform_2, window_bounds = array<i64: 1000, 128>}, {pipeline_mode = #tpu.pipeline_mode<synchronous>, transform_indices = @transform_3, window_bounds = array<i64: 128, 128>}, {transform_indices = @transform_4, window_bounds = array<i64: 1000, 128>}]} {
    %get3A = arith.constant 0 : index
    %get3A_0 = arith.constant 0 : index
    %get3A_1 = vector.load %arg2[%get3A, %get3A_0] : memref<1000x128xf32, #tpu.memory_space<vmem>>, vector<1000x128xf32>
    %get3A_2 = arith.constant 0 : index
    %get3A_3 = arith.constant 0 : index
    %get3A_4 = vector.load %arg3[%get3A_2, %get3A_3] : memref<1000x128xf32, #tpu.memory_space<vmem>>, vector<1000x128xf32>
    %add3A = arith.addf %get3A_1, %get3A_4 : vector<1000x128xf32>
    %get3A_5 = arith.constant 0 : index
    %get3A_6 = arith.constant 0 : index
    %get3A_7 = vector.load %arg1[%get3A_5, %get3A_6] : memref<1000x128xf32, #tpu.memory_space<vmem>>, vector<1000x128xf32>
    %get3A_8 = arith.constant 0 : index
    %get3A_9 = arith.constant 0 : index
    %get3A_10 = vector.load %arg4[%get3A_8, %get3A_9] : memref<128x128xf32, #tpu.memory_space<vmem>>, vector<128x128xf32>
    %dot_general3A = arith.constant dense<0.000000e+00> : vector<1000x128xf32>
    %dot_general3A_11 = tpu.matmul %add3A, %get3A_10, %dot_general3A {dimension_numbers = #tpu.dot_dimension_numbers<[1], [0], [0], [1], [0, 0, 1, 1], [], []>, transpose_lhs_hint = false} : vector<1000x128xf32>, vector<128x128xf32>, vector<1000x128xf32> -> vector<1000x128xf32>
    %add3A_12 = arith.addf %get3A_7, %dot_general3A_11 : vector<1000x128xf32>
    %max3A = arith.constant 0.000000e+00 : f32
    %max3A_13 = vector.broadcast %max3A : f32 to vector<1000x128xf32>
    %max3A_14 = arith.maximumf %add3A_12, %max3A_13 : vector<1000x128xf32>
    %swap3A = arith.constant 0 : index
    %swap3A_15 = arith.constant 0 : index
    %swap3A_16 = vector.load %arg5[%swap3A, %swap3A_15] : memref<1000x128xf32, #tpu.memory_space<vmem>>, vector<1000x128xf32>
    tpu.vector_store %arg5[%swap3A, %swap3A_15], %max3A_14 {strides = array<i32>} : memref<1000x128xf32, #tpu.memory_space<vmem>>, vector<1000x128xf32>,
    return
  }
  func.func @transform_0(%arg0: i32) -> (i32, i32) {
    %c0_i32 = arith.constant 0 : i32
    %c0_i32_0 = arith.constant 0 : i32
    return %arg0, %c0_i32 : i32, i32
  }
  func.func @transform_1(%arg0: i32) -> (i32, i32) {
    %c0_i32 = arith.constant 0 : i32
    %c0_i32_0 = arith.constant 0 : i32
    return %arg0, %c0_i32 : i32, i32
  }
  func.func @transform_2(%arg0: i32) -> (i32, i32) {
    %c0_i32 = arith.constant 0 : i32
    %c0_i32_0 = arith.constant 0 : i32
    return %arg0, %c0_i32 : i32, i32
  }
  func.func @transform_3(%arg0: i32) -> (i32, i32) {
    %c0_i32 = arith.constant 0 : i32
    %c0_i32_0 = arith.constant 0 : i32
    %c0_i32_1 = arith.constant 0 : i32
    return %c0_i32, %c0_i32_0 : i32, i32
  }
  func.func @transform_4(%arg0: i32) -> (i32, i32) {
    %c0_i32 = arith.constant 0 : i32
    %c0_i32_0 = arith.constant 0 : i32
    return %arg0, %c0_i32 : i32, i32
  }
}

module attributes {stable_mosaic.version = 14 : i64} {
  func.func @_final_body(%arg0: i32, %arg1: memref<1000x128xf32, #tpu.memory_space<vmem>>, %arg2: memref<1000x128xf32, #tpu.memory_space<vmem>>, %arg3: memref<1000x128xf32, #tpu.memory_space<vmem>>, %arg4: memref<128x128xf32, #tpu.memory_space<vmem>>, %arg5: memref<1x128xf32, #tpu.memory_space<vmem>>, %arg6: memref<1x1xf32, #tpu.memory_space<vmem>>, %arg7: memref<1x1xf32, #tpu.memory_space<vmem>>, %arg8: memref<1x128xf32, #tpu.memory_space<vmem>>) attributes {dimension_semantics = [#tpu.dimension_semantics<arbitrary>], iteration_bounds = array<i64: 10>, scalar_prefetch = 0 : i64, scratch_operands = 1 : i64, tpu.core_type = #tpu.core_type<tc>, window_params = [{transform_indices = @transform_0, window_bounds = array<i64: 1000, 128>}, {transform_indices = @transform_1, window_bounds = array<i64: 1000, 128>}, {transform_indices = @transform_2, window_bounds = array<i64: 1000, 128>}, {pipeline_mode = #tpu.pipeline_mode<synchronous>, transform_indices = @transform_3, window_bounds = array<i64: 128, 128>}, {pipeline_mode = #tpu.pipeline_mode<synchronous>, transform_indices = @transform_4, window_bounds = array<i64: 1, 128>}, {pipeline_mode = #tpu.pipeline_mode<synchronous>, transform_indices = @transform_5, window_bounds = array<i64: 1, 1>}, {pipeline_mode = #tpu.pipeline_mode<synchronous>, transform_indices = @transform_6, window_bounds = array<i64: 1, 1>}]} {
    %get3A = arith.constant 0 : index
    %get3A_0 = arith.constant 0 : index
    %get3A_1 = vector.load %arg2[%get3A, %get3A_0] : memref<1000x128xf32, #tpu.memory_space<vmem>>, vector<1000x128xf32>
    %get3A_2 = arith.constant 0 : index
    %get3A_3 = arith.constant 0 : index
    %get3A_4 = vector.load %arg3[%get3A_2, %get3A_3] : memref<1000x128xf32, #tpu.memory_space<vmem>>, vector<1000x128xf32>
    %add3A = arith.addf %get3A_1, %get3A_4 : vector<1000x128xf32>
    %get3A_5 = arith.constant 0 : index
    %get3A_6 = arith.constant 0 : index
    %get3A_7 = vector.load %arg1[%get3A_5, %get3A_6] : memref<1000x128xf32, #tpu.memory_space<vmem>>, vector<1000x128xf32>
    %get3A_8 = arith.constant 0 : index
    %get3A_9 = arith.constant 0 : index
    %get3A_10 = vector.load %arg4[%get3A_8, %get3A_9] : memref<128x128xf32, #tpu.memory_space<vmem>>, vector<128x128xf32>
    %dot_general3A = arith.constant dense<0.000000e+00> : vector<1000x128xf32>
    %dot_general3A_11 = tpu.matmul %add3A, %get3A_10, %dot_general3A {dimension_numbers = #tpu.dot_dimension_numbers<[1], [0], [0], [1], [0, 0, 1, 1], [], []>, transpose_lhs_hint = false} : vector<1000x128xf32>, vector<128x128xf32>, vector<1000x128xf32> -> vector<1000x128xf32>
    %add3A_12 = arith.addf %get3A_7, %dot_general3A_11 : vector<1000x128xf32>
    %max3A = arith.constant 0.000000e+00 : f32
    %max3A_13 = vector.broadcast %max3A : f32 to vector<1000x128xf32>
    %max3A_14 = arith.maximumf %add3A_12, %max3A_13 : vector<1000x128xf32>
    %reduce_sum3A = arith.constant dense<0.000000e+00> : vector<128xf32>
    %reduce_sum3A_15 = vector.multi_reduction <add>, %max3A_14, %reduce_sum3A [0] : vector<1000x128xf32> to vector<128xf32>
    %broadcast_in_dim3A = vector.shape_cast %reduce_sum3A_15 : vector<128xf32> to vector<1x128xf32>
    %eq3A = arith.constant 0 : i32
    %eq3A_16 = arith.cmpi eq, %arg0, %eq3A : i32
    %convert_element_type3A = arith.extui %eq3A_16 : i1 to i32
    %cond3A = arith.constant 0 : i32
    %cond3A_17 = arith.cmpi ne, %convert_element_type3A, %cond3A : i32
    scf.if %cond3A_17 {
      %swap3A = arith.constant 0 : index
      %swap3A_27 = arith.constant 0 : index
      %swap3A_28 = vector.load %arg8[%swap3A, %swap3A_27] : memref<1x128xf32, #tpu.memory_space<vmem>>, vector<1x128xf32>
      tpu.vector_store %arg8[%swap3A, %swap3A_27], %broadcast_in_dim3A {strides = array<i32>} : memref<1x128xf32, #tpu.memory_space<vmem>>, vector<1x128xf32>,
    } else {
    }
    %gt3A = arith.constant 0 : i32
    %gt3A_18 = arith.cmpi sgt, %arg0, %gt3A : i32
    %convert_element_type3A_19 = arith.extui %gt3A_18 : i1 to i32
    %cond3A_20 = arith.constant 0 : i32
    %cond3A_21 = arith.cmpi ne, %convert_element_type3A_19, %cond3A_20 : i32
    scf.if %cond3A_21 {
      %get3A_27 = arith.constant 0 : index
      %get3A_28 = arith.constant 0 : index
      %get3A_29 = vector.load %arg8[%get3A_27, %get3A_28] : memref<1x128xf32, #tpu.memory_space<vmem>>, vector<1x128xf32>
      %add3A_30 = arith.addf %get3A_29, %broadcast_in_dim3A : vector<1x128xf32>
      %swap3A = arith.constant 0 : index
      %swap3A_31 = arith.constant 0 : index
      %swap3A_32 = vector.load %arg8[%swap3A, %swap3A_31] : memref<1x128xf32, #tpu.memory_space<vmem>>, vector<1x128xf32>
      tpu.vector_store %arg8[%swap3A, %swap3A_31], %add3A_30 {strides = array<i32>} : memref<1x128xf32, #tpu.memory_space<vmem>>, vector<1x128xf32>,
    } else {
    }
    %eq3A_22 = arith.constant 9 : i32
    %eq3A_23 = arith.cmpi eq, %arg0, %eq3A_22 : i32
    %convert_element_type3A_24 = arith.extui %eq3A_23 : i1 to i32
    %cond3A_25 = arith.constant 0 : i32
    %cond3A_26 = arith.cmpi ne, %convert_element_type3A_24, %cond3A_25 : i32
    scf.if %cond3A_26 {
      %get3A_27 = arith.constant 0 : index
      %get3A_28 = arith.constant 0 : index
      %get3A_29 = vector.load %arg8[%get3A_27, %get3A_28] : memref<1x128xf32, #tpu.memory_space<vmem>>, vector<1x128xf32>
      %get3A_30 = arith.constant 0 : index
      %get3A_31 = arith.constant 0 : index
      %get3A_32 = vector.load %arg5[%get3A_30, %get3A_31] : memref<1x128xf32, #tpu.memory_space<vmem>>, vector<1x128xf32>
      %mul3A = arith.mulf %get3A_29, %get3A_32 : vector<1x128xf32>
      %reduce_sum3A_33 = vector.shape_cast %mul3A : vector<1x128xf32> to vector<1x1x128xf32>
      %reduce_sum3A_34 = arith.constant dense<0.000000e+00> : vector<1xf32>
      %reduce_sum3A_35 = vector.multi_reduction <add>, %reduce_sum3A_33, %reduce_sum3A_34 [1, 2] : vector<1x1x128xf32> to vector<1xf32>
      %reduce_sum3A_36 = vector.shape_cast %reduce_sum3A_35 : vector<1xf32> to vector<1x1x1xf32>
      %reduce_sum3A_37 = vector.extract %reduce_sum3A_36[0, 0, 0] : f32 from vector<1x1x1xf32>
      %get3A_38 = arith.constant 0 : index
      %get3A_39 = arith.constant 0 : index
      %get3A_40 = vector.load %arg6[%get3A_38, %get3A_39] : memref<1x1xf32, #tpu.memory_space<vmem>>, vector<1x1xf32>
      %get3A_41 = vector.extract %get3A_40[0, 0] : f32 from vector<1x1xf32>
      %add3A_42 = arith.addf %reduce_sum3A_37, %get3A_41 : f32
      %reshape3A = vector.broadcast %add3A_42 : f32 to vector<1x1xf32>
      %swap3A = arith.constant 0 : index
      %swap3A_43 = arith.constant 0 : index
      %swap3A_44 = vector.load %arg7[%swap3A, %swap3A_43] : memref<1x1xf32, #tpu.memory_space<vmem>>, vector<1x1xf32>
      tpu.vector_store %arg7[%swap3A, %swap3A_43], %reshape3A {strides = array<i32>} : memref<1x1xf32, #tpu.memory_space<vmem>>, vector<1x1xf32>,
    } else {
    }
    return
  }
  func.func @transform_0(%arg0: i32) -> (i32, i32) {
    %c0_i32 = arith.constant 0 : i32
    %c0_i32_0 = arith.constant 0 : i32
    return %arg0, %c0_i32 : i32, i32
  }
  func.func @transform_1(%arg0: i32) -> (i32, i32) {
    %c0_i32 = arith.constant 0 : i32
    %c0_i32_0 = arith.constant 0 : i32
    return %arg0, %c0_i32 : i32, i32
  }
  func.func @transform_2(%arg0: i32) -> (i32, i32) {
    %c0_i32 = arith.constant 0 : i32
    %c0_i32_0 = arith.constant 0 : i32
    return %arg0, %c0_i32 : i32, i32
  }
  func.func @transform_3(%arg0: i32) -> (i32, i32) {
    %c0_i32 = arith.constant 0 : i32
    %c0_i32_0 = arith.constant 0 : i32
    %c0_i32_1 = arith.constant 0 : i32
    return %c0_i32, %c0_i32_0 : i32, i32
  }
  func.func @transform_4(%arg0: i32) -> (i32, i32) {
    %c0_i32 = arith.constant 0 : i32
    %c0_i32_0 = arith.constant 0 : i32
    %c0_i32_1 = arith.constant 0 : i32
    return %c0_i32, %c0_i32_0 : i32, i32
  }
  func.func @transform_5(%arg0: i32) -> (i32, i32) {
    %c0_i32 = arith.constant 0 : i32
    %c0_i32_0 = arith.constant 0 : i32
    %c0_i32_1 = arith.constant 0 : i32
    return %c0_i32, %c0_i32_0 : i32, i32
  }
  func.func @transform_6(%arg0: i32) -> (i32, i32) {
    %c0_i32 = arith.constant 0 : i32
    %c0_i32_0 = arith.constant 0 : i32
    %c0_i32_1 = arith.constant 0 : i32
    return %c0_i32, %c0_i32_0 : i32, i32
  }
}

</mosaic_0001>

<sc_bundles>
// kernel: kernel.11.cloned.1.call-start
scs
__scs_entry_jumppad:
0x0: {  	(pc) =	sbr.rel $0x88, $3  }
0x1: {  	(tag) =	ssettag $0x0;
	lr =	simm.s32 $0x1  }
0x2: {  	[smem:$0x3F9B] =	sst lr;
	_ =	strace $0xD0000000  }
0x3: {  	_ = 	snop  }
0x4: {  	_ = 	snop  }
0x5: {  	_ = 	snop  }
0x6: {  	_ = 	snop  }
0x7: {  	_ = 	snop  }
__scs_overlays_trampoline_lowered:
0x8: {  	[smem:$0x3FAA] =	sst s0  }
0x9: {  	[smem:$0x3FAB] =	sst s1  }
0xa: {  	[smem:$0x3FAC] =	sst s2  }
0xb: {  	[smem:$0x3FAD] =	sst s3  }
0xc: {  	[smem:$0x3FAE] =	sst s4  }
0xd: {  	[smem:$0x3FAF] =	sst s5  }
0xe: {  	[smem:$0x3FB0] =	sst s6  }
0xf: {  	[smem:$0x3FB1] =	sst s7  }
0x10: {  	[smem:$0x3FB2] =	sst s8  }
0x11: {  	[smem:$0x3FB3] =	sst s9;
	s0 =	simm.s32 @!p0 $0x0  }
0x12: {  	s1 =	sld [smem:$0x3F99];
	s0 =	simm.s32 @p0 $0x1  }
0x13: {  	[smem:$0x3FB4] =	sst s0;
	s0 =	simm.s32 @!p1 $0x0  }
0x14: {  	s2 =	sld [smem:$0x3F98];
	s0 =	simm.s32 @p1 $0x1  }
0x15: {  	[smem:$0x3FB5] =	sst s0;
	s0 =	simm.s32 @!p2 $0x0  }
0x16: {  	s3 =	sld [smem:$0x3FDB];
	s0 =	simm.s32 @p2 $0x1  }
0x17: {  	s4 =	simm.s32 $0x1BF5;
	[smem:$0x3FB7] =	sst s0  }
0x18: {  	s0 =	sld [smem:$0x3F9A];
	_ =	swait.ge [sflag:s4], $0x0  }
0x19: {  	s7 =	sld [smem:$0x3F9B]  }
0x1a: {  	s8 =	sadd.s32 $0xFFFFE003, lr  }
0x1b: {  	s9 =	sadd.s32 $0xFFFFFEF7, lr;
	s5 =	simm.s32 $0xFFFFFFFF;
	p2 =	slt.u32 s8, $0xFFFFF086  }
0x1c: {  	p1 =	slt.u32 s9, $0xF7A;
	s5 =	simm.s32 @!p2 $0x0  }
0x1d: {  	s5 =	simm.s32 @p1 $0x1;
	p0 =	seq.s32 s7, s2  }
0x1e: {  	s7 =	smul.u32 @!p0 $0xF7A, s2;
	p2 =	seq.s32 @!p0 s5, $0x0  }
0x1f: {  	s9 =	smul.u32 $0xF7A, s1;
	s8 =	simm.s32 @!p0 $0x1BF5;
	p2 =	por !p2, p0  }
0x20: {  	[sflag:s8] =	ssyncset.s32 @!p0 $0xFFFFF086;
	s6 =	sadd.s32 @!p0 s3, s7;
	s7 =	simm.s32 @!p0 $0x108  }
0x21: {  	s3 =	sadd.s32 s3, s9;
	s6 =	sadd.s32 @!p0 $0x88, s6;
	s7 =	simm.s32 @p2 $0x1082  }
0x22: {  	[simem:s7], [sflag:s8] =	dma.local @!p0 [hbm:s6], $0xF7A  }
0x23: {  	s9 =	sor.u32 $0xD0000000, s2;
	s6 =	simm.s32 $0x108;
	_ =	swait.ge @!p0 [sflag:s8], $0x0  }
0x24: {  	s3 =	sadd.s32 $0x88, s3;
	s6 =	simm.s32 @!p1 $0x1082;
	[sflag:s4] =	ssyncset.s32 $0xFFFFF086  }
0x25: {  	[simem:s6], [sflag:s4] =	dma.local [hbm:s3], $0xF7A  }
0x26: {  	[smem:$0x3F9B] =	sst s1;
	(tag) =	ssettag s2;
	_ =	strace s9  }
0x27: {  	s1 =	sld [smem:$0x3FAB]  }
0x28: {  	s2 =	sld [smem:$0x3FAC]  }
0x29: {  	s4 =	sld [smem:$0x3FAE]  }
0x2a: {  	p0 =	seq.s32 s5, $0x0;
	s5 =	sld [smem:$0x3FAF]  }
0x2b: {  	s6 =	sld [smem:$0x3FB0]  }
0x2c: {  	s7 =	sld [smem:$0x3FB1]  }
0x2d: {  	s3 =	simm.s32 $0x108;
	s8 =	sld [smem:$0x3FB2]  }
0x2e: {  	s3 =	simm.s32 @!p0 $0x1082;
	s9 =	sld [smem:$0x3FB3]  }
0x2f: {  	lr =	sadd.s32 s0, s3;
	s0 =	sld [smem:$0x3FAA]  }
0x30: {  	s3 =	sld [smem:$0x3FAD]  }
0x31: {  	[smem:$0x3FB6] =	sst s10  }
0x32: {  	s10 =	sld [smem:$0x3FB4];
	_ =	sdelay $0x3  }
0x33: {  	p0 =	seq.s32 s10, $0x1;
	s10 =	sld [smem:$0x3FB6];
	_ =	sdelay $0x3  }
0x34: {  	[smem:$0x3FB6] =	sst s10  }
0x35: {  	s10 =	sld [smem:$0x3FB5];
	_ =	sdelay $0x3  }
0x36: {  	p1 =	seq.s32 s10, $0x1;
	s10 =	sld [smem:$0x3FB6];
	_ =	sdelay $0x3  }
0x37: {  	[smem:$0x3FB6] =	sst s10  }
0x38: {  	s10 =	sld [smem:$0x3FB7]  }
0x39: {  	_ = 	snop;
	(pc) =	sbr.ind lr, $3  }
0x3a: {  	_ = 	snop  }
0x3b: {  	_ = 	snop  }
0x3c: {  	p2 =	seq.s32 s10, $0x1;
	s10 =	sld [smem:$0x3FB6]  }
0x3d: {  	_ =	shalt  }
0x3e: {  	_ =	shalt  }
0x3f: {  	_ =	shalt  }
0x40: {  	_ =	shalt  }
0x41: {  	_ =	shalt  }
0x42: {  	_ =	shalt  }
0x43: {  	_ =	shalt  }
0x44: {  	_ =	shalt  }
0x45: {  	_ =	shalt  }
0x46: {  	_ =	shalt  }
0x47: {  	_ =	shalt  }
0x48: {  	_ =	shalt  }
0x49: {  	_ =	shalt  }
0x4a: {  	_ =	shalt  }
0x4b: {  	_ =	shalt  }
0x4c: {  	_ =	shalt  }
0x4d: {  	_ =	shalt  }
0x4e: {  	_ =	shalt  }
0x4f: {  	_ =	shalt  }
0x50: {  	_ =	shalt  }
0x51: {  	_ =	shalt  }
0x52: {  	_ =	shalt  }
0x53: {  	_ =	shalt  }
0x54: {  	_ =	shalt  }
0x55: {  	_ =	shalt  }
0x56: {  	_ =	shalt  }
0x57: {  	_ =	shalt  }
0x58: {  	_ =	shalt  }
0x59: {  	_ =	shalt  }
0x5a: {  	_ =	shalt  }
0x5b: {  	_ =	shalt  }
0x5c: {  	_ =	shalt  }
0x5d: {  	_ =	shalt  }
0x5e: {  	_ =	shalt  }
0x5f: {  	_ =	shalt  }
0x60: {  	_ =	shalt  }
0x61: {  	_ =	shalt  }
0x62: {  	_ =	shalt  }
0x63: {  	_ =	shalt  }
0x64: {  	_ =	shalt  }
0x65: {  	_ =	shalt  }
0x66: {  	_ =	shalt  }
0x67: {  	_ =	shalt  }
0x68: {  	_ =	shalt  }
0x69: {  	_ =	shalt  }
0x6a: {  	_ =	shalt  }
0x6b: {  	_ =	shalt  }
0x6c: {  	_ =	shalt  }
0x6d: {  	_ =	shalt  }
0x6e: {  	_ =	shalt  }
0x6f: {  	_ =	shalt  }
0x70: {  	_ =	shalt  }
0x71: {  	_ =	shalt  }
0x72: {  	_ =	shalt  }
0x73: {  	_ =	shalt  }
0x74: {  	_ =	shalt  }
0x75: {  	_ =	shalt  }
0x76: {  	_ =	shalt  }
0x77: {  	_ =	shalt  }
0x78: {  	_ =	shalt  }
0x79: {  	_ =	shalt  }
0x7a: {  	_ =	shalt  }
0x7b: {  	_ =	shalt  }
0x7c: {  	_ =	shalt  }
0x7d: {  	_ =	shalt  }
0x7e: {  	_ =	shalt  }
0x7f: {  	_ =	shalt  }
0x80: {  	_ =	shalt  }
0x81: {  	_ =	shalt  }
0x82: {  	_ =	shalt  }
0x83: {  	_ =	shalt  }
0x84: {  	_ =	shalt  }
0x85: {  	_ =	shalt  }
0x86: {  	_ =	shalt  }
0x87: {  	_ =	shalt  }
.Lfunc_end0:
.L_simem_size_0:
called_computation_lowered:
.L_overlay_start_0:
0x88: {  	s2 =	sld [smem:$0x3FD9]  }
0x89: {  	s3 =	sld [smem:$0x3FFE];
	_ =	sdelay $0x1  }
0x8a: {  	s1 =	srdreg.scid  }
0x8b: {  	s0 =	sand.u32 $0x1, s1  }
0x8c: {  	s17 =	sshll.u32 s0, $0xA;
	s2 =	sadd.s32 s3, s2  }
0x8d: {  	s2 =	sadd.s32 s2, s17  }
0x8e: {  	[smem:$0x3FC2] =	sst s2  }
0x8f: {  	_ = 	snop  }
0x90: {  	s2 =	sld [smem:$0x3FC9];
	(tm) =	ssettm $0x1  }
0x91: {  	s18 =	sld [smem:$0x3FFB];
	_ =	sdelay $0x3  }
0x92: {  	_ =	strace s18  }
0x93: {  	s3 =	sld [smem:$0x3FFC];
	_ =	sdelay $0x3  }
0x94: {  	_ =	strace s3  }
0x95: {  	s3 =	sld [smem:$0x3FFD];
	_ =	sdelay $0x3  }
0x96: {  	_ =	strace s3  }
0x97: {  	_ =	strace $0x8FFFFFFF  }
0x98: {  	s19 =	sld [smem:$0x3FDB];
	_ =	sdelay $0x1  }
0x99: {  	s4 =	simm.s32 $_scs_section_size  }
0x9a: {  	s5 =	simm.s32 $_size__tile_overlayer_lowered;
	s6 =	simm.s32 $_tile_overlayer_lowered  }
0x9b: {  	s22 =	simm.s32 $0x1BFF;
	s21 =	sshll.u32 s6, $0x1;
	s3 =	sadd.s32 s4, s19  }
0x9c: {  	s7 =	simm.s32 $0x0;
	s20 =	sshll.u32 s5, $0x1;
	s5 =	sadd.s32 s21, s3  }
0x9d: {  	[timem:s7], [sflag:s22] =	dma.local [hbm:s5], s20  }
0x9e: {  	_ =	swait.ge [sflag:s22], s20  }
0x9f: {  	s4 =	ssub.s32 $0x0, s20;
	[sflag:s22] =	ssyncset.done $0x0  }
0xa0: {  	[sflag:s22] =	ssyncadd.s32 s4;
	_ =	sdelay $0x1  }
0xa1: {  	s23 =	simm.s32 $0x1B8B  }
0xa2: {  	_ =	swait.ge [sflag:s23], $0x1  }
0xa3: {  	[sflag:s23] =	ssyncset.done $0x0  }
0xa4: {  	s25 =	simm.s32 $0x1B8E;
	s24 =	sld [smem:$0x3FFE];
	[sflag:s23] =	ssyncadd.s32 $0xFFFFFFFF  }
0xa5: {  	s26 =	simm.s32 $execute0_lowered;
	[smem:$0x3FD2] =	sst s25  }
0xa6: {  	s5 =	sshll.u32 s26, $0x1;
	_ =	strace $0x80000046;
	[dreg:$0x1] =	wrdreg $0xFFFFFFFF  }
0xa7: {  	s28 =	simm.s32 $_size_execute0_lowered;
	s3 =	sadd.s32 s3, s5;
	[dreg:$0x0] =	wrdreg $0x0  }
0xa8: {  	s5 =	sshll.u32 s28, $0x1;
	[dreg:$0x2] =	wrdreg s3  }
0xa9: {  	[dreg:$0x3] =	wrdreg s5  }
0xaa: {  	[dreg:$0x4] =	wrdreg $0xC0  }
0xab: {  	_ =	task [dreg:s7], $0x5FFFF  }
0xac: {  	[dreg:$0x1] =	wrdreg $0xFFFFFFFF  }
0xad: {  	[dreg:$0x0] =	wrdreg $0x60  }
0xae: {  	[dreg:$0x2] =	wrdreg s2  }
0xaf: {  	[dreg:$0x3] =	wrdreg s24  }
0xb0: {  	[dreg:$0x4] =	wrdreg $0xA8000  }
0xb1: {  	[dreg:$0x5] =	wrdreg $0x9  }
0xb2: {  	_ =	task.clear_ibuf [dreg:s7], $0x6FFFF;
	_ =	strace $0x90000046  }
0xb3: {  	s29 =	simm.s32 $0x9;
	_ =	strace $0x80000048  }
0xb4: {  	_ =	swait.ge [sflag:s29], $0x1  }
0xb5: {  	[sflag:s29] =	ssyncadd.s32 $0xFFFFFFFF  }
0xb6: {  	_ =	strace $0x90000048  }
0xb7: {  	_ =	sfence  }
0xb8: {  	s30 =	sld [smem:$0x0];
	_ =	sdelay $0x2  }
0xb9: {  	s31 =	sshll.u32 s1, $0xD;
	s1 =	sshrl.u32 s1, $0x2  }
0xba: {  	s3 =	sand.u32 $0x4000, s31;
	s1 =	sadd.s32 s1, s30  }
0xbb: {  	s0 =	sor.u32 s3, s0;
	s1 =	sshll.u32 s1, $0x11  }
0xbc: {  	s0 =	sor.u32 s1, s0  }
0xbd: {  	s0 =	sadd.s32 $0x8F2B, s0  }
0xbe: {  	[sflag:s0] =	ssyncadd.remote.s32 $0x1  }
0xbf: {  	_ =	sfence.sel $0xFFFF  }
0xc0: {  	[dreg:$0x0] =	wrdreg $0xFFFFFFFF;
	(pc) =	sbr.abs _section_cstart, $3  }
0xc1: {  	[dreg:$0x1] =	wrdreg $0xFFFFFFFF  }
0xc2: {  	_ =	task.clear_ibuf [dreg:s7], $0x2FFFF;
	_ =	strace $0x9FFFFFFF  }
0xc3: {  	(tm) =	ssettm $0x7FFFFFFF  }
tec
execute0_lowered:
.L_overlay_start_1:
0x0: {  	(tag) =	ssettag $0x1  }
0x1: {  	s1 =	rddreg [dreg:$0x0]  }
0x2: {  	s0 =	rddreg [dreg:$0x1]  }
0x3: {  	s2 =	rddreg [dreg:$0x2]  }
0x4: {  	s3 =	stileid.u32;
	s4 =	srdreg.scid;
	s5 =	simm.s32 $0x0  }
0x5: {  	s29 =	simm.s32 $0x9;
	s18 =	simm.s32 $0x40;
	s19 =	simm.s32 $0x2800  }
0x6: {  	s28 =	simm.s32 $0x2;
	s30 =	simm.s32 $0x5;
	s13 =	simm.s32 $0x8  }
0x7: {  	s16 =	simm.s32 $0x1300;
	s14 =	simm.s32 $0x2600;
	s15 =	simm.s32 $0x2680  }
0x8: {  	s20 =	simm.s32 $0x2700;
	s31 =	simm.s32 $0x0;
	s6 =	smul.u32 $0x13800, s3  }
0x9: {  	s7 =	sand.u32 $0x1, s4;
	[smem:$0x7FF] =	sst s5;
	s4 =	sadd.s32 $0x2400, s0  }
0xa: {  	s5 =	sadd.s32 $0x16400, s0;
	s10 =	smul.u32 $0x4E000, s3;
	s22 =	sshll.u32 s3, $0x6  }
0xb: {  	p0 =	sne.s32 s3, $0x0;
	s8 =	smul.u32 $0x138800, s7;
	_ =	strace $0x80000047  }
0xc: {  	s21 =	ssub.s32 $0x2, s7;
	s7 =	sshll.u32 s7, $0x4;
	s17 =	sor.u32 $0x1C09, s22  }
0xd: {  	s22 =	simm.s32 $0x2780;
	s9 =	sshrl.u32 s6, $0x3;
	s11 =	sshrl.u32 s21, $0x1  }
0xe: {  	s7 =	sor.u32 s3, s7;
	s10 =	sshrl.u32 s10, $0x2;
	[dreg:$0x5] =	wrdreg s17  }
0xf: {  	s9 =	sadd.s32 s9, s0;
	s6 =	sadd.s32 s6, s8;
	s8 =	ssub.s32 s21, s11  }
0x10: {  	s10 =	sadd.s32 s10, s2;
	s12 =	smul.u32 $0xA00, s7;
	s11 =	sadd.s32 $0x138800, s2  }
0x11: {  	s21 =	simm.s32 $0x4800;
	s6 =	sshrl.u32 s6, $0x3;
	s9 =	sadd.s32 $0x2A400, s9  }
0x12: {  	s26 =	smax.u32 s8, $0x1;
	s8 =	simm.s32 $0x280;
	[dreg:$0x4] =	wrdreg s9  }
0x13: {  	s6 =	sadd.s32 s6, s0;
	s0 =	sadd.s32 $0x51500, s0;
	[dreg:$0xa] =	wrdreg s26  }
0x14: {  	s9 =	smul.u32 $0xA0, s7;
	s23 =	sadd.s32 s4, s12;
	[dreg:$0x6] =	wrdreg s0  }
0x15: {  	s24 =	sadd.s32 s5, s12;
	s26 =	simm.s32 $0x8800;
	[dreg:$0x7] =	wrdreg s23  }
0x16: {  	s12 =	simm.s32 $0x7;
	s7 =	simm.s32 $0x1380;
	[dreg:$0x8] =	wrdreg s24  }
0x17: {  	s25 =	sadd.s32 $0x51A00, s6;
	s0 =	sshrl.u32 @!p0 s11, $0x3;
	s23 =	simm.s32 $0x6800  }
0x18: {  	s24 =	simm.s32 $0x1;
	s6 =	simm.s32 $0x6;
	[dreg:$0x9] =	wrdreg s25  }
0x19: {  	s11 =	simm.s32 $0x1580;
	s25 =	sshrl.u32 s10, $0x3;
	[dreg:$0xc] =	wrdreg s0  }
0x1a: {  	s0 =	simm.s32 $0x3;
	s10 =	simm.s32 $0x4;
	[dreg:$0xb] =	wrdreg s25  }
.LBB2_1:
0x1b: {  	[dreg:$0xd] =	wrdreg s31  }
0x1c: {  	s3 =	rddreg [dreg:$0x4]  }
0x1d: {  	[spmem:s25], [sflag:s17] =	dma.local [hbm:s3], $0x2800  }
0x1e: {  	_ =	swait.ge [sflag:s29], $0x2800  }
0x1f: {  	[sflag:s29] =	ssyncset.done $0x0;
	s3 =	rddreg [dreg:$0x6]  }
0x20: {  	s25 =	rddreg [dreg:$0xc];
	[sflag:s29] =	ssyncadd.s32 $0xFFFFD800  }
0x21: {  	[spmem:s25], [sflag:s17] =	dma.local @!p0 [hbm:s3], $0x400  }
0x22: {  	s17 =	simm.s32 @!p0 $0x9  }
0x23: {  	_ =	swait.ge @!p0 [sflag:s17], $0x400  }
0x24: {  	[sflag:s17] =	ssyncset.done @!p0 $0x0  }
0x25: {  	s3 =	simm.s32 $0x0;
	s31 =	rddreg [dreg:$0x7];
	[sflag:s17] =	ssyncadd.s32 @!p0 $0xFFFFFC00  }
0x26: {  	[tilespmem:s3], [sflag:$0x9] =	stream.linear.gather [hbm4b:s31+s3], $0x1400, $0x38;
	[tilespmem:$0x1E280] =	vst v63  }
0x27: {  	_ =	swait.ge [sflag:s29], $0x1400  }
0x28: {  	[sflag:s29] =	ssyncset.done $0x0  }
0x29: {  	s31 =	simm.s32 $0x1400;
	s25 =	rddreg [dreg:$0x8];
	[sflag:s29] =	ssyncadd.s32 $0xFFFFEC00  }
0x2a: {  	[tilespmem:s31], [sflag:$0x9] =	stream.linear.gather [hbm4b:s25+s3], $0x1400, $0x38;
	[tilespmem:$0x1E280] =	vst v63  }
0x2b: {  	_ =	swait.ge [sflag:s29], $0x1400  }
0x2c: {  	[sflag:s29] =	ssyncset.done $0x0  }
0x2d: {  	[sflag:s29] =	ssyncadd.s32 $0xFFFFEC00  }
0x2e: {  	s25 =	simm.s32 $0x0;
	[bflag:$0x0] =	sbarrier.arrive $0xFFFF  }
.LBB2_2:
0x2f: {  	p1 =	seq.s32 s25, $0x0  }
0x30: {  	s17 =	smul.u32 @!p1 $0x28, s25;
	_ =	sdelay $0x1  }
0x31: {  	s17 =	sadd.s32 @!p1 s9, s17  }
0x32: {  	s17 =	sshll.u32 @!p1 s17, $0x4  }
0x33: {  	s31 =	simm.s32 @!p1 $0x0;
	s29 =	sadd.s32 @!p1 s4, s17  }
0x34: {  	[tilespmem:s31], [sflag:$0x9] =	stream.linear.gather @!p1 [hbm4b:s29+s31], $0x1400, $0x38;
	[tilespmem:$0x1E280] =	vst v63  }
0x35: {  	s29 =	simm.s32 @!p1 $0x9  }
0x36: {  	_ =	swait.ge @!p1 [sflag:s29], $0x1400  }
0x37: {  	[sflag:s29] =	ssyncset.done @!p1 $0x0  }
0x38: {  	s3 =	simm.s32 @!p1 $0x1400;
	s17 =	sadd.s32 @!p1 s5, s17;
	[sflag:s29] =	ssyncadd.s32 @!p1 $0xFFFFEC00  }
0x39: {  	[tilespmem:s3], [sflag:$0x9] =	stream.linear.gather @!p1 [hbm4b:s17+s31], $0x1400, $0x38;
	[tilespmem:$0x1E280] =	vst v63  }
0x3a: {  	_ =	swait.ge @!p1 [sflag:s29], $0x1400  }
0x3b: {  	[sflag:s29] =	ssyncset.done @!p1 $0x0  }
0x3c: {  	s31 =	simm.s32 $0x0;
	[sflag:s29] =	ssyncadd.s32 @!p1 $0xFFFFEC00  }
0x3d: {  	[tilespmem:s19], [sflag:$0x1] =	stream.indirect.gather [hbm4b:s1+s18], $0x80, s31, s18, $0xb8;
	[tilespmem:$0x1E280] =	vst v63  }
0x3e: {  	s17 =	simm.s32 $0x80  }
0x3f: {  	[tilespmem:s21], [sflag:$0x2] =	stream.indirect.gather [hbm4b:s1+s18], $0x80, s17, s18, $0xb8;
	[tilespmem:$0x1E280] =	vst v63  }
0x40: {  	s31 =	simm.s32 $0x100  }
0x41: {  	[tilespmem:s23], [sflag:$0x3] =	stream.indirect.gather [hbm4b:s1+s18], $0x80, s31, s18, $0xb8;
	[tilespmem:$0x1E280] =	vst v63  }
0x42: {  	_ =	swait.ge [sflag:s24], $0x2000  }
0x43: {  	[sflag:s24] =	ssyncset.done $0x0  }
0x44: {  	s17 =	simm.s32 $0x1400;
	[sflag:s24] =	ssyncadd.s32 $0xFFFFE000  }
0x45: {  	[spmem:s2] =	stream.indirect.scatter.add.f32 [tilespmem:s19], [sflag:$0x5], $0x80, s17, s18, $0xb8;
	[tilespmem:$0x1E280] =	vst v63  }
0x46: {  	s31 =	simm.s32 $0x180  }
0x47: {  	[tilespmem:s26], [sflag:$0x4] =	stream.indirect.gather [hbm4b:s1+s18], $0x80, s31, s18, $0xb8;
	[tilespmem:$0x1E280] =	vst v63  }
0x48: {  	_ =	swait.ge [sflag:s28], $0x2000  }
0x49: {  	[sflag:s28] =	ssyncset.done $0x0  }
0x4a: {  	s17 =	simm.s32 $0x1480;
	[sflag:s28] =	ssyncadd.s32 $0xFFFFE000  }
0x4b: {  	[spmem:s2] =	stream.indirect.scatter.add.f32 [tilespmem:s21], [sflag:$0x6], $0x80, s17, s18, $0xb8;
	[tilespmem:$0x1E280] =	vst v63  }
0x4c: {  	_ =	swait.ge [sflag:s30], $0x2000  }
0x4d: {  	[sflag:s30] =	ssyncset.done $0x0  }
0x4e: {  	s31 =	simm.s32 $0x200;
	[sflag:s30] =	ssyncadd.s32 $0xFFFFE000  }
0x4f: {  	[tilespmem:s19], [sflag:$0x1] =	stream.indirect.gather [hbm4b:s1+s18], $0x80, s31, s18, $0xb8;
	[tilespmem:$0x1E280] =	vst v63  }
0x50: {  	_ =	swait.ge [sflag:s0], $0x2000  }
0x51: {  	[sflag:s0] =	ssyncset.done $0x0  }
0x52: {  	s17 =	simm.s32 $0x1500;
	[sflag:s0] =	ssyncadd.s32 $0xFFFFE000  }
0x53: {  	[spmem:s2] =	stream.indirect.scatter.add.f32 [tilespmem:s23], [sflag:$0x7], $0x80, s17, s18, $0xb8;
	[tilespmem:$0x1E280] =	vst v63  }
0x54: {  	_ =	swait.ge [sflag:s6], $0x2000  }
0x55: {  	[sflag:s6] =	ssyncset.done $0x0  }
0x56: {  	[sflag:s6] =	ssyncadd.s32 $0xFFFFE000  }
0x57: {  	[tilespmem:s21], [sflag:$0x2] =	stream.indirect.gather [hbm4b:s1+s18], $0x80, s8, s18, $0xb8;
	[tilespmem:$0x1E280] =	vst v63  }
0x58: {  	_ =	swait.ge [sflag:s10], $0x2000  }
0x59: {  	[sflag:s10] =	ssyncset.done $0x0  }
0x5a: {  	[sflag:s10] =	ssyncadd.s32 $0xFFFFE000  }
0x5b: {  	[spmem:s2] =	stream.indirect.scatter.add.f32 [tilespmem:s26], [sflag:$0x8], $0x80, s11, s18, $0xb8;
	[tilespmem:$0x1E280] =	vst v63  }
0x5c: {  	_ =	swait.ge [sflag:s12], $0x2000  }
0x5d: {  	[sflag:s12] =	ssyncset.done $0x0  }
0x5e: {  	s31 =	simm.s32 $0x300;
	[sflag:s12] =	ssyncadd.s32 $0xFFFFE000  }
0x5f: {  	[tilespmem:s23], [sflag:$0x3] =	stream.indirect.gather [hbm4b:s1+s18], $0x80, s31, s18, $0xb8;
	[tilespmem:$0x1E280] =	vst v63  }
0x60: {  	_ =	swait.ge [sflag:s24], $0x2000  }
0x61: {  	[sflag:s24] =	ssyncset.done $0x0  }
0x62: {  	s17 =	simm.s32 $0x1600;
	[sflag:s24] =	ssyncadd.s32 $0xFFFFE000  }
0x63: {  	[spmem:s2] =	stream.indirect.scatter.add.f32 [tilespmem:s19], [sflag:$0x5], $0x80, s17, s18, $0xb8;
	[tilespmem:$0x1E280] =	vst v63  }
0x64: {  	_ =	swait.ge [sflag:s13], $0x2000  }
0x65: {  	[sflag:s13] =	ssyncset.done $0x0  }
0x66: {  	s31 =	simm.s32 $0x380;
	[sflag:s13] =	ssyncadd.s32 $0xFFFFE000  }
0x67: {  	[tilespmem:s26], [sflag:$0x4] =	stream.indirect.gather [hbm4b:s1+s18], $0x80, s31, s18, $0xb8;
	[tilespmem:$0x1E280] =	vst v63  }
0x68: {  	_ =	swait.ge [sflag:s28], $0x2000  }
0x69: {  	[sflag:s28] =	ssyncset.done $0x0  }
0x6a: {  	s17 =	simm.s32 $0x1680;
	[sflag:s28] =	ssyncadd.s32 $0xFFFFE000  }
0x6b: {  	[spmem:s2] =	stream.indirect.scatter.add.f32 [tilespmem:s21], [sflag:$0x6], $0x80, s17, s18, $0xb8;
	[tilespmem:$0x1E280] =	vst v63  }
0x6c: {  	_ =	swait.ge [sflag:s30], $0x2000  }
0x6d: {  	[sflag:s30] =	ssyncset.done $0x0  }
0x6e: {  	s31 =	simm.s32 $0x400;
	[sflag:s30] =	ssyncadd.s32 $0xFFFFE000  }
0x6f: {  	[tilespmem:s19], [sflag:$0x1] =	stream.indirect.gather [hbm4b:s1+s18], $0x80, s31, s18, $0xb8;
	[tilespmem:$0x1E280] =	vst v63  }
0x70: {  	_ =	swait.ge [sflag:s0], $0x2000  }
0x71: {  	[sflag:s0] =	ssyncset.done $0x0  }
0x72: {  	s17 =	simm.s32 $0x1700;
	[sflag:s0] =	ssyncadd.s32 $0xFFFFE000  }
0x73: {  	[spmem:s2] =	stream.indirect.scatter.add.f32 [tilespmem:s23], [sflag:$0x7], $0x80, s17, s18, $0xb8;
	[tilespmem:$0x1E280] =	vst v63  }
0x74: {  	_ =	swait.ge [sflag:s6], $0x2000  }
0x75: {  	[sflag:s6] =	ssyncset.done $0x0  }
0x76: {  	s31 =	simm.s32 $0x480;
	[sflag:s6] =	ssyncadd.s32 $0xFFFFE000  }
0x77: {  	[tilespmem:s21], [sflag:$0x2] =	stream.indirect.gather [hbm4b:s1+s18], $0x80, s31, s18, $0xb8;
	[tilespmem:$0x1E280] =	vst v63  }
0x78: {  	_ =	swait.ge [sflag:s10], $0x2000  }
0x79: {  	[sflag:s10] =	ssyncset.done $0x0  }
0x7a: {  	s29 =	simm.s32 $0x1780;
	s17 =	simm.s32 $0x800;
	[sflag:s10] =	ssyncadd.s32 $0xFFFFE000  }
.LBB2_3:
0x7b: {  	[spmem:s2] =	stream.indirect.scatter.add.f32 [tilespmem:s26], [sflag:$0x8], $0x80, s29, s18, $0xb8;
	[tilespmem:$0x1E280] =	vst v63  }
0x7c: {  	s3 =	smov.u32 s17  }
0x7d: {  	p1 =	sne.s32 s17, $0x3800;
	s17 =	sadd.s32 $0x800, s17;
	_ =	swait.ge [sflag:s12], $0x2000  }
0x7e: {  	s29 =	sshra.s32 s3, $0x2;
	[sflag:s12] =	ssyncset.done $0x0  }
0x7f: {  	s3 =	sadd.s32 $0x300, s29;
	[sflag:s12] =	ssyncadd.s32 $0xFFFFE000  }
0x80: {  	[tilespmem:s23], [sflag:$0x3] =	stream.indirect.gather [hbm4b:s1+s18], $0x80, s3, s18, $0xb8;
	[tilespmem:$0x1E280] =	vst v63  }
0x81: {  	_ =	swait.ge [sflag:s24], $0x2000  }
0x82: {  	[sflag:s24] =	ssyncset.done $0x0  }
0x83: {  	s3 =	sadd.s32 $0x1600, s29;
	[sflag:s24] =	ssyncadd.s32 $0xFFFFE000  }
0x84: {  	[spmem:s2] =	stream.indirect.scatter.add.f32 [tilespmem:s19], [sflag:$0x5], $0x80, s3, s18, $0xb8;
	[tilespmem:$0x1E280] =	vst v63  }
0x85: {  	_ =	swait.ge [sflag:s13], $0x2000  }
0x86: {  	[sflag:s13] =	ssyncset.done $0x0  }
0x87: {  	s3 =	sadd.s32 $0x380, s29;
	[sflag:s13] =	ssyncadd.s32 $0xFFFFE000  }
0x88: {  	[tilespmem:s26], [sflag:$0x4] =	stream.indirect.gather [hbm4b:s1+s18], $0x80, s3, s18, $0xb8;
	[tilespmem:$0x1E280] =	vst v63  }
0x89: {  	_ =	swait.ge [sflag:s28], $0x2000  }
0x8a: {  	[sflag:s28] =	ssyncset.done $0x0  }
0x8b: {  	s3 =	sadd.s32 $0x1680, s29;
	[sflag:s28] =	ssyncadd.s32 $0xFFFFE000  }
0x8c: {  	[spmem:s2] =	stream.indirect.scatter.add.f32 [tilespmem:s21], [sflag:$0x6], $0x80, s3, s18, $0xb8;
	[tilespmem:$0x1E280] =	vst v63  }
0x8d: {  	_ =	swait.ge [sflag:s30], $0x2000  }
0x8e: {  	[sflag:s30] =	ssyncset.done $0x0  }
0x8f: {  	s3 =	sadd.s32 $0x400, s29;
	[sflag:s30] =	ssyncadd.s32 $0xFFFFE000  }
0x90: {  	[tilespmem:s19], [sflag:$0x1] =	stream.indirect.gather [hbm4b:s1+s18], $0x80, s3, s18, $0xb8;
	[tilespmem:$0x1E280] =	vst v63  }
0x91: {  	_ =	swait.ge [sflag:s0], $0x2000  }
0x92: {  	[sflag:s0] =	ssyncset.done $0x0  }
0x93: {  	s3 =	sadd.s32 $0x1700, s29;
	[sflag:s0] =	ssyncadd.s32 $0xFFFFE000  }
0x94: {  	[spmem:s2] =	stream.indirect.scatter.add.f32 [tilespmem:s23], [sflag:$0x7], $0x80, s3, s18, $0xb8;
	[tilespmem:$0x1E280] =	vst v63  }
0x95: {  	_ =	swait.ge [sflag:s6], $0x2000  }
0x96: {  	[sflag:s6] =	ssyncset.done $0x0  }
.Ltmp0:
0x97: {  	s3 =	sadd.s32 $0x480, s29;
	[sflag:s6] =	ssyncadd.s32 $0xFFFFE000;
	(pc) =	sbr.rel @p1 .LBB2_3-.Ltmp0, $4  }
0x98: {  	[tilespmem:s21], [sflag:$0x2] =	stream.indirect.gather [hbm4b:s1+s18], $0x80, s3, s18, $0xb8;
	[tilespmem:$0x1E280] =	vst v63  }
0x99: {  	_ =	swait.ge [sflag:s10], $0x2000  }
0x9a: {  	[sflag:s10] =	ssyncset.done $0x0  }
0x9b: {  	s29 =	sadd.s32 $0x1780, s29;
	[sflag:s10] =	ssyncadd.s32 $0xFFFFE000  }
0x9c: {  	[spmem:s2] =	stream.indirect.scatter.add.f32 [tilespmem:s26], [sflag:$0x8], $0x80, s29, s18, $0xb8;
	[tilespmem:$0x1E280] =	vst v63  }
0x9d: {  	_ =	swait.ge [sflag:s12], $0x2000  }
0x9e: {  	[sflag:s12] =	ssyncset.done $0x0  }
0x9f: {  	[sflag:s12] =	ssyncadd.s32 $0xFFFFE000  }
0xa0: {  	[tilespmem:s23], [sflag:$0x3] =	stream.indirect.gather [hbm4b:s1+s18], $0x80, s16, s18, $0xb8;
	[tilespmem:$0x1E280] =	vst v63  }
0xa1: {  	_ =	swait.ge [sflag:s24], $0x2000  }
0xa2: {  	[sflag:s24] =	ssyncset.done $0x0  }
0xa3: {  	[sflag:s24] =	ssyncadd.s32 $0xFFFFE000  }
0xa4: {  	[spmem:s2] =	stream.indirect.scatter.add.f32 [tilespmem:s19], [sflag:$0x5], $0x80, s14, s18, $0xb8;
	[tilespmem:$0x1E280] =	vst v63  }
0xa5: {  	_ =	swait.ge [sflag:s13], $0x2000  }
0xa6: {  	[sflag:s13] =	ssyncset.done $0x0  }
0xa7: {  	[sflag:s13] =	ssyncadd.s32 $0xFFFFE000  }
0xa8: {  	[tilespmem:s26], [sflag:$0x4] =	stream.indirect.gather [hbm4b:s1+s18], $0x80, s7, s18, $0xb8;
	[tilespmem:$0x1E280] =	vst v63  }
0xa9: {  	_ =	swait.ge [sflag:s28], $0x2000  }
0xaa: {  	[sflag:s28] =	ssyncset.done $0x0  }
0xab: {  	[sflag:s28] =	ssyncadd.s32 $0xFFFFE000  }
0xac: {  	[spmem:s2] =	stream.indirect.scatter.add.f32 [tilespmem:s21], [sflag:$0x6], $0x80, s15, s18, $0xb8;
	[tilespmem:$0x1E280] =	vst v63  }
0xad: {  	_ =	swait.ge [sflag:s0], $0x2000  }
0xae: {  	[sflag:s0] =	ssyncset.done $0x0  }
0xaf: {  	[sflag:s0] =	ssyncadd.s32 $0xFFFFE000  }
0xb0: {  	[spmem:s2] =	stream.indirect.scatter.add.f32 [tilespmem:s23], [sflag:$0x7], $0x80, s20, s18, $0xb8;
	[tilespmem:$0x1E280] =	vst v63  }
0xb1: {  	_ =	swait.ge [sflag:s10], $0x2000  }
0xb2: {  	[sflag:s10] =	ssyncset.done $0x0  }
0xb3: {  	[sflag:s10] =	ssyncadd.s32 $0xFFFFE000  }
0xb4: {  	[spmem:s2] =	stream.indirect.scatter.add.f32 [tilespmem:s26], [sflag:$0x8], $0x80, s22, s18, $0xb8;
	[tilespmem:$0x1E280] =	vst v63  }
0xb5: {  	_ =	swait.ge [sflag:s30], $0x2000  }
0xb6: {  	[sflag:s30] =	ssyncset.done $0x0  }
0xb7: {  	[sflag:s30] =	ssyncadd.s32 $0xFFFFE000  }
0xb8: {  	_ =	swait.ge [sflag:s6], $0x2000  }
0xb9: {  	[sflag:s6] =	ssyncset.done $0x0  }
0xba: {  	s25 =	sadd.s32 $0x1, s25;
	[sflag:s6] =	ssyncadd.s32 $0xFFFFE000  }
0xbb: {  	p1 =	sne.s32 s25, $0x4;
	_ =	swait.ge [sflag:s12], $0x2000  }
.Ltmp1:
0xbc: {  	[sflag:s12] =	ssyncset.done $0x0;
	(pc) =	sbr.rel @p1 .LBB2_2-.Ltmp1, $4  }
0xbd: {  	[sflag:s12] =	ssyncadd.s32 $0xFFFFE000  }
0xbe: {  	_ =	swait.ge [sflag:s13], $0x2000  }
0xbf: {  	[sflag:s13] =	ssyncset.done $0x0  }
0xc0: {  	[sflag:s13] =	ssyncadd.s32 $0xFFFFE000  }
0xc1: {  	[bflag:$0x0] =	sbarrier.arrive $0xFFFF  }
0xc2: {  	s17 =	rddreg [dreg:$0x5]  }
0xc3: {  	s3 =	rddreg [dreg:$0x9]  }
0xc4: {  	s29 =	simm.s32 $0x9;
	s25 =	rddreg [dreg:$0xb]  }
0xc5: {  	[hbm:s3], [sflag:s17] =	dma.local [spmem:s25], $0x2800  }
0xc6: {  	_ =	swait.ge [sflag:s29], $0x2800  }
0xc7: {  	s31 =	rddreg [dreg:$0xd]  }
0xc8: {  	s3 =	rddreg [dreg:$0xa];
	s31 =	sadd.s32 $0x1, s31  }
0xc9: {  	p1 =	sne.s32 s31, s3  }
.Ltmp2:
0xca: {  	_ = 	snop;
	(pc) =	sbr.rel @p1 .LBB2_1-.Ltmp2, $3  }
0xcb: {  	_ =	sdelay $0x1  }
0xcc: {  	[sflag:s29] =	ssyncset.done $0x0  }
0xcd: {  	[sflag:s29] =	ssyncadd.s32 $0xFFFFD800  }
0xce: {  	_ =	sfence.sel $0x180000  }
0xcf: {  	[bflag:$0x0] =	sbarrier.arrive $0xFFFF  }
0xd0: {  	_ =	strace $0x90000047  }
0xd1: {  	[bflag:$0x2] =	sbarrier.arrive $0xFFFF  }
0xd2: {  	s0 =	rddreg [dreg:$0x3]  }
0xd3: {  	s0 =	sadd.s32 @!p0 $0x100000, s0  }
0xd4: {  	[sflag:s0] =	ssyncadd.tile.s32 @!p0 $0x1;
	_ =	shalt  }
.Lfunc_end2:
_tile_overlayer_lowered:
.L_overlay_start_2:
0xd5: {  	(tag) =	ssettag $0x2  }
0xd6: {  	s0 =	rddreg [dreg:$0x0];
	s2 =	stileid.u32  }
0xd7: {  	s1 =	rddreg [dreg:$0x1];
	p0 =	sne.s32 s2, $0x0  }
0xd8: {  	s3 =	rddreg [dreg:$0x2];
	[bflag:$0x3] =	sbarrier.arrive $0xFFFF;
	s2 =	simm.s32 @!p0 $0x1C09  }
0xd9: {  	[timem:s3], [sflag:s2] =	dma.local @!p0 [hbm:s0], s1  }
0xda: {  	s0 =	simm.s32 @!p0 $0x9  }
0xdb: {  	_ =	swait.ge @!p0 [sflag:s0], s1  }
0xdc: {  	s1 =	ssub.s32 @!p0 $0x0, s1;
	[sflag:s0] =	ssyncset.done @!p0 $0x0  }
0xdd: {  	[sflag:s0] =	ssyncadd.s32 @!p0 s1  }
0xde: {  	[bflag:$0x3] =	sbarrier.arrive $0xFFFF  }
0xdf: {  	_ =	shalt  }

// kernel: kernel.14.cloned.1.call-start
scs
__scs_entry_jumppad:
0x0: {  	(pc) =	sbr.rel $0x88, $3  }
0x1: {  	(tag) =	ssettag $0x0;
	lr =	simm.s32 $0x1  }
0x2: {  	[smem:$0x3F9B] =	sst lr;
	_ =	strace $0xD0000000  }
0x3: {  	_ = 	snop  }
0x4: {  	_ = 	snop  }
0x5: {  	_ = 	snop  }
0x6: {  	_ = 	snop  }
0x7: {  	_ = 	snop  }
__scs_overlays_trampoline_lowered:
0x8: {  	[smem:$0x3FAA] =	sst s0  }
0x9: {  	[smem:$0x3FAB] =	sst s1  }
0xa: {  	[smem:$0x3FAC] =	sst s2  }
0xb: {  	[smem:$0x3FAD] =	sst s3  }
0xc: {  	[smem:$0x3FAE] =	sst s4  }
0xd: {  	[smem:$0x3FAF] =	sst s5  }
0xe: {  	[smem:$0x3FB0] =	sst s6  }
0xf: {  	[smem:$0x3FB1] =	sst s7  }
0x10: {  	[smem:$0x3FB2] =	sst s8  }
0x11: {  	[smem:$0x3FB3] =	sst s9;
	s0 =	simm.s32 @!p0 $0x0  }
0x12: {  	s1 =	sld [smem:$0x3F99];
	s0 =	simm.s32 @p0 $0x1  }
0x13: {  	[smem:$0x3FB4] =	sst s0;
	s0 =	simm.s32 @!p1 $0x0  }
0x14: {  	s2 =	sld [smem:$0x3F98];
	s0 =	simm.s32 @p1 $0x1  }
0x15: {  	[smem:$0x3FB5] =	sst s0;
	s0 =	simm.s32 @!p2 $0x0  }
0x16: {  	s3 =	sld [smem:$0x3FDB];
	s0 =	simm.s32 @p2 $0x1  }
0x17: {  	s4 =	simm.s32 $0x1BF5;
	[smem:$0x3FB7] =	sst s0  }
0x18: {  	s0 =	sld [smem:$0x3F9A];
	_ =	swait.ge [sflag:s4], $0x0  }
0x19: {  	s7 =	sld [smem:$0x3F9B]  }
0x1a: {  	s8 =	sadd.s32 $0xFFFFE003, lr  }
0x1b: {  	s9 =	sadd.s32 $0xFFFFFEF7, lr;
	s5 =	simm.s32 $0xFFFFFFFF;
	p2 =	slt.u32 s8, $0xFFFFF086  }
0x1c: {  	p1 =	slt.u32 s9, $0xF7A;
	s5 =	simm.s32 @!p2 $0x0  }
0x1d: {  	s5 =	simm.s32 @p1 $0x1;
	p0 =	seq.s32 s7, s2  }
0x1e: {  	s7 =	smul.u32 @!p0 $0xF7A, s2;
	p2 =	seq.s32 @!p0 s5, $0x0  }
0x1f: {  	s9 =	smul.u32 $0xF7A, s1;
	s8 =	simm.s32 @!p0 $0x1BF5;
	p2 =	por !p2, p0  }
0x20: {  	[sflag:s8] =	ssyncset.s32 @!p0 $0xFFFFF086;
	s6 =	sadd.s32 @!p0 s3, s7;
	s7 =	simm.s32 @!p0 $0x108  }
0x21: {  	s3 =	sadd.s32 s3, s9;
	s6 =	sadd.s32 @!p0 $0x88, s6;
	s7 =	simm.s32 @p2 $0x1082  }
0x22: {  	[simem:s7], [sflag:s8] =	dma.local @!p0 [hbm:s6], $0xF7A  }
0x23: {  	s9 =	sor.u32 $0xD0000000, s2;
	s6 =	simm.s32 $0x108;
	_ =	swait.ge @!p0 [sflag:s8], $0x0  }
0x24: {  	s3 =	sadd.s32 $0x88, s3;
	s6 =	simm.s32 @!p1 $0x1082;
	[sflag:s4] =	ssyncset.s32 $0xFFFFF086  }
0x25: {  	[simem:s6], [sflag:s4] =	dma.local [hbm:s3], $0xF7A  }
0x26: {  	[smem:$0x3F9B] =	sst s1;
	(tag) =	ssettag s2;
	_ =	strace s9  }
0x27: {  	s1 =	sld [smem:$0x3FAB]  }
0x28: {  	s2 =	sld [smem:$0x3FAC]  }
0x29: {  	s4 =	sld [smem:$0x3FAE]  }
0x2a: {  	p0 =	seq.s32 s5, $0x0;
	s5 =	sld [smem:$0x3FAF]  }
0x2b: {  	s6 =	sld [smem:$0x3FB0]  }
0x2c: {  	s7 =	sld [smem:$0x3FB1]  }
0x2d: {  	s3 =	simm.s32 $0x108;
	s8 =	sld [smem:$0x3FB2]  }
0x2e: {  	s3 =	simm.s32 @!p0 $0x1082;
	s9 =	sld [smem:$0x3FB3]  }
0x2f: {  	lr =	sadd.s32 s0, s3;
	s0 =	sld [smem:$0x3FAA]  }
0x30: {  	s3 =	sld [smem:$0x3FAD]  }
0x31: {  	[smem:$0x3FB6] =	sst s10  }
0x32: {  	s10 =	sld [smem:$0x3FB4];
	_ =	sdelay $0x3  }
0x33: {  	p0 =	seq.s32 s10, $0x1;
	s10 =	sld [smem:$0x3FB6];
	_ =	sdelay $0x3  }
0x34: {  	[smem:$0x3FB6] =	sst s10  }
0x35: {  	s10 =	sld [smem:$0x3FB5];
	_ =	sdelay $0x3  }
0x36: {  	p1 =	seq.s32 s10, $0x1;
	s10 =	sld [smem:$0x3FB6];
	_ =	sdelay $0x3  }
0x37: {  	[smem:$0x3FB6] =	sst s10  }
0x38: {  	s10 =	sld [smem:$0x3FB7]  }
0x39: {  	_ = 	snop;
	(pc) =	sbr.ind lr, $3  }
0x3a: {  	_ = 	snop  }
0x3b: {  	_ = 	snop  }
0x3c: {  	p2 =	seq.s32 s10, $0x1;
	s10 =	sld [smem:$0x3FB6]  }
0x3d: {  	_ =	shalt  }
0x3e: {  	_ =	shalt  }
0x3f: {  	_ =	shalt  }
0x40: {  	_ =	shalt  }
0x41: {  	_ =	shalt  }
0x42: {  	_ =	shalt  }
0x43: {  	_ =	shalt  }
0x44: {  	_ =	shalt  }
0x45: {  	_ =	shalt  }
0x46: {  	_ =	shalt  }
0x47: {  	_ =	shalt  }
0x48: {  	_ =	shalt  }
0x49: {  	_ =	shalt  }
0x4a: {  	_ =	shalt  }
0x4b: {  	_ =	shalt  }
0x4c: {  	_ =	shalt  }
0x4d: {  	_ =	shalt  }
0x4e: {  	_ =	shalt  }
0x4f: {  	_ =	shalt  }
0x50: {  	_ =	shalt  }
0x51: {  	_ =	shalt  }
0x52: {  	_ =	shalt  }
0x53: {  	_ =	shalt  }
0x54: {  	_ =	shalt  }
0x55: {  	_ =	shalt  }
0x56: {  	_ =	shalt  }
0x57: {  	_ =	shalt  }
0x58: {  	_ =	shalt  }
0x59: {  	_ =	shalt  }
0x5a: {  	_ =	shalt  }
0x5b: {  	_ =	shalt  }
0x5c: {  	_ =	shalt  }
0x5d: {  	_ =	shalt  }
0x5e: {  	_ =	shalt  }
0x5f: {  	_ =	shalt  }
0x60: {  	_ =	shalt  }
0x61: {  	_ =	shalt  }
0x62: {  	_ =	shalt  }
0x63: {  	_ =	shalt  }
0x64: {  	_ =	shalt  }
0x65: {  	_ =	shalt  }
0x66: {  	_ =	shalt  }
0x67: {  	_ =	shalt  }
0x68: {  	_ =	shalt  }
0x69: {  	_ =	shalt  }
0x6a: {  	_ =	shalt  }
0x6b: {  	_ =	shalt  }
0x6c: {  	_ =	shalt  }
0x6d: {  	_ =	shalt  }
0x6e: {  	_ =	shalt  }
0x6f: {  	_ =	shalt  }
0x70: {  	_ =	shalt  }
0x71: {  	_ =	shalt  }
0x72: {  	_ =	shalt  }
0x73: {  	_ =	shalt  }
0x74: {  	_ =	shalt  }
0x75: {  	_ =	shalt  }
0x76: {  	_ =	shalt  }
0x77: {  	_ =	shalt  }
0x78: {  	_ =	shalt  }
0x79: {  	_ =	shalt  }
0x7a: {  	_ =	shalt  }
0x7b: {  	_ =	shalt  }
0x7c: {  	_ =	shalt  }
0x7d: {  	_ =	shalt  }
0x7e: {  	_ =	shalt  }
0x7f: {  	_ =	shalt  }
0x80: {  	_ =	shalt  }
0x81: {  	_ =	shalt  }
0x82: {  	_ =	shalt  }
0x83: {  	_ =	shalt  }
0x84: {  	_ =	shalt  }
0x85: {  	_ =	shalt  }
0x86: {  	_ =	shalt  }
0x87: {  	_ =	shalt  }
.Lfunc_end0:
.L_simem_size_0:
called_computation.1_lowered:
.L_overlay_start_0:
0x88: {  	s2 =	sld [smem:$0x3FD9]  }
0x89: {  	s3 =	sld [smem:$0x3FFE];
	_ =	sdelay $0x1  }
0x8a: {  	s1 =	srdreg.scid  }
0x8b: {  	s0 =	sand.u32 $0x1, s1  }
0x8c: {  	s16 =	sshll.u32 s0, $0xA;
	s2 =	sadd.s32 s3, s2  }
0x8d: {  	s2 =	sadd.s32 s2, s16  }
0x8e: {  	[smem:$0x3FC2] =	sst s2  }
0x8f: {  	_ = 	snop  }
0x90: {  	(tm) =	ssettm $0x1  }
0x91: {  	s17 =	sld [smem:$0x3FFB];
	_ =	sdelay $0x3  }
0x92: {  	_ =	strace s17  }
0x93: {  	s2 =	sld [smem:$0x3FFC];
	_ =	sdelay $0x3  }
0x94: {  	_ =	strace s2  }
0x95: {  	s2 =	sld [smem:$0x3FFD];
	_ =	sdelay $0x3  }
0x96: {  	_ =	strace s2  }
0x97: {  	_ =	strace $0x8FFFFFFF  }
0x98: {  	s18 =	sld [smem:$0x3FDB];
	_ =	sdelay $0x1  }
0x99: {  	s19 =	simm.s32 $_scs_section_size  }
0x9a: {  	s4 =	simm.s32 $_size__tile_overlayer_lowered;
	s5 =	simm.s32 $_tile_overlayer_lowered  }
0x9b: {  	s22 =	simm.s32 $0x1BFF;
	s21 =	sshll.u32 s5, $0x1;
	s2 =	sadd.s32 s19, s18  }
0x9c: {  	s6 =	simm.s32 $0x0;
	s20 =	sshll.u32 s4, $0x1;
	s4 =	sadd.s32 s21, s2  }
0x9d: {  	[timem:s6], [sflag:s22] =	dma.local [hbm:s4], s20  }
0x9e: {  	_ =	swait.ge [sflag:s22], s20  }
0x9f: {  	s3 =	ssub.s32 $0x0, s20;
	[sflag:s22] =	ssyncset.done $0x0  }
0xa0: {  	[sflag:s22] =	ssyncadd.s32 s3;
	_ =	sdelay $0x1  }
0xa1: {  	s23 =	simm.s32 $0x1B8B  }
0xa2: {  	_ =	swait.ge [sflag:s23], $0x1  }
0xa3: {  	[sflag:s23] =	ssyncset.done $0x0  }
0xa4: {  	s25 =	simm.s32 $0x1B8E;
	s24 =	sld [smem:$0x3FFE];
	[sflag:s23] =	ssyncadd.s32 $0xFFFFFFFF  }
0xa5: {  	s26 =	simm.s32 $execute0_lowered;
	[smem:$0x3FD2] =	sst s25  }
0xa6: {  	s4 =	sshll.u32 s26, $0x1;
	_ =	strace $0x80000049;
	[dreg:$0x1] =	wrdreg $0xFFFFFFFF  }
0xa7: {  	s28 =	simm.s32 $_size_execute0_lowered;
	s2 =	sadd.s32 s2, s4;
	[dreg:$0x0] =	wrdreg $0x0  }
0xa8: {  	s4 =	sshll.u32 s28, $0x1;
	[dreg:$0x2] =	wrdreg s2  }
0xa9: {  	[dreg:$0x3] =	wrdreg s4  }
0xaa: {  	[dreg:$0x4] =	wrdreg $0xC0  }
0xab: {  	_ =	task [dreg:s6], $0x5FFFF  }
0xac: {  	[dreg:$0x1] =	wrdreg $0xFFFFFFFF  }
0xad: {  	[dreg:$0x0] =	wrdreg $0x60  }
0xae: {  	[dreg:$0x2] =	wrdreg s24  }
0xaf: {  	[dreg:$0x3] =	wrdreg $0xA8000  }
0xb0: {  	[dreg:$0x4] =	wrdreg $0x9  }
0xb1: {  	_ =	task.clear_ibuf [dreg:s6], $0x5FFFF;
	_ =	strace $0x90000049  }
0xb2: {  	s29 =	simm.s32 $0x9;
	_ =	strace $0x8000004B  }
0xb3: {  	_ =	swait.ge [sflag:s29], $0x1  }
0xb4: {  	[sflag:s29] =	ssyncadd.s32 $0xFFFFFFFF  }
0xb5: {  	_ =	strace $0x9000004B  }
0xb6: {  	_ =	sfence  }
0xb7: {  	s30 =	sld [smem:$0x0];
	_ =	sdelay $0x2  }
0xb8: {  	s31 =	sshll.u32 s1, $0xD;
	s1 =	sshrl.u32 s1, $0x2  }
0xb9: {  	s3 =	sand.u32 $0x4000, s31;
	s1 =	sadd.s32 s1, s30  }
0xba: {  	s0 =	sor.u32 s3, s0;
	s1 =	sshll.u32 s1, $0x11  }
0xbb: {  	s0 =	sor.u32 s1, s0  }
0xbc: {  	s0 =	sadd.s32 $0x8F2B, s0  }
0xbd: {  	[sflag:s0] =	ssyncadd.remote.s32 $0x1  }
0xbe: {  	_ =	sfence.sel $0xFFFF  }
0xbf: {  	[dreg:$0x0] =	wrdreg $0xFFFFFFFF;
	(pc) =	sbr.abs _section_cstart, $3  }
0xc0: {  	[dreg:$0x1] =	wrdreg $0xFFFFFFFF  }
0xc1: {  	_ =	task.clear_ibuf [dreg:s6], $0x2FFFF;
	_ =	strace $0x9FFFFFFF  }
0xc2: {  	(tm) =	ssettm $0x7FFFFFFF  }
0xc3: {  	_ =	shalt  }
tec
execute0_lowered:
.L_overlay_start_1:
0x0: {  	(tag) =	ssettag $0x1  }
0x1: {  	s0 =	rddreg [dreg:$0x0]  }
0x2: {  	s1 =	rddreg [dreg:$0x1];
	s4 =	simm.s32 $0x0  }
0x3: {  	s2 =	stileid.u32;
	s3 =	srdreg.scid;
	s29 =	simm.s32 $0x9  }
0x4: {  	s18 =	simm.s32 $0x40;
	s19 =	simm.s32 $0x2800;
	s28 =	simm.s32 $0x2  }
0x5: {  	s30 =	simm.s32 $0x5;
	s13 =	simm.s32 $0x8;
	s16 =	simm.s32 $0x1300  }
0x6: {  	s14 =	simm.s32 $0x2600;
	s15 =	simm.s32 $0x2680;
	s20 =	simm.s32 $0x2700  }
0x7: {  	s31 =	simm.s32 $0x0;
	[smem:$0x7FF] =	sst s4;
	s6 =	smul.u32 $0x13800, s2  }
0x8: {  	s7 =	sand.u32 $0x1, s3;
	s3 =	sadd.s32 $0x51A00, s0;
	s4 =	sadd.s32 $0x2400, s0  }
0x9: {  	s5 =	sadd.s32 $0x16400, s0;
	s10 =	smul.u32 $0x4E000, s2;
	s22 =	sshll.u32 s2, $0x6  }
0xa: {  	p0 =	sne.s32 s2, $0x0;
	_ =	strace $0x8000004A;
	s8 =	smul.u32 $0x138800, s7  }
0xb: {  	s21 =	ssub.s32 $0x2, s7;
	s7 =	sshll.u32 s7, $0x4;
	s17 =	sor.u32 $0x1C09, s22  }
0xc: {  	s22 =	simm.s32 $0x2780;
	s9 =	sshrl.u32 s6, $0x3;
	s11 =	sshrl.u32 s21, $0x1  }
0xd: {  	s7 =	sor.u32 s2, s7;
	s10 =	sshrl.u32 s10, $0x2;
	[dreg:$0x4] =	wrdreg s17  }
0xe: {  	s9 =	sadd.s32 s9, s0;
	s6 =	sadd.s32 s6, s8;
	s8 =	ssub.s32 s21, s11  }
0xf: {  	s10 =	sadd.s32 s10, s1;
	s12 =	smul.u32 $0xA00, s7;
	s11 =	sadd.s32 $0x138800, s1  }
0x10: {  	s21 =	simm.s32 $0x4800;
	s6 =	sshrl.u32 s6, $0x3;
	s9 =	sadd.s32 $0x2A400, s9  }
0x11: {  	s26 =	smax.u32 s8, $0x1;
	s8 =	simm.s32 $0x280;
	[dreg:$0x3] =	wrdreg s9  }
0x12: {  	s6 =	sadd.s32 s6, s0;
	s0 =	sadd.s32 $0x51500, s0;
	[dreg:$0x9] =	wrdreg s26  }
0x13: {  	s9 =	smul.u32 $0xA0, s7;
	s23 =	sadd.s32 s4, s12;
	[dreg:$0x5] =	wrdreg s0  }
0x14: {  	s24 =	sadd.s32 s5, s12;
	s26 =	simm.s32 $0x8800;
	[dreg:$0x6] =	wrdreg s23  }
0x15: {  	s12 =	simm.s32 $0x7;
	s7 =	simm.s32 $0x1380;
	[dreg:$0x7] =	wrdreg s24  }
0x16: {  	s25 =	sadd.s32 $0x78C00, s6;
	s0 =	sshrl.u32 @!p0 s11, $0x3;
	s23 =	simm.s32 $0x6800  }
0x17: {  	s24 =	simm.s32 $0x1;
	s6 =	simm.s32 $0x6;
	[dreg:$0x8] =	wrdreg s25  }
0x18: {  	s11 =	simm.s32 $0x1580;
	s25 =	sshrl.u32 s10, $0x3;
	[dreg:$0xb] =	wrdreg s0  }
0x19: {  	s0 =	simm.s32 $0x3;
	s10 =	simm.s32 $0x4;
	[dreg:$0xa] =	wrdreg s25  }
.LBB2_1:
0x1a: {  	[dreg:$0xc] =	wrdreg s31  }
0x1b: {  	s2 =	rddreg [dreg:$0x3]  }
0x1c: {  	[spmem:s25], [sflag:s17] =	dma.local [hbm:s2], $0x2800  }
0x1d: {  	_ =	swait.ge [sflag:s29], $0x2800  }
0x1e: {  	[sflag:s29] =	ssyncset.done $0x0;
	s2 =	rddreg [dreg:$0x5]  }
0x1f: {  	s25 =	rddreg [dreg:$0xb];
	[sflag:s29] =	ssyncadd.s32 $0xFFFFD800  }
0x20: {  	[spmem:s25], [sflag:s17] =	dma.local @!p0 [hbm:s2], $0x400  }
0x21: {  	s17 =	simm.s32 @!p0 $0x9  }
0x22: {  	_ =	swait.ge @!p0 [sflag:s17], $0x400  }
0x23: {  	[sflag:s17] =	ssyncset.done @!p0 $0x0  }
0x24: {  	s2 =	simm.s32 $0x0;
	s31 =	rddreg [dreg:$0x6];
	[sflag:s17] =	ssyncadd.s32 @!p0 $0xFFFFFC00  }
0x25: {  	[tilespmem:s2], [sflag:$0x9] =	stream.linear.gather [hbm4b:s31+s2], $0x1400, $0x38;
	[tilespmem:$0x1E280] =	vst v63  }
0x26: {  	_ =	swait.ge [sflag:s29], $0x1400  }
0x27: {  	[sflag:s29] =	ssyncset.done $0x0  }
0x28: {  	s31 =	simm.s32 $0x1400;
	s25 =	rddreg [dreg:$0x7];
	[sflag:s29] =	ssyncadd.s32 $0xFFFFEC00  }
0x29: {  	[tilespmem:s31], [sflag:$0x9] =	stream.linear.gather [hbm4b:s25+s2], $0x1400, $0x38;
	[tilespmem:$0x1E280] =	vst v63  }
0x2a: {  	_ =	swait.ge [sflag:s29], $0x1400  }
0x2b: {  	[sflag:s29] =	ssyncset.done $0x0  }
0x2c: {  	[sflag:s29] =	ssyncadd.s32 $0xFFFFEC00  }
0x2d: {  	s25 =	simm.s32 $0x0;
	[bflag:$0x0] =	sbarrier.arrive $0xFFFF  }
.LBB2_2:
0x2e: {  	p1 =	seq.s32 s25, $0x0  }
0x2f: {  	s17 =	smul.u32 @!p1 $0x28, s25;
	_ =	sdelay $0x1  }
0x30: {  	s17 =	sadd.s32 @!p1 s9, s17  }
0x31: {  	s17 =	sshll.u32 @!p1 s17, $0x4  }
0x32: {  	s31 =	simm.s32 @!p1 $0x0;
	s29 =	sadd.s32 @!p1 s4, s17  }
0x33: {  	[tilespmem:s31], [sflag:$0x9] =	stream.linear.gather @!p1 [hbm4b:s29+s31], $0x1400, $0x38;
	[tilespmem:$0x1E280] =	vst v63  }
0x34: {  	s29 =	simm.s32 @!p1 $0x9  }
0x35: {  	_ =	swait.ge @!p1 [sflag:s29], $0x1400  }
0x36: {  	[sflag:s29] =	ssyncset.done @!p1 $0x0  }
0x37: {  	s2 =	simm.s32 @!p1 $0x1400;
	s17 =	sadd.s32 @!p1 s5, s17;
	[sflag:s29] =	ssyncadd.s32 @!p1 $0xFFFFEC00  }
0x38: {  	[tilespmem:s2], [sflag:$0x9] =	stream.linear.gather @!p1 [hbm4b:s17+s31], $0x1400, $0x38;
	[tilespmem:$0x1E280] =	vst v63  }
0x39: {  	_ =	swait.ge @!p1 [sflag:s29], $0x1400  }
0x3a: {  	[sflag:s29] =	ssyncset.done @!p1 $0x0  }
0x3b: {  	s31 =	simm.s32 $0x0;
	[sflag:s29] =	ssyncadd.s32 @!p1 $0xFFFFEC00  }
0x3c: {  	[tilespmem:s19], [sflag:$0x1] =	stream.indirect.gather [hbm4b:s3+s18], $0x80, s31, s18, $0xb8;
	[tilespmem:$0x1E280] =	vst v63  }
0x3d: {  	s17 =	simm.s32 $0x80  }
0x3e: {  	[tilespmem:s21], [sflag:$0x2] =	stream.indirect.gather [hbm4b:s3+s18], $0x80, s17, s18, $0xb8;
	[tilespmem:$0x1E280] =	vst v63  }
0x3f: {  	s31 =	simm.s32 $0x100  }
0x40: {  	[tilespmem:s23], [sflag:$0x3] =	stream.indirect.gather [hbm4b:s3+s18], $0x80, s31, s18, $0xb8;
	[tilespmem:$0x1E280] =	vst v63  }
0x41: {  	_ =	swait.ge [sflag:s24], $0x2000  }
0x42: {  	[sflag:s24] =	ssyncset.done $0x0  }
0x43: {  	s17 =	simm.s32 $0x1400;
	[sflag:s24] =	ssyncadd.s32 $0xFFFFE000  }
0x44: {  	[spmem:s1] =	stream.indirect.scatter.add.f32 [tilespmem:s19], [sflag:$0x5], $0x80, s17, s18, $0xb8;
	[tilespmem:$0x1E280] =	vst v63  }
0x45: {  	s31 =	simm.s32 $0x180  }
0x46: {  	[tilespmem:s26], [sflag:$0x4] =	stream.indirect.gather [hbm4b:s3+s18], $0x80, s31, s18, $0xb8;
	[tilespmem:$0x1E280] =	vst v63  }
0x47: {  	_ =	swait.ge [sflag:s28], $0x2000  }
0x48: {  	[sflag:s28] =	ssyncset.done $0x0  }
0x49: {  	s17 =	simm.s32 $0x1480;
	[sflag:s28] =	ssyncadd.s32 $0xFFFFE000  }
0x4a: {  	[spmem:s1] =	stream.indirect.scatter.add.f32 [tilespmem:s21], [sflag:$0x6], $0x80, s17, s18, $0xb8;
	[tilespmem:$0x1E280] =	vst v63  }
0x4b: {  	_ =	swait.ge [sflag:s30], $0x2000  }
0x4c: {  	[sflag:s30] =	ssyncset.done $0x0  }
0x4d: {  	s31 =	simm.s32 $0x200;
	[sflag:s30] =	ssyncadd.s32 $0xFFFFE000  }
0x4e: {  	[tilespmem:s19], [sflag:$0x1] =	stream.indirect.gather [hbm4b:s3+s18], $0x80, s31, s18, $0xb8;
	[tilespmem:$0x1E280] =	vst v63  }
0x4f: {  	_ =	swait.ge [sflag:s0], $0x2000  }
0x50: {  	[sflag:s0] =	ssyncset.done $0x0  }
0x51: {  	s17 =	simm.s32 $0x1500;
	[sflag:s0] =	ssyncadd.s32 $0xFFFFE000  }
0x52: {  	[spmem:s1] =	stream.indirect.scatter.add.f32 [tilespmem:s23], [sflag:$0x7], $0x80, s17, s18, $0xb8;
	[tilespmem:$0x1E280] =	vst v63  }
0x53: {  	_ =	swait.ge [sflag:s6], $0x2000  }
0x54: {  	[sflag:s6] =	ssyncset.done $0x0  }
0x55: {  	[sflag:s6] =	ssyncadd.s32 $0xFFFFE000  }
0x56: {  	[tilespmem:s21], [sflag:$0x2] =	stream.indirect.gather [hbm4b:s3+s18], $0x80, s8, s18, $0xb8;
	[tilespmem:$0x1E280] =	vst v63  }
0x57: {  	_ =	swait.ge [sflag:s10], $0x2000  }
0x58: {  	[sflag:s10] =	ssyncset.done $0x0  }
0x59: {  	[sflag:s10] =	ssyncadd.s32 $0xFFFFE000  }
0x5a: {  	[spmem:s1] =	stream.indirect.scatter.add.f32 [tilespmem:s26], [sflag:$0x8], $0x80, s11, s18, $0xb8;
	[tilespmem:$0x1E280] =	vst v63  }
0x5b: {  	_ =	swait.ge [sflag:s12], $0x2000  }
0x5c: {  	[sflag:s12] =	ssyncset.done $0x0  }
0x5d: {  	s31 =	simm.s32 $0x300;
	[sflag:s12] =	ssyncadd.s32 $0xFFFFE000  }
0x5e: {  	[tilespmem:s23], [sflag:$0x3] =	stream.indirect.gather [hbm4b:s3+s18], $0x80, s31, s18, $0xb8;
	[tilespmem:$0x1E280] =	vst v63  }
0x5f: {  	_ =	swait.ge [sflag:s24], $0x2000  }
0x60: {  	[sflag:s24] =	ssyncset.done $0x0  }
0x61: {  	s17 =	simm.s32 $0x1600;
	[sflag:s24] =	ssyncadd.s32 $0xFFFFE000  }
0x62: {  	[spmem:s1] =	stream.indirect.scatter.add.f32 [tilespmem:s19], [sflag:$0x5], $0x80, s17, s18, $0xb8;
	[tilespmem:$0x1E280] =	vst v63  }
0x63: {  	_ =	swait.ge [sflag:s13], $0x2000  }
0x64: {  	[sflag:s13] =	ssyncset.done $0x0  }
0x65: {  	s31 =	simm.s32 $0x380;
	[sflag:s13] =	ssyncadd.s32 $0xFFFFE000  }
0x66: {  	[tilespmem:s26], [sflag:$0x4] =	stream.indirect.gather [hbm4b:s3+s18], $0x80, s31, s18, $0xb8;
	[tilespmem:$0x1E280] =	vst v63  }
0x67: {  	_ =	swait.ge [sflag:s28], $0x2000  }
0x68: {  	[sflag:s28] =	ssyncset.done $0x0  }
0x69: {  	s17 =	simm.s32 $0x1680;
	[sflag:s28] =	ssyncadd.s32 $0xFFFFE000  }
0x6a: {  	[spmem:s1] =	stream.indirect.scatter.add.f32 [tilespmem:s21], [sflag:$0x6], $0x80, s17, s18, $0xb8;
	[tilespmem:$0x1E280] =	vst v63  }
0x6b: {  	_ =	swait.ge [sflag:s30], $0x2000  }
0x6c: {  	[sflag:s30] =	ssyncset.done $0x0  }
0x6d: {  	s31 =	simm.s32 $0x400;
	[sflag:s30] =	ssyncadd.s32 $0xFFFFE000  }
0x6e: {  	[tilespmem:s19], [sflag:$0x1] =	stream.indirect.gather [hbm4b:s3+s18], $0x80, s31, s18, $0xb8;
	[tilespmem:$0x1E280] =	vst v63  }
0x6f: {  	_ =	swait.ge [sflag:s0], $0x2000  }
0x70: {  	[sflag:s0] =	ssyncset.done $0x0  }
0x71: {  	s17 =	simm.s32 $0x1700;
	[sflag:s0] =	ssyncadd.s32 $0xFFFFE000  }
0x72: {  	[spmem:s1] =	stream.indirect.scatter.add.f32 [tilespmem:s23], [sflag:$0x7], $0x80, s17, s18, $0xb8;
	[tilespmem:$0x1E280] =	vst v63  }
0x73: {  	_ =	swait.ge [sflag:s6], $0x2000  }
0x74: {  	[sflag:s6] =	ssyncset.done $0x0  }
0x75: {  	s31 =	simm.s32 $0x480;
	[sflag:s6] =	ssyncadd.s32 $0xFFFFE000  }
0x76: {  	[tilespmem:s21], [sflag:$0x2] =	stream.indirect.gather [hbm4b:s3+s18], $0x80, s31, s18, $0xb8;
	[tilespmem:$0x1E280] =	vst v63  }
0x77: {  	_ =	swait.ge [sflag:s10], $0x2000  }
0x78: {  	[sflag:s10] =	ssyncset.done $0x0  }
0x79: {  	s29 =	simm.s32 $0x1780;
	s17 =	simm.s32 $0x800;
	[sflag:s10] =	ssyncadd.s32 $0xFFFFE000  }
.LBB2_3:
0x7a: {  	[spmem:s1] =	stream.indirect.scatter.add.f32 [tilespmem:s26], [sflag:$0x8], $0x80, s29, s18, $0xb8;
	[tilespmem:$0x1E280] =	vst v63  }
0x7b: {  	s2 =	smov.u32 s17  }
0x7c: {  	p1 =	sne.s32 s17, $0x3800;
	s17 =	sadd.s32 $0x800, s17;
	_ =	swait.ge [sflag:s12], $0x2000  }
0x7d: {  	s29 =	sshra.s32 s2, $0x2;
	[sflag:s12] =	ssyncset.done $0x0  }
0x7e: {  	s2 =	sadd.s32 $0x300, s29;
	[sflag:s12] =	ssyncadd.s32 $0xFFFFE000  }
0x7f: {  	[tilespmem:s23], [sflag:$0x3] =	stream.indirect.gather [hbm4b:s3+s18], $0x80, s2, s18, $0xb8;
	[tilespmem:$0x1E280] =	vst v63  }
0x80: {  	_ =	swait.ge [sflag:s24], $0x2000  }
0x81: {  	[sflag:s24] =	ssyncset.done $0x0  }
0x82: {  	s2 =	sadd.s32 $0x1600, s29;
	[sflag:s24] =	ssyncadd.s32 $0xFFFFE000  }
0x83: {  	[spmem:s1] =	stream.indirect.scatter.add.f32 [tilespmem:s19], [sflag:$0x5], $0x80, s2, s18, $0xb8;
	[tilespmem:$0x1E280] =	vst v63  }
0x84: {  	_ =	swait.ge [sflag:s13], $0x2000  }
0x85: {  	[sflag:s13] =	ssyncset.done $0x0  }
0x86: {  	s2 =	sadd.s32 $0x380, s29;
	[sflag:s13] =	ssyncadd.s32 $0xFFFFE000  }
0x87: {  	[tilespmem:s26], [sflag:$0x4] =	stream.indirect.gather [hbm4b:s3+s18], $0x80, s2, s18, $0xb8;
	[tilespmem:$0x1E280] =	vst v63  }
0x88: {  	_ =	swait.ge [sflag:s28], $0x2000  }
0x89: {  	[sflag:s28] =	ssyncset.done $0x0  }
0x8a: {  	s2 =	sadd.s32 $0x1680, s29;
	[sflag:s28] =	ssyncadd.s32 $0xFFFFE000  }
0x8b: {  	[spmem:s1] =	stream.indirect.scatter.add.f32 [tilespmem:s21], [sflag:$0x6], $0x80, s2, s18, $0xb8;
	[tilespmem:$0x1E280] =	vst v63  }
0x8c: {  	_ =	swait.ge [sflag:s30], $0x2000  }
0x8d: {  	[sflag:s30] =	ssyncset.done $0x0  }
0x8e: {  	s2 =	sadd.s32 $0x400, s29;
	[sflag:s30] =	ssyncadd.s32 $0xFFFFE000  }
0x8f: {  	[tilespmem:s19], [sflag:$0x1] =	stream.indirect.gather [hbm4b:s3+s18], $0x80, s2, s18, $0xb8;
	[tilespmem:$0x1E280] =	vst v63  }
0x90: {  	_ =	swait.ge [sflag:s0], $0x2000  }
0x91: {  	[sflag:s0] =	ssyncset.done $0x0  }
0x92: {  	s2 =	sadd.s32 $0x1700, s29;
	[sflag:s0] =	ssyncadd.s32 $0xFFFFE000  }
0x93: {  	[spmem:s1] =	stream.indirect.scatter.add.f32 [tilespmem:s23], [sflag:$0x7], $0x80, s2, s18, $0xb8;
	[tilespmem:$0x1E280] =	vst v63  }
0x94: {  	_ =	swait.ge [sflag:s6], $0x2000  }
0x95: {  	[sflag:s6] =	ssyncset.done $0x0  }
.Ltmp0:
0x96: {  	s2 =	sadd.s32 $0x480, s29;
	[sflag:s6] =	ssyncadd.s32 $0xFFFFE000;
	(pc) =	sbr.rel @p1 .LBB2_3-.Ltmp0, $4  }
0x97: {  	[tilespmem:s21], [sflag:$0x2] =	stream.indirect.gather [hbm4b:s3+s18], $0x80, s2, s18, $0xb8;
	[tilespmem:$0x1E280] =	vst v63  }
0x98: {  	_ =	swait.ge [sflag:s10], $0x2000  }
0x99: {  	[sflag:s10] =	ssyncset.done $0x0  }
0x9a: {  	s29 =	sadd.s32 $0x1780, s29;
	[sflag:s10] =	ssyncadd.s32 $0xFFFFE000  }
0x9b: {  	[spmem:s1] =	stream.indirect.scatter.add.f32 [tilespmem:s26], [sflag:$0x8], $0x80, s29, s18, $0xb8;
	[tilespmem:$0x1E280] =	vst v63  }
0x9c: {  	_ =	swait.ge [sflag:s12], $0x2000  }
0x9d: {  	[sflag:s12] =	ssyncset.done $0x0  }
0x9e: {  	[sflag:s12] =	ssyncadd.s32 $0xFFFFE000  }
0x9f: {  	[tilespmem:s23], [sflag:$0x3] =	stream.indirect.gather [hbm4b:s3+s18], $0x80, s16, s18, $0xb8;
	[tilespmem:$0x1E280] =	vst v63  }
0xa0: {  	_ =	swait.ge [sflag:s24], $0x2000  }
0xa1: {  	[sflag:s24] =	ssyncset.done $0x0  }
0xa2: {  	[sflag:s24] =	ssyncadd.s32 $0xFFFFE000  }
0xa3: {  	[spmem:s1] =	stream.indirect.scatter.add.f32 [tilespmem:s19], [sflag:$0x5], $0x80, s14, s18, $0xb8;
	[tilespmem:$0x1E280] =	vst v63  }
0xa4: {  	_ =	swait.ge [sflag:s13], $0x2000  }
0xa5: {  	[sflag:s13] =	ssyncset.done $0x0  }
0xa6: {  	[sflag:s13] =	ssyncadd.s32 $0xFFFFE000  }
0xa7: {  	[tilespmem:s26], [sflag:$0x4] =	stream.indirect.gather [hbm4b:s3+s18], $0x80, s7, s18, $0xb8;
	[tilespmem:$0x1E280] =	vst v63  }
0xa8: {  	_ =	swait.ge [sflag:s28], $0x2000  }
0xa9: {  	[sflag:s28] =	ssyncset.done $0x0  }
0xaa: {  	[sflag:s28] =	ssyncadd.s32 $0xFFFFE000  }
0xab: {  	[spmem:s1] =	stream.indirect.scatter.add.f32 [tilespmem:s21], [sflag:$0x6], $0x80, s15, s18, $0xb8;
	[tilespmem:$0x1E280] =	vst v63  }
0xac: {  	_ =	swait.ge [sflag:s0], $0x2000  }
0xad: {  	[sflag:s0] =	ssyncset.done $0x0  }
0xae: {  	[sflag:s0] =	ssyncadd.s32 $0xFFFFE000  }
0xaf: {  	[spmem:s1] =	stream.indirect.scatter.add.f32 [tilespmem:s23], [sflag:$0x7], $0x80, s20, s18, $0xb8;
	[tilespmem:$0x1E280] =	vst v63  }
0xb0: {  	_ =	swait.ge [sflag:s10], $0x2000  }
0xb1: {  	[sflag:s10] =	ssyncset.done $0x0  }
0xb2: {  	[sflag:s10] =	ssyncadd.s32 $0xFFFFE000  }
0xb3: {  	[spmem:s1] =	stream.indirect.scatter.add.f32 [tilespmem:s26], [sflag:$0x8], $0x80, s22, s18, $0xb8;
	[tilespmem:$0x1E280] =	vst v63  }
0xb4: {  	_ =	swait.ge [sflag:s30], $0x2000  }
0xb5: {  	[sflag:s30] =	ssyncset.done $0x0  }
0xb6: {  	[sflag:s30] =	ssyncadd.s32 $0xFFFFE000  }
0xb7: {  	_ =	swait.ge [sflag:s6], $0x2000  }
0xb8: {  	[sflag:s6] =	ssyncset.done $0x0  }
0xb9: {  	s25 =	sadd.s32 $0x1, s25;
	[sflag:s6] =	ssyncadd.s32 $0xFFFFE000  }
0xba: {  	p1 =	sne.s32 s25, $0x4;
	_ =	swait.ge [sflag:s12], $0x2000  }
.Ltmp1:
0xbb: {  	[sflag:s12] =	ssyncset.done $0x0;
	(pc) =	sbr.rel @p1 .LBB2_2-.Ltmp1, $4  }
0xbc: {  	[sflag:s12] =	ssyncadd.s32 $0xFFFFE000  }
0xbd: {  	_ =	swait.ge [sflag:s13], $0x2000  }
0xbe: {  	[sflag:s13] =	ssyncset.done $0x0  }
0xbf: {  	[sflag:s13] =	ssyncadd.s32 $0xFFFFE000  }
0xc0: {  	[bflag:$0x0] =	sbarrier.arrive $0xFFFF  }
0xc1: {  	s17 =	rddreg [dreg:$0x4]  }
0xc2: {  	s2 =	rddreg [dreg:$0x8]  }
0xc3: {  	s29 =	simm.s32 $0x9;
	s25 =	rddreg [dreg:$0xa]  }
0xc4: {  	[hbm:s2], [sflag:s17] =	dma.local [spmem:s25], $0x2800  }
0xc5: {  	_ =	swait.ge [sflag:s29], $0x2800  }
0xc6: {  	s31 =	rddreg [dreg:$0xc]  }
0xc7: {  	s2 =	rddreg [dreg:$0x9];
	s31 =	sadd.s32 $0x1, s31  }
0xc8: {  	p1 =	sne.s32 s31, s2  }
.Ltmp2:
0xc9: {  	_ = 	snop;
	(pc) =	sbr.rel @p1 .LBB2_1-.Ltmp2, $3  }
0xca: {  	_ =	sdelay $0x1  }
0xcb: {  	[sflag:s29] =	ssyncset.done $0x0  }
0xcc: {  	[sflag:s29] =	ssyncadd.s32 $0xFFFFD800  }
0xcd: {  	_ =	sfence.sel $0x180000  }
0xce: {  	[bflag:$0x0] =	sbarrier.arrive $0xFFFF  }
0xcf: {  	_ =	strace $0x9000004A  }
0xd0: {  	[bflag:$0x2] =	sbarrier.arrive $0xFFFF  }
0xd1: {  	s0 =	rddreg [dreg:$0x2]  }
0xd2: {  	s0 =	sadd.s32 @!p0 $0x100000, s0  }
0xd3: {  	[sflag:s0] =	ssyncadd.tile.s32 @!p0 $0x1;
	_ =	shalt  }
.Lfunc_end2:
_tile_overlayer_lowered:
.L_overlay_start_2:
0xd4: {  	(tag) =	ssettag $0x2  }
0xd5: {  	s0 =	rddreg [dreg:$0x0];
	s2 =	stileid.u32  }
0xd6: {  	s1 =	rddreg [dreg:$0x1];
	p0 =	sne.s32 s2, $0x0  }
0xd7: {  	s3 =	rddreg [dreg:$0x2];
	[bflag:$0x3] =	sbarrier.arrive $0xFFFF;
	s2 =	simm.s32 @!p0 $0x1C09  }
0xd8: {  	[timem:s3], [sflag:s2] =	dma.local @!p0 [hbm:s0], s1  }
0xd9: {  	s0 =	simm.s32 @!p0 $0x9  }
0xda: {  	_ =	swait.ge @!p0 [sflag:s0], s1  }
0xdb: {  	s1 =	ssub.s32 @!p0 $0x0, s1;
	[sflag:s0] =	ssyncset.done @!p0 $0x0  }
0xdc: {  	[sflag:s0] =	ssyncadd.s32 @!p0 s1  }
0xdd: {  	[bflag:$0x3] =	sbarrier.arrive $0xFFFF  }
0xde: {  	_ =	shalt  }

// kernel: kernel.17.cloned.1.call-start
scs
__scs_entry_jumppad:
0x0: {  	(pc) =	sbr.rel $0x88, $3  }
0x1: {  	(tag) =	ssettag $0x0;
	lr =	simm.s32 $0x1  }
0x2: {  	[smem:$0x3F9B] =	sst lr;
	_ =	strace $0xD0000000  }
0x3: {  	_ = 	snop  }
0x4: {  	_ = 	snop  }
0x5: {  	_ = 	snop  }
0x6: {  	_ = 	snop  }
0x7: {  	_ = 	snop  }
__scs_overlays_trampoline_lowered:
0x8: {  	[smem:$0x3FAA] =	sst s0  }
0x9: {  	[smem:$0x3FAB] =	sst s1  }
0xa: {  	[smem:$0x3FAC] =	sst s2  }
0xb: {  	[smem:$0x3FAD] =	sst s3  }
0xc: {  	[smem:$0x3FAE] =	sst s4  }
0xd: {  	[smem:$0x3FAF] =	sst s5  }
0xe: {  	[smem:$0x3FB0] =	sst s6  }
0xf: {  	[smem:$0x3FB1] =	sst s7  }
0x10: {  	[smem:$0x3FB2] =	sst s8  }
0x11: {  	[smem:$0x3FB3] =	sst s9;
	s0 =	simm.s32 @!p0 $0x0  }
0x12: {  	s1 =	sld [smem:$0x3F99];
	s0 =	simm.s32 @p0 $0x1  }
0x13: {  	[smem:$0x3FB4] =	sst s0;
	s0 =	simm.s32 @!p1 $0x0  }
0x14: {  	s2 =	sld [smem:$0x3F98];
	s0 =	simm.s32 @p1 $0x1  }
0x15: {  	[smem:$0x3FB5] =	sst s0;
	s0 =	simm.s32 @!p2 $0x0  }
0x16: {  	s3 =	sld [smem:$0x3FDB];
	s0 =	simm.s32 @p2 $0x1  }
0x17: {  	s4 =	simm.s32 $0x1BF5;
	[smem:$0x3FB7] =	sst s0  }
0x18: {  	s0 =	sld [smem:$0x3F9A];
	_ =	swait.ge [sflag:s4], $0x0  }
0x19: {  	s7 =	sld [smem:$0x3F9B]  }
0x1a: {  	s8 =	sadd.s32 $0xFFFFE003, lr  }
0x1b: {  	s9 =	sadd.s32 $0xFFFFFEF7, lr;
	s5 =	simm.s32 $0xFFFFFFFF;
	p2 =	slt.u32 s8, $0xFFFFF086  }
0x1c: {  	p1 =	slt.u32 s9, $0xF7A;
	s5 =	simm.s32 @!p2 $0x0  }
0x1d: {  	s5 =	simm.s32 @p1 $0x1;
	p0 =	seq.s32 s7, s2  }
0x1e: {  	s7 =	smul.u32 @!p0 $0xF7A, s2;
	p2 =	seq.s32 @!p0 s5, $0x0  }
0x1f: {  	s9 =	smul.u32 $0xF7A, s1;
	s8 =	simm.s32 @!p0 $0x1BF5;
	p2 =	por !p2, p0  }
0x20: {  	[sflag:s8] =	ssyncset.s32 @!p0 $0xFFFFF086;
	s6 =	sadd.s32 @!p0 s3, s7;
	s7 =	simm.s32 @!p0 $0x108  }
0x21: {  	s3 =	sadd.s32 s3, s9;
	s6 =	sadd.s32 @!p0 $0x88, s6;
	s7 =	simm.s32 @p2 $0x1082  }
0x22: {  	[simem:s7], [sflag:s8] =	dma.local @!p0 [hbm:s6], $0xF7A  }
0x23: {  	s9 =	sor.u32 $0xD0000000, s2;
	s6 =	simm.s32 $0x108;
	_ =	swait.ge @!p0 [sflag:s8], $0x0  }
0x24: {  	s3 =	sadd.s32 $0x88, s3;
	s6 =	simm.s32 @!p1 $0x1082;
	[sflag:s4] =	ssyncset.s32 $0xFFFFF086  }
0x25: {  	[simem:s6], [sflag:s4] =	dma.local [hbm:s3], $0xF7A  }
0x26: {  	[smem:$0x3F9B] =	sst s1;
	(tag) =	ssettag s2;
	_ =	strace s9  }
0x27: {  	s1 =	sld [smem:$0x3FAB]  }
0x28: {  	s2 =	sld [smem:$0x3FAC]  }
0x29: {  	s4 =	sld [smem:$0x3FAE]  }
0x2a: {  	p0 =	seq.s32 s5, $0x0;
	s5 =	sld [smem:$0x3FAF]  }
0x2b: {  	s6 =	sld [smem:$0x3FB0]  }
0x2c: {  	s7 =	sld [smem:$0x3FB1]  }
0x2d: {  	s3 =	simm.s32 $0x108;
	s8 =	sld [smem:$0x3FB2]  }
0x2e: {  	s3 =	simm.s32 @!p0 $0x1082;
	s9 =	sld [smem:$0x3FB3]  }
0x2f: {  	lr =	sadd.s32 s0, s3;
	s0 =	sld [smem:$0x3FAA]  }
0x30: {  	s3 =	sld [smem:$0x3FAD]  }
0x31: {  	[smem:$0x3FB6] =	sst s10  }
0x32: {  	s10 =	sld [smem:$0x3FB4];
	_ =	sdelay $0x3  }
0x33: {  	p0 =	seq.s32 s10, $0x1;
	s10 =	sld [smem:$0x3FB6];
	_ =	sdelay $0x3  }
0x34: {  	[smem:$0x3FB6] =	sst s10  }
0x35: {  	s10 =	sld [smem:$0x3FB5];
	_ =	sdelay $0x3  }
0x36: {  	p1 =	seq.s32 s10, $0x1;
	s10 =	sld [smem:$0x3FB6];
	_ =	sdelay $0x3  }
0x37: {  	[smem:$0x3FB6] =	sst s10  }
0x38: {  	s10 =	sld [smem:$0x3FB7]  }
0x39: {  	_ = 	snop;
	(pc) =	sbr.ind lr, $3  }
0x3a: {  	_ = 	snop  }
0x3b: {  	_ = 	snop  }
0x3c: {  	p2 =	seq.s32 s10, $0x1;
	s10 =	sld [smem:$0x3FB6]  }
0x3d: {  	_ =	shalt  }
0x3e: {  	_ =	shalt  }
0x3f: {  	_ =	shalt  }
0x40: {  	_ =	shalt  }
0x41: {  	_ =	shalt  }
0x42: {  	_ =	shalt  }
0x43: {  	_ =	shalt  }
0x44: {  	_ =	shalt  }
0x45: {  	_ =	shalt  }
0x46: {  	_ =	shalt  }
0x47: {  	_ =	shalt  }
0x48: {  	_ =	shalt  }
0x49: {  	_ =	shalt  }
0x4a: {  	_ =	shalt  }
0x4b: {  	_ =	shalt  }
0x4c: {  	_ =	shalt  }
0x4d: {  	_ =	shalt  }
0x4e: {  	_ =	shalt  }
0x4f: {  	_ =	shalt  }
0x50: {  	_ =	shalt  }
0x51: {  	_ =	shalt  }
0x52: {  	_ =	shalt  }
0x53: {  	_ =	shalt  }
0x54: {  	_ =	shalt  }
0x55: {  	_ =	shalt  }
0x56: {  	_ =	shalt  }
0x57: {  	_ =	shalt  }
0x58: {  	_ =	shalt  }
0x59: {  	_ =	shalt  }
0x5a: {  	_ =	shalt  }
0x5b: {  	_ =	shalt  }
0x5c: {  	_ =	shalt  }
0x5d: {  	_ =	shalt  }
0x5e: {  	_ =	shalt  }
0x5f: {  	_ =	shalt  }
0x60: {  	_ =	shalt  }
0x61: {  	_ =	shalt  }
0x62: {  	_ =	shalt  }
0x63: {  	_ =	shalt  }
0x64: {  	_ =	shalt  }
0x65: {  	_ =	shalt  }
0x66: {  	_ =	shalt  }
0x67: {  	_ =	shalt  }
0x68: {  	_ =	shalt  }
0x69: {  	_ =	shalt  }
0x6a: {  	_ =	shalt  }
0x6b: {  	_ =	shalt  }
0x6c: {  	_ =	shalt  }
0x6d: {  	_ =	shalt  }
0x6e: {  	_ =	shalt  }
0x6f: {  	_ =	shalt  }
0x70: {  	_ =	shalt  }
0x71: {  	_ =	shalt  }
0x72: {  	_ =	shalt  }
0x73: {  	_ =	shalt  }
0x74: {  	_ =	shalt  }
0x75: {  	_ =	shalt  }
0x76: {  	_ =	shalt  }
0x77: {  	_ =	shalt  }
0x78: {  	_ =	shalt  }
0x79: {  	_ =	shalt  }
0x7a: {  	_ =	shalt  }
0x7b: {  	_ =	shalt  }
0x7c: {  	_ =	shalt  }
0x7d: {  	_ =	shalt  }
0x7e: {  	_ =	shalt  }
0x7f: {  	_ =	shalt  }
0x80: {  	_ =	shalt  }
0x81: {  	_ =	shalt  }
0x82: {  	_ =	shalt  }
0x83: {  	_ =	shalt  }
0x84: {  	_ =	shalt  }
0x85: {  	_ =	shalt  }
0x86: {  	_ =	shalt  }
0x87: {  	_ =	shalt  }
.Lfunc_end0:
.L_simem_size_0:
called_computation.2_lowered:
.L_overlay_start_0:
0x88: {  	s2 =	sld [smem:$0x3FD9]  }
0x89: {  	s3 =	sld [smem:$0x3FFE];
	_ =	sdelay $0x1  }
0x8a: {  	s1 =	srdreg.scid  }
0x8b: {  	s0 =	sand.u32 $0x1, s1  }
0x8c: {  	s16 =	sshll.u32 s0, $0xA;
	s2 =	sadd.s32 s3, s2  }
0x8d: {  	s2 =	sadd.s32 s2, s16  }
0x8e: {  	[smem:$0x3FC2] =	sst s2  }
0x8f: {  	_ = 	snop  }
0x90: {  	(tm) =	ssettm $0x1  }
0x91: {  	s17 =	sld [smem:$0x3FFB];
	_ =	sdelay $0x3  }
0x92: {  	_ =	strace s17  }
0x93: {  	s2 =	sld [smem:$0x3FFC];
	_ =	sdelay $0x3  }
0x94: {  	_ =	strace s2  }
0x95: {  	s2 =	sld [smem:$0x3FFD];
	_ =	sdelay $0x3  }
0x96: {  	_ =	strace s2  }
0x97: {  	_ =	strace $0x8FFFFFFF  }
0x98: {  	s18 =	sld [smem:$0x3FDB];
	_ =	sdelay $0x1  }
0x99: {  	s19 =	simm.s32 $_scs_section_size  }
0x9a: {  	s4 =	simm.s32 $_size__tile_overlayer_lowered;
	s5 =	simm.s32 $_tile_overlayer_lowered  }
0x9b: {  	s22 =	simm.s32 $0x1BFF;
	s21 =	sshll.u32 s5, $0x1;
	s2 =	sadd.s32 s19, s18  }
0x9c: {  	s6 =	simm.s32 $0x0;
	s20 =	sshll.u32 s4, $0x1;
	s4 =	sadd.s32 s21, s2  }
0x9d: {  	[timem:s6], [sflag:s22] =	dma.local [hbm:s4], s20  }
0x9e: {  	_ =	swait.ge [sflag:s22], s20  }
0x9f: {  	s3 =	ssub.s32 $0x0, s20;
	[sflag:s22] =	ssyncset.done $0x0  }
0xa0: {  	[sflag:s22] =	ssyncadd.s32 s3;
	_ =	sdelay $0x1  }
0xa1: {  	s23 =	simm.s32 $0x1B8B  }
0xa2: {  	_ =	swait.ge [sflag:s23], $0x1  }
0xa3: {  	[sflag:s23] =	ssyncset.done $0x0  }
0xa4: {  	s25 =	simm.s32 $0x1B8E;
	s24 =	sld [smem:$0x3FFE];
	[sflag:s23] =	ssyncadd.s32 $0xFFFFFFFF  }
0xa5: {  	s26 =	simm.s32 $execute0_lowered;
	[smem:$0x3FD2] =	sst s25  }
0xa6: {  	s4 =	sshll.u32 s26, $0x1;
	_ =	strace $0x8000004C;
	[dreg:$0x1] =	wrdreg $0xFFFFFFFF  }
0xa7: {  	s28 =	simm.s32 $_size_execute0_lowered;
	s2 =	sadd.s32 s2, s4;
	[dreg:$0x0] =	wrdreg $0x0  }
0xa8: {  	s4 =	sshll.u32 s28, $0x1;
	[dreg:$0x2] =	wrdreg s2  }
0xa9: {  	[dreg:$0x3] =	wrdreg s4  }
0xaa: {  	[dreg:$0x4] =	wrdreg $0xC0  }
0xab: {  	_ =	task [dreg:s6], $0x5FFFF  }
0xac: {  	[dreg:$0x1] =	wrdreg $0xFFFFFFFF  }
0xad: {  	[dreg:$0x0] =	wrdreg $0x60  }
0xae: {  	[dreg:$0x2] =	wrdreg s24  }
0xaf: {  	[dreg:$0x3] =	wrdreg $0xA8000  }
0xb0: {  	[dreg:$0x4] =	wrdreg $0x9  }
0xb1: {  	_ =	task.clear_ibuf [dreg:s6], $0x5FFFF;
	_ =	strace $0x9000004C  }
0xb2: {  	s29 =	simm.s32 $0x9;
	_ =	strace $0x8000004E  }
0xb3: {  	_ =	swait.ge [sflag:s29], $0x1  }
0xb4: {  	[sflag:s29] =	ssyncadd.s32 $0xFFFFFFFF  }
0xb5: {  	_ =	strace $0x9000004E  }
0xb6: {  	_ =	sfence  }
0xb7: {  	s30 =	sld [smem:$0x0];
	_ =	sdelay $0x2  }
0xb8: {  	s31 =	sshll.u32 s1, $0xD;
	s1 =	sshrl.u32 s1, $0x2  }
0xb9: {  	s3 =	sand.u32 $0x4000, s31;
	s1 =	sadd.s32 s1, s30  }
0xba: {  	s0 =	sor.u32 s3, s0;
	s1 =	sshll.u32 s1, $0x11  }
0xbb: {  	s0 =	sor.u32 s1, s0  }
0xbc: {  	s0 =	sadd.s32 $0x8F2B, s0  }
0xbd: {  	[sflag:s0] =	ssyncadd.remote.s32 $0x1  }
0xbe: {  	_ =	sfence.sel $0xFFFF  }
0xbf: {  	[dreg:$0x0] =	wrdreg $0xFFFFFFFF;
	(pc) =	sbr.abs _section_cstart, $3  }
0xc0: {  	[dreg:$0x1] =	wrdreg $0xFFFFFFFF  }
0xc1: {  	_ =	task.clear_ibuf [dreg:s6], $0x2FFFF;
	_ =	strace $0x9FFFFFFF  }
0xc2: {  	(tm) =	ssettm $0x7FFFFFFF  }
0xc3: {  	_ =	shalt  }
tec
execute0_lowered:
.L_overlay_start_1:
0x0: {  	(tag) =	ssettag $0x1  }
0x1: {  	s0 =	rddreg [dreg:$0x0]  }
0x2: {  	s1 =	rddreg [dreg:$0x1];
	s4 =	simm.s32 $0x0  }
0x3: {  	s2 =	stileid.u32;
	s3 =	srdreg.scid;
	s29 =	simm.s32 $0x9  }
0x4: {  	s18 =	simm.s32 $0x40;
	s19 =	simm.s32 $0x2800;
	s28 =	simm.s32 $0x2  }
0x5: {  	s30 =	simm.s32 $0x5;
	s13 =	simm.s32 $0x8;
	s16 =	simm.s32 $0x1300  }
0x6: {  	s14 =	simm.s32 $0x2600;
	s15 =	simm.s32 $0x2680;
	s20 =	simm.s32 $0x2700  }
0x7: {  	s31 =	simm.s32 $0x0;
	[smem:$0x7FF] =	sst s4;
	s6 =	smul.u32 $0x13800, s2  }
0x8: {  	s7 =	sand.u32 $0x1, s3;
	s3 =	sadd.s32 $0x51A00, s0;
	s4 =	sadd.s32 $0x2400, s0  }
0x9: {  	s5 =	sadd.s32 $0x16400, s0;
	s10 =	smul.u32 $0x4E000, s2;
	s22 =	sshll.u32 s2, $0x6  }
0xa: {  	p0 =	sne.s32 s2, $0x0;
	_ =	strace $0x8000004D;
	s8 =	smul.u32 $0x138800, s7  }
0xb: {  	s21 =	ssub.s32 $0x2, s7;
	s7 =	sshll.u32 s7, $0x4;
	s17 =	sor.u32 $0x1C09, s22  }
0xc: {  	s22 =	simm.s32 $0x2780;
	s9 =	sshrl.u32 s6, $0x3;
	s11 =	sshrl.u32 s21, $0x1  }
0xd: {  	s7 =	sor.u32 s2, s7;
	s10 =	sshrl.u32 s10, $0x2;
	[dreg:$0x4] =	wrdreg s17  }
0xe: {  	s9 =	sadd.s32 s9, s0;
	s6 =	sadd.s32 s6, s8;
	s8 =	ssub.s32 s21, s11  }
0xf: {  	s10 =	sadd.s32 s10, s1;
	s12 =	smul.u32 $0xA00, s7;
	s11 =	sadd.s32 $0x138800, s1  }
0x10: {  	s21 =	simm.s32 $0x4800;
	s6 =	sshrl.u32 s6, $0x3;
	s9 =	sadd.s32 $0x2A400, s9  }
0x11: {  	s26 =	smax.u32 s8, $0x1;
	s8 =	simm.s32 $0x280;
	[dreg:$0x3] =	wrdreg s9  }
0x12: {  	s6 =	sadd.s32 s6, s0;
	s0 =	sadd.s32 $0x51500, s0;
	[dreg:$0x9] =	wrdreg s26  }
0x13: {  	s9 =	smul.u32 $0xA0, s7;
	s23 =	sadd.s32 s4, s12;
	[dreg:$0x5] =	wrdreg s0  }
0x14: {  	s24 =	sadd.s32 s5, s12;
	s26 =	simm.s32 $0x8800;
	[dreg:$0x6] =	wrdreg s23  }
0x15: {  	s12 =	simm.s32 $0x7;
	s7 =	simm.s32 $0x1380;
	[dreg:$0x7] =	wrdreg s24  }
0x16: {  	s25 =	sadd.s32 $0x78C00, s6;
	s0 =	sshrl.u32 @!p0 s11, $0x3;
	s23 =	simm.s32 $0x6800  }
0x17: {  	s24 =	simm.s32 $0x1;
	s6 =	simm.s32 $0x6;
	[dreg:$0x8] =	wrdreg s25  }
0x18: {  	s11 =	simm.s32 $0x1580;
	s25 =	sshrl.u32 s10, $0x3;
	[dreg:$0xb] =	wrdreg s0  }
0x19: {  	s0 =	simm.s32 $0x3;
	s10 =	simm.s32 $0x4;
	[dreg:$0xa] =	wrdreg s25  }
.LBB2_1:
0x1a: {  	[dreg:$0xc] =	wrdreg s31  }
0x1b: {  	s2 =	rddreg [dreg:$0x3]  }
0x1c: {  	[spmem:s25], [sflag:s17] =	dma.local [hbm:s2], $0x2800  }
0x1d: {  	_ =	swait.ge [sflag:s29], $0x2800  }
0x1e: {  	[sflag:s29] =	ssyncset.done $0x0;
	s2 =	rddreg [dreg:$0x5]  }
0x1f: {  	s25 =	rddreg [dreg:$0xb];
	[sflag:s29] =	ssyncadd.s32 $0xFFFFD800  }
0x20: {  	[spmem:s25], [sflag:s17] =	dma.local @!p0 [hbm:s2], $0x400  }
0x21: {  	s17 =	simm.s32 @!p0 $0x9  }
0x22: {  	_ =	swait.ge @!p0 [sflag:s17], $0x400  }
0x23: {  	[sflag:s17] =	ssyncset.done @!p0 $0x0  }
0x24: {  	s2 =	simm.s32 $0x0;
	s31 =	rddreg [dreg:$0x6];
	[sflag:s17] =	ssyncadd.s32 @!p0 $0xFFFFFC00  }
0x25: {  	[tilespmem:s2], [sflag:$0x9] =	stream.linear.gather [hbm4b:s31+s2], $0x1400, $0x38;
	[tilespmem:$0x1E280] =	vst v63  }
0x26: {  	_ =	swait.ge [sflag:s29], $0x1400  }
0x27: {  	[sflag:s29] =	ssyncset.done $0x0  }
0x28: {  	s31 =	simm.s32 $0x1400;
	s25 =	rddreg [dreg:$0x7];
	[sflag:s29] =	ssyncadd.s32 $0xFFFFEC00  }
0x29: {  	[tilespmem:s31], [sflag:$0x9] =	stream.linear.gather [hbm4b:s25+s2], $0x1400, $0x38;
	[tilespmem:$0x1E280] =	vst v63  }
0x2a: {  	_ =	swait.ge [sflag:s29], $0x1400  }
0x2b: {  	[sflag:s29] =	ssyncset.done $0x0  }
0x2c: {  	[sflag:s29] =	ssyncadd.s32 $0xFFFFEC00  }
0x2d: {  	s25 =	simm.s32 $0x0;
	[bflag:$0x0] =	sbarrier.arrive $0xFFFF  }
.LBB2_2:
0x2e: {  	p1 =	seq.s32 s25, $0x0  }
0x2f: {  	s17 =	smul.u32 @!p1 $0x28, s25;
	_ =	sdelay $0x1  }
0x30: {  	s17 =	sadd.s32 @!p1 s9, s17  }
0x31: {  	s17 =	sshll.u32 @!p1 s17, $0x4  }
0x32: {  	s31 =	simm.s32 @!p1 $0x0;
	s29 =	sadd.s32 @!p1 s4, s17  }
0x33: {  	[tilespmem:s31], [sflag:$0x9] =	stream.linear.gather @!p1 [hbm4b:s29+s31], $0x1400, $0x38;
	[tilespmem:$0x1E280] =	vst v63  }
0x34: {  	s29 =	simm.s32 @!p1 $0x9  }
0x35: {  	_ =	swait.ge @!p1 [sflag:s29], $0x1400  }
0x36: {  	[sflag:s29] =	ssyncset.done @!p1 $0x0  }
0x37: {  	s2 =	simm.s32 @!p1 $0x1400;
	s17 =	sadd.s32 @!p1 s5, s17;
	[sflag:s29] =	ssyncadd.s32 @!p1 $0xFFFFEC00  }
0x38: {  	[tilespmem:s2], [sflag:$0x9] =	stream.linear.gather @!p1 [hbm4b:s17+s31], $0x1400, $0x38;
	[tilespmem:$0x1E280] =	vst v63  }
0x39: {  	_ =	swait.ge @!p1 [sflag:s29], $0x1400  }
0x3a: {  	[sflag:s29] =	ssyncset.done @!p1 $0x0  }
0x3b: {  	s31 =	simm.s32 $0x0;
	[sflag:s29] =	ssyncadd.s32 @!p1 $0xFFFFEC00  }
0x3c: {  	[tilespmem:s19], [sflag:$0x1] =	stream.indirect.gather [hbm4b:s3+s18], $0x80, s31, s18, $0xb8;
	[tilespmem:$0x1E280] =	vst v63  }
0x3d: {  	s17 =	simm.s32 $0x80  }
0x3e: {  	[tilespmem:s21], [sflag:$0x2] =	stream.indirect.gather [hbm4b:s3+s18], $0x80, s17, s18, $0xb8;
	[tilespmem:$0x1E280] =	vst v63  }
0x3f: {  	s31 =	simm.s32 $0x100  }
0x40: {  	[tilespmem:s23], [sflag:$0x3] =	stream.indirect.gather [hbm4b:s3+s18], $0x80, s31, s18, $0xb8;
	[tilespmem:$0x1E280] =	vst v63  }
0x41: {  	_ =	swait.ge [sflag:s24], $0x2000  }
0x42: {  	[sflag:s24] =	ssyncset.done $0x0  }
0x43: {  	s17 =	simm.s32 $0x1400;
	[sflag:s24] =	ssyncadd.s32 $0xFFFFE000  }
0x44: {  	[spmem:s1] =	stream.indirect.scatter.add.f32 [tilespmem:s19], [sflag:$0x5], $0x80, s17, s18, $0xb8;
	[tilespmem:$0x1E280] =	vst v63  }
0x45: {  	s31 =	simm.s32 $0x180  }
0x46: {  	[tilespmem:s26], [sflag:$0x4] =	stream.indirect.gather [hbm4b:s3+s18], $0x80, s31, s18, $0xb8;
	[tilespmem:$0x1E280] =	vst v63  }
0x47: {  	_ =	swait.ge [sflag:s28], $0x2000  }
0x48: {  	[sflag:s28] =	ssyncset.done $0x0  }
0x49: {  	s17 =	simm.s32 $0x1480;
	[sflag:s28] =	ssyncadd.s32 $0xFFFFE000  }
0x4a: {  	[spmem:s1] =	stream.indirect.scatter.add.f32 [tilespmem:s21], [sflag:$0x6], $0x80, s17, s18, $0xb8;
	[tilespmem:$0x1E280] =	vst v63  }
0x4b: {  	_ =	swait.ge [sflag:s30], $0x2000  }
0x4c: {  	[sflag:s30] =	ssyncset.done $0x0  }
0x4d: {  	s31 =	simm.s32 $0x200;
	[sflag:s30] =	ssyncadd.s32 $0xFFFFE000  }
0x4e: {  	[tilespmem:s19], [sflag:$0x1] =	stream.indirect.gather [hbm4b:s3+s18], $0x80, s31, s18, $0xb8;
	[tilespmem:$0x1E280] =	vst v63  }
0x4f: {  	_ =	swait.ge [sflag:s0], $0x2000  }
0x50: {  	[sflag:s0] =	ssyncset.done $0x0  }
0x51: {  	s17 =	simm.s32 $0x1500;
	[sflag:s0] =	ssyncadd.s32 $0xFFFFE000  }
0x52: {  	[spmem:s1] =	stream.indirect.scatter.add.f32 [tilespmem:s23], [sflag:$0x7], $0x80, s17, s18, $0xb8;
	[tilespmem:$0x1E280] =	vst v63  }
0x53: {  	_ =	swait.ge [sflag:s6], $0x2000  }
0x54: {  	[sflag:s6] =	ssyncset.done $0x0  }
0x55: {  	[sflag:s6] =	ssyncadd.s32 $0xFFFFE000  }
0x56: {  	[tilespmem:s21], [sflag:$0x2] =	stream.indirect.gather [hbm4b:s3+s18], $0x80, s8, s18, $0xb8;
	[tilespmem:$0x1E280] =	vst v63  }
0x57: {  	_ =	swait.ge [sflag:s10], $0x2000  }
0x58: {  	[sflag:s10] =	ssyncset.done $0x0  }
0x59: {  	[sflag:s10] =	ssyncadd.s32 $0xFFFFE000  }
0x5a: {  	[spmem:s1] =	stream.indirect.scatter.add.f32 [tilespmem:s26], [sflag:$0x8], $0x80, s11, s18, $0xb8;
	[tilespmem:$0x1E280] =	vst v63  }
0x5b: {  	_ =	swait.ge [sflag:s12], $0x2000  }
0x5c: {  	[sflag:s12] =	ssyncset.done $0x0  }
0x5d: {  	s31 =	simm.s32 $0x300;
	[sflag:s12] =	ssyncadd.s32 $0xFFFFE000  }
0x5e: {  	[tilespmem:s23], [sflag:$0x3] =	stream.indirect.gather [hbm4b:s3+s18], $0x80, s31, s18, $0xb8;
	[tilespmem:$0x1E280] =	vst v63  }
0x5f: {  	_ =	swait.ge [sflag:s24], $0x2000  }
0x60: {  	[sflag:s24] =	ssyncset.done $0x0  }
0x61: {  	s17 =	simm.s32 $0x1600;
	[sflag:s24] =	ssyncadd.s32 $0xFFFFE000  }
0x62: {  	[spmem:s1] =	stream.indirect.scatter.add.f32 [tilespmem:s19], [sflag:$0x5], $0x80, s17, s18, $0xb8;
	[tilespmem:$0x1E280] =	vst v63  }
0x63: {  	_ =	swait.ge [sflag:s13], $0x2000  }
0x64: {  	[sflag:s13] =	ssyncset.done $0x0  }
0x65: {  	s31 =	simm.s32 $0x380;
	[sflag:s13] =	ssyncadd.s32 $0xFFFFE000  }
0x66: {  	[tilespmem:s26], [sflag:$0x4] =	stream.indirect.gather [hbm4b:s3+s18], $0x80, s31, s18, $0xb8;
	[tilespmem:$0x1E280] =	vst v63  }
0x67: {  	_ =	swait.ge [sflag:s28], $0x2000  }
0x68: {  	[sflag:s28] =	ssyncset.done $0x0  }
0x69: {  	s17 =	simm.s32 $0x1680;
	[sflag:s28] =	ssyncadd.s32 $0xFFFFE000  }
0x6a: {  	[spmem:s1] =	stream.indirect.scatter.add.f32 [tilespmem:s21], [sflag:$0x6], $0x80, s17, s18, $0xb8;
	[tilespmem:$0x1E280] =	vst v63  }
0x6b: {  	_ =	swait.ge [sflag:s30], $0x2000  }
0x6c: {  	[sflag:s30] =	ssyncset.done $0x0  }
0x6d: {  	s31 =	simm.s32 $0x400;
	[sflag:s30] =	ssyncadd.s32 $0xFFFFE000  }
0x6e: {  	[tilespmem:s19], [sflag:$0x1] =	stream.indirect.gather [hbm4b:s3+s18], $0x80, s31, s18, $0xb8;
	[tilespmem:$0x1E280] =	vst v63  }
0x6f: {  	_ =	swait.ge [sflag:s0], $0x2000  }
0x70: {  	[sflag:s0] =	ssyncset.done $0x0  }
0x71: {  	s17 =	simm.s32 $0x1700;
	[sflag:s0] =	ssyncadd.s32 $0xFFFFE000  }
0x72: {  	[spmem:s1] =	stream.indirect.scatter.add.f32 [tilespmem:s23], [sflag:$0x7], $0x80, s17, s18, $0xb8;
	[tilespmem:$0x1E280] =	vst v63  }
0x73: {  	_ =	swait.ge [sflag:s6], $0x2000  }
0x74: {  	[sflag:s6] =	ssyncset.done $0x0  }
0x75: {  	s31 =	simm.s32 $0x480;
	[sflag:s6] =	ssyncadd.s32 $0xFFFFE000  }
0x76: {  	[tilespmem:s21], [sflag:$0x2] =	stream.indirect.gather [hbm4b:s3+s18], $0x80, s31, s18, $0xb8;
	[tilespmem:$0x1E280] =	vst v63  }
0x77: {  	_ =	swait.ge [sflag:s10], $0x2000  }
0x78: {  	[sflag:s10] =	ssyncset.done $0x0  }
0x79: {  	s29 =	simm.s32 $0x1780;
	s17 =	simm.s32 $0x800;
	[sflag:s10] =	ssyncadd.s32 $0xFFFFE000  }
.LBB2_3:
0x7a: {  	[spmem:s1] =	stream.indirect.scatter.add.f32 [tilespmem:s26], [sflag:$0x8], $0x80, s29, s18, $0xb8;
	[tilespmem:$0x1E280] =	vst v63  }
0x7b: {  	s2 =	smov.u32 s17  }
0x7c: {  	p1 =	sne.s32 s17, $0x3800;
	s17 =	sadd.s32 $0x800, s17;
	_ =	swait.ge [sflag:s12], $0x2000  }
0x7d: {  	s29 =	sshra.s32 s2, $0x2;
	[sflag:s12] =	ssyncset.done $0x0  }
0x7e: {  	s2 =	sadd.s32 $0x300, s29;
	[sflag:s12] =	ssyncadd.s32 $0xFFFFE000  }
0x7f: {  	[tilespmem:s23], [sflag:$0x3] =	stream.indirect.gather [hbm4b:s3+s18], $0x80, s2, s18, $0xb8;
	[tilespmem:$0x1E280] =	vst v63  }
0x80: {  	_ =	swait.ge [sflag:s24], $0x2000  }
0x81: {  	[sflag:s24] =	ssyncset.done $0x0  }
0x82: {  	s2 =	sadd.s32 $0x1600, s29;
	[sflag:s24] =	ssyncadd.s32 $0xFFFFE000  }
0x83: {  	[spmem:s1] =	stream.indirect.scatter.add.f32 [tilespmem:s19], [sflag:$0x5], $0x80, s2, s18, $0xb8;
	[tilespmem:$0x1E280] =	vst v63  }
0x84: {  	_ =	swait.ge [sflag:s13], $0x2000  }
0x85: {  	[sflag:s13] =	ssyncset.done $0x0  }
0x86: {  	s2 =	sadd.s32 $0x380, s29;
	[sflag:s13] =	ssyncadd.s32 $0xFFFFE000  }
0x87: {  	[tilespmem:s26], [sflag:$0x4] =	stream.indirect.gather [hbm4b:s3+s18], $0x80, s2, s18, $0xb8;
	[tilespmem:$0x1E280] =	vst v63  }
0x88: {  	_ =	swait.ge [sflag:s28], $0x2000  }
0x89: {  	[sflag:s28] =	ssyncset.done $0x0  }
0x8a: {  	s2 =	sadd.s32 $0x1680, s29;
	[sflag:s28] =	ssyncadd.s32 $0xFFFFE000  }
0x8b: {  	[spmem:s1] =	stream.indirect.scatter.add.f32 [tilespmem:s21], [sflag:$0x6], $0x80, s2, s18, $0xb8;
	[tilespmem:$0x1E280] =	vst v63  }
0x8c: {  	_ =	swait.ge [sflag:s30], $0x2000  }
0x8d: {  	[sflag:s30] =	ssyncset.done $0x0  }
0x8e: {  	s2 =	sadd.s32 $0x400, s29;
	[sflag:s30] =	ssyncadd.s32 $0xFFFFE000  }
0x8f: {  	[tilespmem:s19], [sflag:$0x1] =	stream.indirect.gather [hbm4b:s3+s18], $0x80, s2, s18, $0xb8;
	[tilespmem:$0x1E280] =	vst v63  }
0x90: {  	_ =	swait.ge [sflag:s0], $0x2000  }
0x91: {  	[sflag:s0] =	ssyncset.done $0x0  }
0x92: {  	s2 =	sadd.s32 $0x1700, s29;
	[sflag:s0] =	ssyncadd.s32 $0xFFFFE000  }
0x93: {  	[spmem:s1] =	stream.indirect.scatter.add.f32 [tilespmem:s23], [sflag:$0x7], $0x80, s2, s18, $0xb8;
	[tilespmem:$0x1E280] =	vst v63  }
0x94: {  	_ =	swait.ge [sflag:s6], $0x2000  }
0x95: {  	[sflag:s6] =	ssyncset.done $0x0  }
.Ltmp0:
0x96: {  	s2 =	sadd.s32 $0x480, s29;
	[sflag:s6] =	ssyncadd.s32 $0xFFFFE000;
	(pc) =	sbr.rel @p1 .LBB2_3-.Ltmp0, $4  }
0x97: {  	[tilespmem:s21], [sflag:$0x2] =	stream.indirect.gather [hbm4b:s3+s18], $0x80, s2, s18, $0xb8;
	[tilespmem:$0x1E280] =	vst v63  }
0x98: {  	_ =	swait.ge [sflag:s10], $0x2000  }
0x99: {  	[sflag:s10] =	ssyncset.done $0x0  }
0x9a: {  	s29 =	sadd.s32 $0x1780, s29;
	[sflag:s10] =	ssyncadd.s32 $0xFFFFE000  }
0x9b: {  	[spmem:s1] =	stream.indirect.scatter.add.f32 [tilespmem:s26], [sflag:$0x8], $0x80, s29, s18, $0xb8;
	[tilespmem:$0x1E280] =	vst v63  }
0x9c: {  	_ =	swait.ge [sflag:s12], $0x2000  }
0x9d: {  	[sflag:s12] =	ssyncset.done $0x0  }
0x9e: {  	[sflag:s12] =	ssyncadd.s32 $0xFFFFE000  }
0x9f: {  	[tilespmem:s23], [sflag:$0x3] =	stream.indirect.gather [hbm4b:s3+s18], $0x80, s16, s18, $0xb8;
	[tilespmem:$0x1E280] =	vst v63  }
0xa0: {  	_ =	swait.ge [sflag:s24], $0x2000  }
0xa1: {  	[sflag:s24] =	ssyncset.done $0x0  }
0xa2: {  	[sflag:s24] =	ssyncadd.s32 $0xFFFFE000  }
0xa3: {  	[spmem:s1] =	stream.indirect.scatter.add.f32 [tilespmem:s19], [sflag:$0x5], $0x80, s14, s18, $0xb8;
	[tilespmem:$0x1E280] =	vst v63  }
0xa4: {  	_ =	swait.ge [sflag:s13], $0x2000  }
0xa5: {  	[sflag:s13] =	ssyncset.done $0x0  }
0xa6: {  	[sflag:s13] =	ssyncadd.s32 $0xFFFFE000  }
0xa7: {  	[tilespmem:s26], [sflag:$0x4] =	stream.indirect.gather [hbm4b:s3+s18], $0x80, s7, s18, $0xb8;
	[tilespmem:$0x1E280] =	vst v63  }
0xa8: {  	_ =	swait.ge [sflag:s28], $0x2000  }
0xa9: {  	[sflag:s28] =	ssyncset.done $0x0  }
0xaa: {  	[sflag:s28] =	ssyncadd.s32 $0xFFFFE000  }
0xab: {  	[spmem:s1] =	stream.indirect.scatter.add.f32 [tilespmem:s21], [sflag:$0x6], $0x80, s15, s18, $0xb8;
	[tilespmem:$0x1E280] =	vst v63  }
0xac: {  	_ =	swait.ge [sflag:s0], $0x2000  }
0xad: {  	[sflag:s0] =	ssyncset.done $0x0  }
0xae: {  	[sflag:s0] =	ssyncadd.s32 $0xFFFFE000  }
0xaf: {  	[spmem:s1] =	stream.indirect.scatter.add.f32 [tilespmem:s23], [sflag:$0x7], $0x80, s20, s18, $0xb8;
	[tilespmem:$0x1E280] =	vst v63  }
0xb0: {  	_ =	swait.ge [sflag:s10], $0x2000  }
0xb1: {  	[sflag:s10] =	ssyncset.done $0x0  }
0xb2: {  	[sflag:s10] =	ssyncadd.s32 $0xFFFFE000  }
0xb3: {  	[spmem:s1] =	stream.indirect.scatter.add.f32 [tilespmem:s26], [sflag:$0x8], $0x80, s22, s18, $0xb8;
	[tilespmem:$0x1E280] =	vst v63  }
0xb4: {  	_ =	swait.ge [sflag:s30], $0x2000  }
0xb5: {  	[sflag:s30] =	ssyncset.done $0x0  }
0xb6: {  	[sflag:s30] =	ssyncadd.s32 $0xFFFFE000  }
0xb7: {  	_ =	swait.ge [sflag:s6], $0x2000  }
0xb8: {  	[sflag:s6] =	ssyncset.done $0x0  }
0xb9: {  	s25 =	sadd.s32 $0x1, s25;
	[sflag:s6] =	ssyncadd.s32 $0xFFFFE000  }
0xba: {  	p1 =	sne.s32 s25, $0x4;
	_ =	swait.ge [sflag:s12], $0x2000  }
.Ltmp1:
0xbb: {  	[sflag:s12] =	ssyncset.done $0x0;
	(pc) =	sbr.rel @p1 .LBB2_2-.Ltmp1, $4  }
0xbc: {  	[sflag:s12] =	ssyncadd.s32 $0xFFFFE000  }
0xbd: {  	_ =	swait.ge [sflag:s13], $0x2000  }
0xbe: {  	[sflag:s13] =	ssyncset.done $0x0  }
0xbf: {  	[sflag:s13] =	ssyncadd.s32 $0xFFFFE000  }
0xc0: {  	[bflag:$0x0] =	sbarrier.arrive $0xFFFF  }
0xc1: {  	s17 =	rddreg [dreg:$0x4]  }
0xc2: {  	s2 =	rddreg [dreg:$0x8]  }
0xc3: {  	s29 =	simm.s32 $0x9;
	s25 =	rddreg [dreg:$0xa]  }
0xc4: {  	[hbm:s2], [sflag:s17] =	dma.local [spmem:s25], $0x2800  }
0xc5: {  	_ =	swait.ge [sflag:s29], $0x2800  }
0xc6: {  	s31 =	rddreg [dreg:$0xc]  }
0xc7: {  	s2 =	rddreg [dreg:$0x9];
	s31 =	sadd.s32 $0x1, s31  }
0xc8: {  	p1 =	sne.s32 s31, s2  }
.Ltmp2:
0xc9: {  	_ = 	snop;
	(pc) =	sbr.rel @p1 .LBB2_1-.Ltmp2, $3  }
0xca: {  	_ =	sdelay $0x1  }
0xcb: {  	[sflag:s29] =	ssyncset.done $0x0  }
0xcc: {  	[sflag:s29] =	ssyncadd.s32 $0xFFFFD800  }
0xcd: {  	_ =	sfence.sel $0x180000  }
0xce: {  	[bflag:$0x0] =	sbarrier.arrive $0xFFFF  }
0xcf: {  	_ =	strace $0x9000004D  }
0xd0: {  	[bflag:$0x2] =	sbarrier.arrive $0xFFFF  }
0xd1: {  	s0 =	rddreg [dreg:$0x2]  }
0xd2: {  	s0 =	sadd.s32 @!p0 $0x100000, s0  }
0xd3: {  	[sflag:s0] =	ssyncadd.tile.s32 @!p0 $0x1;
	_ =	shalt  }
.Lfunc_end2:
_tile_overlayer_lowered:
.L_overlay_start_2:
0xd4: {  	(tag) =	ssettag $0x2  }
0xd5: {  	s0 =	rddreg [dreg:$0x0];
	s2 =	stileid.u32  }
0xd6: {  	s1 =	rddreg [dreg:$0x1];
	p0 =	sne.s32 s2, $0x0  }
0xd7: {  	s3 =	rddreg [dreg:$0x2];
	[bflag:$0x3] =	sbarrier.arrive $0xFFFF;
	s2 =	simm.s32 @!p0 $0x1C09  }
0xd8: {  	[timem:s3], [sflag:s2] =	dma.local @!p0 [hbm:s0], s1  }
0xd9: {  	s0 =	simm.s32 @!p0 $0x9  }
0xda: {  	_ =	swait.ge @!p0 [sflag:s0], s1  }
0xdb: {  	s1 =	ssub.s32 @!p0 $0x0, s1;
	[sflag:s0] =	ssyncset.done @!p0 $0x0  }
0xdc: {  	[sflag:s0] =	ssyncadd.s32 @!p0 s1  }
0xdd: {  	[bflag:$0x3] =	sbarrier.arrive $0xFFFF  }
0xde: {  	_ =	shalt  }

</sc_bundles>
